<compile_context>
chip_gen: v7x
topology: tpu7x:2x2x1
jax: 0.10.2.dev20260603
libtpu: 0.0.44.dev20260713+nightly
codegen_flags: <defaults>
</compile_context>

<pallas_src>
import functools

import jax
import jax.numpy as jnp
from jax import lax
from jax.experimental import pallas as pl
from jax.experimental.pallas import tpu as pltpu
from jax.experimental.pallas import tpu_sc as plsc

LVL = 4
NF = 768
HID = 512
VQ = 256
CB = 8192
B = 8192
BT = 1024
NB = B // BT


def _make_enc_body(lvl, want_h):
    def body(x_ref, w1_ref, b1_ref, w2_ref, b2_ref, cb_ref, *out_refs):
        if want_h:
            idx_ref, h_ref, cnorm_ref = out_refs
        else:
            idx_ref, cnorm_ref = out_refs
        bt = pl.program_id(0)
        C = cb_ref[...]

        @pl.when(bt == 0)
        def _():
            C2 = C * C
            cnorm_ref[...] = lax.dot_general(
                jnp.ones((8, VQ), jnp.float32), C2,
                (((1,), (1,)), ((), ())),
                preferred_element_type=jnp.float32)

        xi = x_ref[...]
        h1 = jnp.maximum(
            jnp.dot(xi, w1_ref[...], preferred_element_type=jnp.float32)
            + b1_ref[...], 0.0)
        h = (jnp.dot(h1, w2_ref[...], preferred_element_type=jnp.float32)
             + b2_ref[...])
        if want_h:
            h_ref[...] = h

        s = lax.dot_general(h, C, (((1,), (1,)), ((), ())),
                            preferred_element_type=jnp.float32)
        s = s - 0.5 * cnorm_ref[0:1]
        idx = jnp.argmax(s, axis=1).astype(jnp.int32)
        idx_ref[...] = (idx + lvl * CB).reshape(1, BT)

    return body


def _enc_argmin_level(lvl, x, w1, b1, w2, b2, cb_l):
    want_h = lvl == LVL - 1
    out_specs = [pl.BlockSpec((1, BT), lambda b: (0, b))]
    out_shape = [jax.ShapeDtypeStruct((1, B), jnp.int32)]
    if want_h:
        out_specs.append(pl.BlockSpec((BT, VQ), lambda b: (b, 0)))
        out_shape.append(jax.ShapeDtypeStruct((B, VQ), jnp.float32))
    return pl.pallas_call(
        _make_enc_body(lvl, want_h),
        grid=(NB,),
        in_specs=[
            pl.BlockSpec((BT, NF), lambda b: (b, lvl)),
            pl.BlockSpec((NF, HID), lambda b: (0, 0)),
            pl.BlockSpec((1, HID), lambda b: (0, 0)),
            pl.BlockSpec((HID, VQ), lambda b: (0, 0)),
            pl.BlockSpec((1, VQ), lambda b: (0, 0)),
            pl.BlockSpec((CB, VQ), lambda b: (0, 0)),
        ],
        out_specs=out_specs,
        out_shape=out_shape,
        scratch_shapes=[pltpu.VMEM((8, CB), jnp.float32)],
    )(x, w1, b1, w2, b2, cb_l)


_SC_CH = 256


def _make_sc_gather():
    info = plsc.get_sparse_core_info()
    nc, ns = info.num_cores, info.num_subcores
    nw = nc * ns
    b_per_w = B // nw
    n_ch = b_per_w // _SC_CH
    depth = min(3, n_ch)
    mesh = plsc.VectorSubcoreMesh(core_axis_name="c", subcore_axis_name="s")

    @functools.partial(
        pl.kernel,
        mesh=mesh,
        out_type=jax.ShapeDtypeStruct((B, VQ), jnp.float32),
        scratch_types=[
            pltpu.VMEM((b_per_w,), jnp.int32),
            pltpu.VMEM((depth, _SC_CH, VQ), jnp.float32),
            pltpu.SemaphoreType.DMA,
            pltpu.SemaphoreType.DMA,
            pltpu.SemaphoreType.DMA,
            pltpu.SemaphoreType.DMA,
            pltpu.SemaphoreType.DMA,
            pltpu.SemaphoreType.DMA,
        ],
    )
    def sc_gather(table_hbm, idx_hbm, out_hbm, idx_v, bufs,
                  g0, g1, g2, o0, o1, o2):
        wid = lax.axis_index("s") * nc + lax.axis_index("c")
        base = wid * b_per_w
        gsems = (g0, g1, g2)
        osems = (o0, o1, o2)
        pltpu.sync_copy(idx_hbm.at[pl.ds(base, b_per_w)], idx_v)
        gcp = [None] * depth
        outcp = [None] * depth
        for c in range(n_ch):
            sel = c % depth
            if outcp[sel] is not None:
                outcp[sel].wait()
            gcp[sel] = pltpu.async_copy(
                table_hbm.at[idx_v.at[pl.ds(c * _SC_CH, _SC_CH)]],
                bufs.at[sel], gsems[sel])
            if c >= 1:
                prev = (c - 1) % depth
                gcp[prev].wait()
                outcp[prev] = pltpu.async_copy(
                    bufs.at[prev],
                    out_hbm.at[pl.ds(base + (c - 1) * _SC_CH, _SC_CH)],
                    osems[prev])
        last = (n_ch - 1) % depth
        gcp[last].wait()
        outcp[last] = pltpu.async_copy(
            bufs.at[last], out_hbm.at[pl.ds(base + (n_ch - 1) * _SC_CH, _SC_CH)],
            osems[last])
        for cp in outcp:
            if cp is not None:
                cp.wait()

    return sc_gather


_sc_gather_cache = []


def _sc_gather(table, idx):
    if not _sc_gather_cache:
        _sc_gather_cache.append(_make_sc_gather())
    return _sc_gather_cache[0](table, idx)


def _make_dec_body(lvl, want_com):
    def body(*refs):
        if want_com:
            (q_ref, h_ref, x_ref, w1_ref, b1_ref, w2_ref, b2_ref,
             msein_ref, comin_ref, mseout_ref, comout_ref) = refs
        else:
            (q_ref, x_ref, w1_ref, b1_ref, w2_ref, b2_ref,
             msein_ref, comin_ref, mseout_ref, comout_ref) = refs
        bt = pl.program_id(0)

        @pl.when(bt == 0)
        def _():
            mseout_ref[...] = msein_ref[...]
            comout_ref[...] = comin_ref[...]

        q = q_ref[...].astype(jnp.float32)
        d1 = jnp.maximum(
            jnp.dot(q, w1_ref[...], preferred_element_type=jnp.float32)
            + b1_ref[...], 0.0)
        xh = (jnp.dot(d1, w2_ref[...], preferred_element_type=jnp.float32)
              + b2_ref[...])
        diff = xh - x_ref[...]
        mseout_ref[...] += jnp.sum(diff * diff) * (1.0 / (B * NF * LVL))

        if want_com:
            dq = q - h_ref[...]
            comout_ref[...] += jnp.sum(dq * dq) * (1.0 / (B * VQ * LVL))

    return body


def _dec_loss_level(lvl, q, h, x, w1, b1, w2, b2, mse_in, com_in):
    want_com = lvl == LVL - 1
    in_specs = [pl.BlockSpec((BT, VQ), lambda b: (b, 0))]
    args = [q]
    if want_com:
        in_specs.append(pl.BlockSpec((BT, VQ), lambda b: (b, 0)))
        args.append(h)
    in_specs += [
        pl.BlockSpec((BT, NF), lambda b: (b, lvl)),
        pl.BlockSpec((VQ, HID), lambda b: (0, 0)),
        pl.BlockSpec((1, HID), lambda b: (0, 0)),
        pl.BlockSpec((HID, NF), lambda b: (0, 0)),
        pl.BlockSpec((1, NF), lambda b: (0, 0)),
        pl.BlockSpec((1, 1), lambda b: (0, 0)),
        pl.BlockSpec((1, 1), lambda b: (0, 0)),
    ]
    args += [x, w1, b1, w2, b2, mse_in, com_in]
    return pl.pallas_call(
        _make_dec_body(lvl, want_com),
        grid=(NB,),
        in_specs=in_specs,
        out_specs=[
            pl.BlockSpec((1, 1), lambda b: (0, 0)),
            pl.BlockSpec((1, 1), lambda b: (0, 0)),
        ],
        out_shape=[
            jax.ShapeDtypeStruct((1, 1), jnp.float32),
            jax.ShapeDtypeStruct((1, 1), jnp.float32),
        ],
    )(*args)


def kernel(x, enc_w1, enc_b1, enc_w2, enc_b2, dec_w1, dec_b1, dec_w2, dec_b2,
           codebook):
    table = codebook.reshape(LVL * CB, VQ)
    mse = jnp.zeros((1, 1), jnp.float32)
    com = jnp.zeros((1, 1), jnp.float32)

    idxs, hs = [], []
    for l in range(LVL):
        outs = _enc_argmin_level(
            l, x, enc_w1[l], enc_b1[l].reshape(1, HID),
            enc_w2[l], enc_b2[l].reshape(1, VQ), codebook[l])
        idxs.append(outs[0])
        hs.append(outs[1] if len(outs) > 1 else None)

    qs = [_sc_gather(table, idxs[l].reshape(B)) for l in range(LVL)]

    for l in range(LVL):
        mse, com = _dec_loss_level(
            l, qs[l], hs[l], x, dec_w1[l], dec_b1[l].reshape(1, HID),
            dec_w2[l], dec_b2[l].reshape(1, NF), mse, com)
    return (mse.reshape(()), com.reshape(()))

# --- scband reference (transcript-rebuilt; emitter-appended) ---
"""Pipeline reference for scband-quantizer-78314433675272 (READ-ONLY COPY).

The authoritative reference and input builder live on the scoring server;
editing this copy changes nothing except your own understanding.
"""

import jax, jax.numpy as jnp
import numpy as np

LEVELS = 4
NUM_FEATURES = 768
HIDDEN = 512
VQ_DIM = 256
CODEBOOK_SIZE = 8192
COMMIT_W = 1.0
BATCH = 8192


def setup_inputs(seed: int = 0) -> dict:
    key = jax.random.key(seed)
    ks = jax.random.split(key, 11)

    def lin(k, fan_in, shape):
        s = 1.0 / np.sqrt(fan_in)
        return jax.random.uniform(k, shape, minval=-s, maxval=s, dtype=jnp.float32)

    x = jax.random.normal(ks[0], (BATCH, LEVELS * NUM_FEATURES), dtype=jnp.float32)
    enc_w1 = lin(ks[1], NUM_FEATURES, (LEVELS, NUM_FEATURES, HIDDEN))
    enc_b1 = lin(ks[2], NUM_FEATURES, (LEVELS, HIDDEN))
    enc_w2 = lin(ks[3], HIDDEN, (LEVELS, HIDDEN, VQ_DIM))
    enc_b2 = lin(ks[4], HIDDEN, (LEVELS, VQ_DIM))
    dec_w1 = lin(ks[5], VQ_DIM, (LEVELS, VQ_DIM, HIDDEN))
    dec_b1 = lin(ks[6], VQ_DIM, (LEVELS, HIDDEN))
    dec_w2 = lin(ks[7], HIDDEN, (LEVELS, HIDDEN, NUM_FEATURES))
    dec_b2 = lin(ks[8], HIDDEN, (LEVELS, NUM_FEATURES))
    codebook = jax.random.normal(ks[9], (LEVELS, CODEBOOK_SIZE, VQ_DIM), dtype=jnp.float32)
    return {"x": x, "enc_w1": enc_w1, "enc_b1": enc_b1, "enc_w2": enc_w2, "enc_b2": enc_b2,
            "dec_w1": dec_w1, "dec_b1": dec_b1, "dec_w2": dec_w2, "dec_b2": dec_b2,
            "codebook": codebook}


def reference(x, enc_w1, enc_b1, enc_w2, enc_b2, dec_w1, dec_b1, dec_w2, dec_b2, codebook):
    xr = x.reshape(-1, LEVELS, NUM_FEATURES)
    total_mse = jnp.float32(0.0)
    commit_loss = jnp.float32(0.0)
    for i in range(LEVELS):
        xi = xr[:, i, :]
        # encoder: Dropout(p=0.0) -> Linear -> ReLU -> Linear
        h = jnp.maximum(xi @ enc_w1[i] + enc_b1[i], 0.0) @ enc_w2[i] + enc_b2[i]
        # VectorQuantize: nearest-codebook lookup, straight-through, commitment loss
        C = codebook[i]
        d = jnp.sum(h * h, axis=1, keepdims=True) - 2.0 * (h @ C.T) + jnp.sum(C * C, axis=1)
        idx = jnp.argmin(d, axis=1)
        q = jnp.take(C, idx, axis=0)
        commit_loss = COMMIT_W * jnp.mean((jax.lax.stop_gradient(q) - h) ** 2)
        q_st = h + jax.lax.stop_gradient(q - h)
        # decoder: Dropout(p=0.0) -> Linear -> ReLU -> Linear
        x_hat = jnp.maximum(q_st @ dec_w1[i] + dec_b1[i], 0.0) @ dec_w2[i] + dec_b2[i]
        total_mse = total_mse + jnp.mean((x_hat - xi) ** 2)
    # faithful to original: returns LAST level's commit_loss / levels (original bug kept)
    return (total_mse / LEVELS, commit_loss / LEVELS)

if __name__ == "__main__":
    import jax
    _d = setup_inputs()
    print(jax.jit(kernel)(*tuple(_d.values())))

</pallas_src>

<mosaic_0001>
#map = affine_map<(d0, d1) -> (0, 0)>
#map1 = affine_map<(d0, d1) -> (0)>
module attributes {stable_mosaic.version = 14 : i64} {
  func.func @sc_gather(%arg0: i32, %arg1: i32, %arg2: memref<32768x256xf32, #tpu.memory_space<hbm>>, %arg3: memref<8192xi32, #tpu.memory_space<hbm>>, %arg4: memref<8192x256xf32, #tpu.memory_space<hbm>>, %arg5: memref<256xi32, #tpu.memory_space<vmem>>, %arg6: memref<1x256x256xf32, #tpu.memory_space<vmem>>, %arg7: memref<!tpu.dma_semaphore, #tpu.memory_space<semaphore_mem>>, %arg8: memref<!tpu.dma_semaphore, #tpu.memory_space<semaphore_mem>>, %arg9: memref<!tpu.dma_semaphore, #tpu.memory_space<semaphore_mem>>, %arg10: memref<!tpu.dma_semaphore, #tpu.memory_space<semaphore_mem>>, %arg11: memref<!tpu.dma_semaphore, #tpu.memory_space<semaphore_mem>>, %arg12: memref<!tpu.dma_semaphore, #tpu.memory_space<semaphore_mem>>) attributes {dimension_semantics = [#tpu.dimension_semantics<core_parallel>, #tpu.dimension_semantics<subcore_parallel>], iteration_bounds = array<i64: 2, 16>, scalar_prefetch = 0 : i64, scratch_operands = 8 : i64, tpu.core_type = #tpu.core_type<sc_vector_subcore>, window_params = [{transform_indices = #map}, {transform_indices = #map1}, {transform_indices = #map}]} {
    %mul3A = arith.constant 2 : i32
    %mul3A_0 = arith.muli %arg1, %mul3A : i32
    %add3A = arith.addi %mul3A_0, %arg0 : i32
    %mul3A_1 = arith.constant 256 : i32
    %mul3A_2 = arith.muli %add3A, %mul3A_1 : i32
    "tpu.region"() ({
      %run_scoped3A = tpu.sem_alloc : memref<!tpu.dma_semaphore, #tpu.memory_space<semaphore_mem>>
      %dma_start3A_49 = tpu.memref_slice %arg3[%mul3A_2] : memref<8192xi32, #tpu.memory_space<hbm>> -> memref<256xi32, #tpu.memory_space<hbm>>
      %dma_start3A_50 = tpu.memref_slice %arg3[%mul3A_2] : memref<8192xi32, #tpu.memory_space<hbm>> -> memref<256xi32, #tpu.memory_space<hbm>>
      tpu.enqueue_dma source(%dma_start3A_50 : memref<256xi32, #tpu.memory_space<hbm>>) target(%arg5 : memref<256xi32, #tpu.memory_space<vmem>>) target_semaphore(%run_scoped3A : memref<!tpu.dma_semaphore, #tpu.memory_space<semaphore_mem>>)
      %dma_wait3A_51 = tpu.memref_slice %arg3[%mul3A_2] : memref<8192xi32, #tpu.memory_space<hbm>> -> memref<256xi32, #tpu.memory_space<hbm>>
      %dma_wait3A_52 = tpu.memref_slice %arg3[%mul3A_2] : memref<8192xi32, #tpu.memory_space<hbm>> -> memref<256xi32, #tpu.memory_space<hbm>>
      tpu.wait_dma2 semaphore(%run_scoped3A : memref<!tpu.dma_semaphore, #tpu.memory_space<semaphore_mem>>) src(%dma_wait3A_52 : memref<256xi32, #tpu.memory_space<hbm>>) dst(%arg5 : memref<256xi32, #tpu.memory_space<vmem>>)
      tpu.yield
    }) : () -> ()
    %dma_start3A = arith.constant 0 : i32
    %dma_start3A_3 = arith.constant 0 : i32
    %dma_start3A_4 = arith.constant 0 : i32
    %dma_start3A_5 = tpu.memref_slice %arg6[%dma_start3A, %dma_start3A_3, %dma_start3A_4] : memref<1x256x256xf32, #tpu.memory_space<vmem>> -> memref<1x256x256xf32, #tpu.memory_space<vmem>>
    %dma_start3A_6 = tpu.memref_squeeze %dma_start3A_5 : memref<1x256x256xf32, #tpu.memory_space<vmem>> -> memref<256x256xf32, #tpu.memory_space<vmem>>
    %dma_start3A_7 = arith.constant 0 : i32
    %dma_start3A_8 = tpu.memref_slice %arg5[%dma_start3A_7] : memref<256xi32, #tpu.memory_space<vmem>> -> memref<256xi32, #tpu.memory_space<vmem>>
    %dma_start3A_9 = arith.constant 0 : i32
    %dma_start3A_10 = arith.constant 0 : i32
    %dma_start3A_11 = tpu.memref_slice %arg2[%dma_start3A_9, %dma_start3A_10] : memref<32768x256xf32, #tpu.memory_space<hbm>> -> memref<32768x256xf32, #tpu.memory_space<hbm>>
    tpu.enqueue_indirect_dma source(%dma_start3A_11 : memref<32768x256xf32, #tpu.memory_space<hbm>>) target(%dma_start3A_6 : memref<256x256xf32, #tpu.memory_space<vmem>>) offsets(%dma_start3A_8 : memref<256xi32, #tpu.memory_space<vmem>>) semaphore(%arg7 : memref<!tpu.dma_semaphore, #tpu.memory_space<semaphore_mem>>)
    %dma_wait3A = arith.constant 0 : i32
    %dma_wait3A_12 = arith.constant 0 : i32
    %dma_wait3A_13 = arith.constant 0 : i32
    %dma_wait3A_14 = tpu.memref_slice %arg6[%dma_wait3A, %dma_wait3A_12, %dma_wait3A_13] : memref<1x256x256xf32, #tpu.memory_space<vmem>> -> memref<1x256x256xf32, #tpu.memory_space<vmem>>
    %dma_wait3A_15 = tpu.memref_squeeze %dma_wait3A_14 : memref<1x256x256xf32, #tpu.memory_space<vmem>> -> memref<256x256xf32, #tpu.memory_space<vmem>>
    %dma_wait3A_16 = arith.constant 0 : i32
    %dma_wait3A_17 = tpu.memref_slice %arg5[%dma_wait3A_16] : memref<256xi32, #tpu.memory_space<vmem>> -> memref<256xi32, #tpu.memory_space<vmem>>
    %dma_wait3A_18 = arith.constant 0 : i32
    %dma_wait3A_19 = arith.constant 0 : i32
    %dma_wait3A_20 = tpu.memref_slice %arg2[%dma_wait3A_18, %dma_wait3A_19] : memref<32768x256xf32, #tpu.memory_space<hbm>> -> memref<32768x256xf32, #tpu.memory_space<hbm>>
    tpu.wait_indirect_dma semaphore(%arg7 : memref<!tpu.dma_semaphore, #tpu.memory_space<semaphore_mem>>) src(%dma_wait3A_20 : memref<32768x256xf32, #tpu.memory_space<hbm>>) dst(%dma_wait3A_15 : memref<256x256xf32, #tpu.memory_space<vmem>>)
    %add3A_21 = arith.constant 0 : i32
    %add3A_22 = arith.addi %mul3A_2, %add3A_21 : i32
    %dma_start3A_23 = arith.constant 0 : i32
    %dma_start3A_24 = arith.constant 0 : i32
    %dma_start3A_25 = arith.constant 0 : i32
    %dma_start3A_26 = tpu.memref_slice %arg6[%dma_start3A_23, %dma_start3A_24, %dma_start3A_25] : memref<1x256x256xf32, #tpu.memory_space<vmem>> -> memref<1x256x256xf32, #tpu.memory_space<vmem>>
    %dma_start3A_27 = tpu.memref_squeeze %dma_start3A_26 : memref<1x256x256xf32, #tpu.memory_space<vmem>> -> memref<256x256xf32, #tpu.memory_space<vmem>>
    %dma_start3A_28 = arith.constant 0 : i32
    %dma_start3A_29 = tpu.memref_slice %arg4[%add3A_22, %dma_start3A_28] : memref<8192x256xf32, #tpu.memory_space<hbm>> -> memref<256x256xf32, #tpu.memory_space<hbm>>
    %dma_start3A_30 = arith.constant 0 : i32
    %dma_start3A_31 = tpu.memref_slice %arg4[%add3A_22, %dma_start3A_30] : memref<8192x256xf32, #tpu.memory_space<hbm>> -> memref<256x256xf32, #tpu.memory_space<hbm>>
    %dma_start3A_32 = arith.constant 0 : i32
    %dma_start3A_33 = arith.constant 0 : i32
    %dma_start3A_34 = tpu.memref_slice %arg6[%dma_start3A_23, %dma_start3A_32, %dma_start3A_33] : memref<1x256x256xf32, #tpu.memory_space<vmem>> -> memref<1x256x256xf32, #tpu.memory_space<vmem>>
    %dma_start3A_35 = tpu.memref_squeeze %dma_start3A_34 : memref<1x256x256xf32, #tpu.memory_space<vmem>> -> memref<256x256xf32, #tpu.memory_space<vmem>>
    tpu.enqueue_dma source(%dma_start3A_35 : memref<256x256xf32, #tpu.memory_space<vmem>>) target(%dma_start3A_31 : memref<256x256xf32, #tpu.memory_space<hbm>>) target_semaphore(%arg10 : memref<!tpu.dma_semaphore, #tpu.memory_space<semaphore_mem>>)
    %dma_wait3A_36 = arith.constant 0 : i32
    %dma_wait3A_37 = arith.constant 0 : i32
    %dma_wait3A_38 = arith.constant 0 : i32
    %dma_wait3A_39 = tpu.memref_slice %arg6[%dma_wait3A_36, %dma_wait3A_37, %dma_wait3A_38] : memref<1x256x256xf32, #tpu.memory_space<vmem>> -> memref<1x256x256xf32, #tpu.memory_space<vmem>>
    %dma_wait3A_40 = tpu.memref_squeeze %dma_wait3A_39 : memref<1x256x256xf32, #tpu.memory_space<vmem>> -> memref<256x256xf32, #tpu.memory_space<vmem>>
    %dma_wait3A_41 = arith.constant 0 : i32
    %dma_wait3A_42 = tpu.memref_slice %arg4[%add3A_22, %dma_wait3A_41] : memref<8192x256xf32, #tpu.memory_space<hbm>> -> memref<256x256xf32, #tpu.memory_space<hbm>>
    %dma_wait3A_43 = arith.constant 0 : i32
    %dma_wait3A_44 = tpu.memref_slice %arg4[%add3A_22, %dma_wait3A_43] : memref<8192x256xf32, #tpu.memory_space<hbm>> -> memref<256x256xf32, #tpu.memory_space<hbm>>
    %dma_wait3A_45 = arith.constant 0 : i32
    %dma_wait3A_46 = arith.constant 0 : i32
    %dma_wait3A_47 = tpu.memref_slice %arg6[%dma_wait3A_36, %dma_wait3A_45, %dma_wait3A_46] : memref<1x256x256xf32, #tpu.memory_space<vmem>> -> memref<1x256x256xf32, #tpu.memory_space<vmem>>
    %dma_wait3A_48 = tpu.memref_squeeze %dma_wait3A_47 : memref<1x256x256xf32, #tpu.memory_space<vmem>> -> memref<256x256xf32, #tpu.memory_space<vmem>>
    tpu.wait_dma2 semaphore(%arg10 : memref<!tpu.dma_semaphore, #tpu.memory_space<semaphore_mem>>) src(%dma_wait3A_48 : memref<256x256xf32, #tpu.memory_space<vmem>>) dst(%dma_wait3A_44 : memref<256x256xf32, #tpu.memory_space<hbm>>)
    return
  }
}

#map = affine_map<(d0, d1) -> (0, 0)>
#map1 = affine_map<(d0, d1) -> (0)>
module attributes {stable_mosaic.version = 14 : i64} {
  func.func @sc_gather(%arg0: i32, %arg1: i32, %arg2: memref<32768x256xf32, #tpu.memory_space<hbm>>, %arg3: memref<8192xi32, #tpu.memory_space<hbm>>, %arg4: memref<8192x256xf32, #tpu.memory_space<hbm>>, %arg5: memref<256xi32, #tpu.memory_space<vmem>>, %arg6: memref<1x256x256xf32, #tpu.memory_space<vmem>>, %arg7: memref<!tpu.dma_semaphore, #tpu.memory_space<semaphore_mem>>, %arg8: memref<!tpu.dma_semaphore, #tpu.memory_space<semaphore_mem>>, %arg9: memref<!tpu.dma_semaphore, #tpu.memory_space<semaphore_mem>>, %arg10: memref<!tpu.dma_semaphore, #tpu.memory_space<semaphore_mem>>, %arg11: memref<!tpu.dma_semaphore, #tpu.memory_space<semaphore_mem>>, %arg12: memref<!tpu.dma_semaphore, #tpu.memory_space<semaphore_mem>>) attributes {dimension_semantics = [#tpu.dimension_semantics<core_parallel>, #tpu.dimension_semantics<subcore_parallel>], iteration_bounds = array<i64: 2, 16>, scalar_prefetch = 0 : i64, scratch_operands = 8 : i64, tpu.core_type = #tpu.core_type<sc_vector_subcore>, window_params = [{transform_indices = #map}, {transform_indices = #map1}, {transform_indices = #map}]} {
    %mul3A = arith.constant 2 : i32
    %mul3A_0 = arith.muli %arg1, %mul3A : i32
    %add3A = arith.addi %mul3A_0, %arg0 : i32
    %mul3A_1 = arith.constant 256 : i32
    %mul3A_2 = arith.muli %add3A, %mul3A_1 : i32
    "tpu.region"() ({
      %run_scoped3A = tpu.sem_alloc : memref<!tpu.dma_semaphore, #tpu.memory_space<semaphore_mem>>
      %dma_start3A_49 = tpu.memref_slice %arg3[%mul3A_2] : memref<8192xi32, #tpu.memory_space<hbm>> -> memref<256xi32, #tpu.memory_space<hbm>>
      %dma_start3A_50 = tpu.memref_slice %arg3[%mul3A_2] : memref<8192xi32, #tpu.memory_space<hbm>> -> memref<256xi32, #tpu.memory_space<hbm>>
      tpu.enqueue_dma source(%dma_start3A_50 : memref<256xi32, #tpu.memory_space<hbm>>) target(%arg5 : memref<256xi32, #tpu.memory_space<vmem>>) target_semaphore(%run_scoped3A : memref<!tpu.dma_semaphore, #tpu.memory_space<semaphore_mem>>)
      %dma_wait3A_51 = tpu.memref_slice %arg3[%mul3A_2] : memref<8192xi32, #tpu.memory_space<hbm>> -> memref<256xi32, #tpu.memory_space<hbm>>
      %dma_wait3A_52 = tpu.memref_slice %arg3[%mul3A_2] : memref<8192xi32, #tpu.memory_space<hbm>> -> memref<256xi32, #tpu.memory_space<hbm>>
      tpu.wait_dma2 semaphore(%run_scoped3A : memref<!tpu.dma_semaphore, #tpu.memory_space<semaphore_mem>>) src(%dma_wait3A_52 : memref<256xi32, #tpu.memory_space<hbm>>) dst(%arg5 : memref<256xi32, #tpu.memory_space<vmem>>)
      tpu.yield
    }) : () -> ()
    %dma_start3A = arith.constant 0 : i32
    %dma_start3A_3 = arith.constant 0 : i32
    %dma_start3A_4 = arith.constant 0 : i32
    %dma_start3A_5 = tpu.memref_slice %arg6[%dma_start3A, %dma_start3A_3, %dma_start3A_4] : memref<1x256x256xf32, #tpu.memory_space<vmem>> -> memref<1x256x256xf32, #tpu.memory_space<vmem>>
    %dma_start3A_6 = tpu.memref_squeeze %dma_start3A_5 : memref<1x256x256xf32, #tpu.memory_space<vmem>> -> memref<256x256xf32, #tpu.memory_space<vmem>>
    %dma_start3A_7 = arith.constant 0 : i32
    %dma_start3A_8 = tpu.memref_slice %arg5[%dma_start3A_7] : memref<256xi32, #tpu.memory_space<vmem>> -> memref<256xi32, #tpu.memory_space<vmem>>
    %dma_start3A_9 = arith.constant 0 : i32
    %dma_start3A_10 = arith.constant 0 : i32
    %dma_start3A_11 = tpu.memref_slice %arg2[%dma_start3A_9, %dma_start3A_10] : memref<32768x256xf32, #tpu.memory_space<hbm>> -> memref<32768x256xf32, #tpu.memory_space<hbm>>
    tpu.enqueue_indirect_dma source(%dma_start3A_11 : memref<32768x256xf32, #tpu.memory_space<hbm>>) target(%dma_start3A_6 : memref<256x256xf32, #tpu.memory_space<vmem>>) offsets(%dma_start3A_8 : memref<256xi32, #tpu.memory_space<vmem>>) semaphore(%arg7 : memref<!tpu.dma_semaphore, #tpu.memory_space<semaphore_mem>>)
    %dma_wait3A = arith.constant 0 : i32
    %dma_wait3A_12 = arith.constant 0 : i32
    %dma_wait3A_13 = arith.constant 0 : i32
    %dma_wait3A_14 = tpu.memref_slice %arg6[%dma_wait3A, %dma_wait3A_12, %dma_wait3A_13] : memref<1x256x256xf32, #tpu.memory_space<vmem>> -> memref<1x256x256xf32, #tpu.memory_space<vmem>>
    %dma_wait3A_15 = tpu.memref_squeeze %dma_wait3A_14 : memref<1x256x256xf32, #tpu.memory_space<vmem>> -> memref<256x256xf32, #tpu.memory_space<vmem>>
    %dma_wait3A_16 = arith.constant 0 : i32
    %dma_wait3A_17 = tpu.memref_slice %arg5[%dma_wait3A_16] : memref<256xi32, #tpu.memory_space<vmem>> -> memref<256xi32, #tpu.memory_space<vmem>>
    %dma_wait3A_18 = arith.constant 0 : i32
    %dma_wait3A_19 = arith.constant 0 : i32
    %dma_wait3A_20 = tpu.memref_slice %arg2[%dma_wait3A_18, %dma_wait3A_19] : memref<32768x256xf32, #tpu.memory_space<hbm>> -> memref<32768x256xf32, #tpu.memory_space<hbm>>
    tpu.wait_indirect_dma semaphore(%arg7 : memref<!tpu.dma_semaphore, #tpu.memory_space<semaphore_mem>>) src(%dma_wait3A_20 : memref<32768x256xf32, #tpu.memory_space<hbm>>) dst(%dma_wait3A_15 : memref<256x256xf32, #tpu.memory_space<vmem>>)
    %add3A_21 = arith.constant 0 : i32
    %add3A_22 = arith.addi %mul3A_2, %add3A_21 : i32
    %dma_start3A_23 = arith.constant 0 : i32
    %dma_start3A_24 = arith.constant 0 : i32
    %dma_start3A_25 = arith.constant 0 : i32
    %dma_start3A_26 = tpu.memref_slice %arg6[%dma_start3A_23, %dma_start3A_24, %dma_start3A_25] : memref<1x256x256xf32, #tpu.memory_space<vmem>> -> memref<1x256x256xf32, #tpu.memory_space<vmem>>
    %dma_start3A_27 = tpu.memref_squeeze %dma_start3A_26 : memref<1x256x256xf32, #tpu.memory_space<vmem>> -> memref<256x256xf32, #tpu.memory_space<vmem>>
    %dma_start3A_28 = arith.constant 0 : i32
    %dma_start3A_29 = tpu.memref_slice %arg4[%add3A_22, %dma_start3A_28] : memref<8192x256xf32, #tpu.memory_space<hbm>> -> memref<256x256xf32, #tpu.memory_space<hbm>>
    %dma_start3A_30 = arith.constant 0 : i32
    %dma_start3A_31 = tpu.memref_slice %arg4[%add3A_22, %dma_start3A_30] : memref<8192x256xf32, #tpu.memory_space<hbm>> -> memref<256x256xf32, #tpu.memory_space<hbm>>
    %dma_start3A_32 = arith.constant 0 : i32
    %dma_start3A_33 = arith.constant 0 : i32
    %dma_start3A_34 = tpu.memref_slice %arg6[%dma_start3A_23, %dma_start3A_32, %dma_start3A_33] : memref<1x256x256xf32, #tpu.memory_space<vmem>> -> memref<1x256x256xf32, #tpu.memory_space<vmem>>
    %dma_start3A_35 = tpu.memref_squeeze %dma_start3A_34 : memref<1x256x256xf32, #tpu.memory_space<vmem>> -> memref<256x256xf32, #tpu.memory_space<vmem>>
    tpu.enqueue_dma source(%dma_start3A_35 : memref<256x256xf32, #tpu.memory_space<vmem>>) target(%dma_start3A_31 : memref<256x256xf32, #tpu.memory_space<hbm>>) target_semaphore(%arg10 : memref<!tpu.dma_semaphore, #tpu.memory_space<semaphore_mem>>)
    %dma_wait3A_36 = arith.constant 0 : i32
    %dma_wait3A_37 = arith.constant 0 : i32
    %dma_wait3A_38 = arith.constant 0 : i32
    %dma_wait3A_39 = tpu.memref_slice %arg6[%dma_wait3A_36, %dma_wait3A_37, %dma_wait3A_38] : memref<1x256x256xf32, #tpu.memory_space<vmem>> -> memref<1x256x256xf32, #tpu.memory_space<vmem>>
    %dma_wait3A_40 = tpu.memref_squeeze %dma_wait3A_39 : memref<1x256x256xf32, #tpu.memory_space<vmem>> -> memref<256x256xf32, #tpu.memory_space<vmem>>
    %dma_wait3A_41 = arith.constant 0 : i32
    %dma_wait3A_42 = tpu.memref_slice %arg4[%add3A_22, %dma_wait3A_41] : memref<8192x256xf32, #tpu.memory_space<hbm>> -> memref<256x256xf32, #tpu.memory_space<hbm>>
    %dma_wait3A_43 = arith.constant 0 : i32
    %dma_wait3A_44 = tpu.memref_slice %arg4[%add3A_22, %dma_wait3A_43] : memref<8192x256xf32, #tpu.memory_space<hbm>> -> memref<256x256xf32, #tpu.memory_space<hbm>>
    %dma_wait3A_45 = arith.constant 0 : i32
    %dma_wait3A_46 = arith.constant 0 : i32
    %dma_wait3A_47 = tpu.memref_slice %arg6[%dma_wait3A_36, %dma_wait3A_45, %dma_wait3A_46] : memref<1x256x256xf32, #tpu.memory_space<vmem>> -> memref<1x256x256xf32, #tpu.memory_space<vmem>>
    %dma_wait3A_48 = tpu.memref_squeeze %dma_wait3A_47 : memref<1x256x256xf32, #tpu.memory_space<vmem>> -> memref<256x256xf32, #tpu.memory_space<vmem>>
    tpu.wait_dma2 semaphore(%arg10 : memref<!tpu.dma_semaphore, #tpu.memory_space<semaphore_mem>>) src(%dma_wait3A_48 : memref<256x256xf32, #tpu.memory_space<vmem>>) dst(%dma_wait3A_44 : memref<256x256xf32, #tpu.memory_space<hbm>>)
    return
  }
}

#map = affine_map<(d0, d1) -> (0, 0)>
#map1 = affine_map<(d0, d1) -> (0)>
module attributes {stable_mosaic.version = 14 : i64} {
  func.func @sc_gather(%arg0: i32, %arg1: i32, %arg2: memref<32768x256xf32, #tpu.memory_space<hbm>>, %arg3: memref<8192xi32, #tpu.memory_space<hbm>>, %arg4: memref<8192x256xf32, #tpu.memory_space<hbm>>, %arg5: memref<256xi32, #tpu.memory_space<vmem>>, %arg6: memref<1x256x256xf32, #tpu.memory_space<vmem>>, %arg7: memref<!tpu.dma_semaphore, #tpu.memory_space<semaphore_mem>>, %arg8: memref<!tpu.dma_semaphore, #tpu.memory_space<semaphore_mem>>, %arg9: memref<!tpu.dma_semaphore, #tpu.memory_space<semaphore_mem>>, %arg10: memref<!tpu.dma_semaphore, #tpu.memory_space<semaphore_mem>>, %arg11: memref<!tpu.dma_semaphore, #tpu.memory_space<semaphore_mem>>, %arg12: memref<!tpu.dma_semaphore, #tpu.memory_space<semaphore_mem>>) attributes {dimension_semantics = [#tpu.dimension_semantics<core_parallel>, #tpu.dimension_semantics<subcore_parallel>], iteration_bounds = array<i64: 2, 16>, scalar_prefetch = 0 : i64, scratch_operands = 8 : i64, tpu.core_type = #tpu.core_type<sc_vector_subcore>, window_params = [{transform_indices = #map}, {transform_indices = #map1}, {transform_indices = #map}]} {
    %mul3A = arith.constant 2 : i32
    %mul3A_0 = arith.muli %arg1, %mul3A : i32
    %add3A = arith.addi %mul3A_0, %arg0 : i32
    %mul3A_1 = arith.constant 256 : i32
    %mul3A_2 = arith.muli %add3A, %mul3A_1 : i32
    "tpu.region"() ({
      %run_scoped3A = tpu.sem_alloc : memref<!tpu.dma_semaphore, #tpu.memory_space<semaphore_mem>>
      %dma_start3A_49 = tpu.memref_slice %arg3[%mul3A_2] : memref<8192xi32, #tpu.memory_space<hbm>> -> memref<256xi32, #tpu.memory_space<hbm>>
      %dma_start3A_50 = tpu.memref_slice %arg3[%mul3A_2] : memref<8192xi32, #tpu.memory_space<hbm>> -> memref<256xi32, #tpu.memory_space<hbm>>
      tpu.enqueue_dma source(%dma_start3A_50 : memref<256xi32, #tpu.memory_space<hbm>>) target(%arg5 : memref<256xi32, #tpu.memory_space<vmem>>) target_semaphore(%run_scoped3A : memref<!tpu.dma_semaphore, #tpu.memory_space<semaphore_mem>>)
      %dma_wait3A_51 = tpu.memref_slice %arg3[%mul3A_2] : memref<8192xi32, #tpu.memory_space<hbm>> -> memref<256xi32, #tpu.memory_space<hbm>>
      %dma_wait3A_52 = tpu.memref_slice %arg3[%mul3A_2] : memref<8192xi32, #tpu.memory_space<hbm>> -> memref<256xi32, #tpu.memory_space<hbm>>
      tpu.wait_dma2 semaphore(%run_scoped3A : memref<!tpu.dma_semaphore, #tpu.memory_space<semaphore_mem>>) src(%dma_wait3A_52 : memref<256xi32, #tpu.memory_space<hbm>>) dst(%arg5 : memref<256xi32, #tpu.memory_space<vmem>>)
      tpu.yield
    }) : () -> ()
    %dma_start3A = arith.constant 0 : i32
    %dma_start3A_3 = arith.constant 0 : i32
    %dma_start3A_4 = arith.constant 0 : i32
    %dma_start3A_5 = tpu.memref_slice %arg6[%dma_start3A, %dma_start3A_3, %dma_start3A_4] : memref<1x256x256xf32, #tpu.memory_space<vmem>> -> memref<1x256x256xf32, #tpu.memory_space<vmem>>
    %dma_start3A_6 = tpu.memref_squeeze %dma_start3A_5 : memref<1x256x256xf32, #tpu.memory_space<vmem>> -> memref<256x256xf32, #tpu.memory_space<vmem>>
    %dma_start3A_7 = arith.constant 0 : i32
    %dma_start3A_8 = tpu.memref_slice %arg5[%dma_start3A_7] : memref<256xi32, #tpu.memory_space<vmem>> -> memref<256xi32, #tpu.memory_space<vmem>>
    %dma_start3A_9 = arith.constant 0 : i32
    %dma_start3A_10 = arith.constant 0 : i32
    %dma_start3A_11 = tpu.memref_slice %arg2[%dma_start3A_9, %dma_start3A_10] : memref<32768x256xf32, #tpu.memory_space<hbm>> -> memref<32768x256xf32, #tpu.memory_space<hbm>>
    tpu.enqueue_indirect_dma source(%dma_start3A_11 : memref<32768x256xf32, #tpu.memory_space<hbm>>) target(%dma_start3A_6 : memref<256x256xf32, #tpu.memory_space<vmem>>) offsets(%dma_start3A_8 : memref<256xi32, #tpu.memory_space<vmem>>) semaphore(%arg7 : memref<!tpu.dma_semaphore, #tpu.memory_space<semaphore_mem>>)
    %dma_wait3A = arith.constant 0 : i32
    %dma_wait3A_12 = arith.constant 0 : i32
    %dma_wait3A_13 = arith.constant 0 : i32
    %dma_wait3A_14 = tpu.memref_slice %arg6[%dma_wait3A, %dma_wait3A_12, %dma_wait3A_13] : memref<1x256x256xf32, #tpu.memory_space<vmem>> -> memref<1x256x256xf32, #tpu.memory_space<vmem>>
    %dma_wait3A_15 = tpu.memref_squeeze %dma_wait3A_14 : memref<1x256x256xf32, #tpu.memory_space<vmem>> -> memref<256x256xf32, #tpu.memory_space<vmem>>
    %dma_wait3A_16 = arith.constant 0 : i32
    %dma_wait3A_17 = tpu.memref_slice %arg5[%dma_wait3A_16] : memref<256xi32, #tpu.memory_space<vmem>> -> memref<256xi32, #tpu.memory_space<vmem>>
    %dma_wait3A_18 = arith.constant 0 : i32
    %dma_wait3A_19 = arith.constant 0 : i32
    %dma_wait3A_20 = tpu.memref_slice %arg2[%dma_wait3A_18, %dma_wait3A_19] : memref<32768x256xf32, #tpu.memory_space<hbm>> -> memref<32768x256xf32, #tpu.memory_space<hbm>>
    tpu.wait_indirect_dma semaphore(%arg7 : memref<!tpu.dma_semaphore, #tpu.memory_space<semaphore_mem>>) src(%dma_wait3A_20 : memref<32768x256xf32, #tpu.memory_space<hbm>>) dst(%dma_wait3A_15 : memref<256x256xf32, #tpu.memory_space<vmem>>)
    %add3A_21 = arith.constant 0 : i32
    %add3A_22 = arith.addi %mul3A_2, %add3A_21 : i32
    %dma_start3A_23 = arith.constant 0 : i32
    %dma_start3A_24 = arith.constant 0 : i32
    %dma_start3A_25 = arith.constant 0 : i32
    %dma_start3A_26 = tpu.memref_slice %arg6[%dma_start3A_23, %dma_start3A_24, %dma_start3A_25] : memref<1x256x256xf32, #tpu.memory_space<vmem>> -> memref<1x256x256xf32, #tpu.memory_space<vmem>>
    %dma_start3A_27 = tpu.memref_squeeze %dma_start3A_26 : memref<1x256x256xf32, #tpu.memory_space<vmem>> -> memref<256x256xf32, #tpu.memory_space<vmem>>
    %dma_start3A_28 = arith.constant 0 : i32
    %dma_start3A_29 = tpu.memref_slice %arg4[%add3A_22, %dma_start3A_28] : memref<8192x256xf32, #tpu.memory_space<hbm>> -> memref<256x256xf32, #tpu.memory_space<hbm>>
    %dma_start3A_30 = arith.constant 0 : i32
    %dma_start3A_31 = tpu.memref_slice %arg4[%add3A_22, %dma_start3A_30] : memref<8192x256xf32, #tpu.memory_space<hbm>> -> memref<256x256xf32, #tpu.memory_space<hbm>>
    %dma_start3A_32 = arith.constant 0 : i32
    %dma_start3A_33 = arith.constant 0 : i32
    %dma_start3A_34 = tpu.memref_slice %arg6[%dma_start3A_23, %dma_start3A_32, %dma_start3A_33] : memref<1x256x256xf32, #tpu.memory_space<vmem>> -> memref<1x256x256xf32, #tpu.memory_space<vmem>>
    %dma_start3A_35 = tpu.memref_squeeze %dma_start3A_34 : memref<1x256x256xf32, #tpu.memory_space<vmem>> -> memref<256x256xf32, #tpu.memory_space<vmem>>
    tpu.enqueue_dma source(%dma_start3A_35 : memref<256x256xf32, #tpu.memory_space<vmem>>) target(%dma_start3A_31 : memref<256x256xf32, #tpu.memory_space<hbm>>) target_semaphore(%arg10 : memref<!tpu.dma_semaphore, #tpu.memory_space<semaphore_mem>>)
    %dma_wait3A_36 = arith.constant 0 : i32
    %dma_wait3A_37 = arith.constant 0 : i32
    %dma_wait3A_38 = arith.constant 0 : i32
    %dma_wait3A_39 = tpu.memref_slice %arg6[%dma_wait3A_36, %dma_wait3A_37, %dma_wait3A_38] : memref<1x256x256xf32, #tpu.memory_space<vmem>> -> memref<1x256x256xf32, #tpu.memory_space<vmem>>
    %dma_wait3A_40 = tpu.memref_squeeze %dma_wait3A_39 : memref<1x256x256xf32, #tpu.memory_space<vmem>> -> memref<256x256xf32, #tpu.memory_space<vmem>>
    %dma_wait3A_41 = arith.constant 0 : i32
    %dma_wait3A_42 = tpu.memref_slice %arg4[%add3A_22, %dma_wait3A_41] : memref<8192x256xf32, #tpu.memory_space<hbm>> -> memref<256x256xf32, #tpu.memory_space<hbm>>
    %dma_wait3A_43 = arith.constant 0 : i32
    %dma_wait3A_44 = tpu.memref_slice %arg4[%add3A_22, %dma_wait3A_43] : memref<8192x256xf32, #tpu.memory_space<hbm>> -> memref<256x256xf32, #tpu.memory_space<hbm>>
    %dma_wait3A_45 = arith.constant 0 : i32
    %dma_wait3A_46 = arith.constant 0 : i32
    %dma_wait3A_47 = tpu.memref_slice %arg6[%dma_wait3A_36, %dma_wait3A_45, %dma_wait3A_46] : memref<1x256x256xf32, #tpu.memory_space<vmem>> -> memref<1x256x256xf32, #tpu.memory_space<vmem>>
    %dma_wait3A_48 = tpu.memref_squeeze %dma_wait3A_47 : memref<1x256x256xf32, #tpu.memory_space<vmem>> -> memref<256x256xf32, #tpu.memory_space<vmem>>
    tpu.wait_dma2 semaphore(%arg10 : memref<!tpu.dma_semaphore, #tpu.memory_space<semaphore_mem>>) src(%dma_wait3A_48 : memref<256x256xf32, #tpu.memory_space<vmem>>) dst(%dma_wait3A_44 : memref<256x256xf32, #tpu.memory_space<hbm>>)
    return
  }
}

#map = affine_map<(d0, d1) -> (0, 0)>
#map1 = affine_map<(d0, d1) -> (0)>
module attributes {stable_mosaic.version = 14 : i64} {
  func.func @sc_gather(%arg0: i32, %arg1: i32, %arg2: memref<32768x256xf32, #tpu.memory_space<hbm>>, %arg3: memref<8192xi32, #tpu.memory_space<hbm>>, %arg4: memref<8192x256xf32, #tpu.memory_space<hbm>>, %arg5: memref<256xi32, #tpu.memory_space<vmem>>, %arg6: memref<1x256x256xf32, #tpu.memory_space<vmem>>, %arg7: memref<!tpu.dma_semaphore, #tpu.memory_space<semaphore_mem>>, %arg8: memref<!tpu.dma_semaphore, #tpu.memory_space<semaphore_mem>>, %arg9: memref<!tpu.dma_semaphore, #tpu.memory_space<semaphore_mem>>, %arg10: memref<!tpu.dma_semaphore, #tpu.memory_space<semaphore_mem>>, %arg11: memref<!tpu.dma_semaphore, #tpu.memory_space<semaphore_mem>>, %arg12: memref<!tpu.dma_semaphore, #tpu.memory_space<semaphore_mem>>) attributes {dimension_semantics = [#tpu.dimension_semantics<core_parallel>, #tpu.dimension_semantics<subcore_parallel>], iteration_bounds = array<i64: 2, 16>, scalar_prefetch = 0 : i64, scratch_operands = 8 : i64, tpu.core_type = #tpu.core_type<sc_vector_subcore>, window_params = [{transform_indices = #map}, {transform_indices = #map1}, {transform_indices = #map}]} {
    %mul3A = arith.constant 2 : i32
    %mul3A_0 = arith.muli %arg1, %mul3A : i32
    %add3A = arith.addi %mul3A_0, %arg0 : i32
    %mul3A_1 = arith.constant 256 : i32
    %mul3A_2 = arith.muli %add3A, %mul3A_1 : i32
    "tpu.region"() ({
      %run_scoped3A = tpu.sem_alloc : memref<!tpu.dma_semaphore, #tpu.memory_space<semaphore_mem>>
      %dma_start3A_49 = tpu.memref_slice %arg3[%mul3A_2] : memref<8192xi32, #tpu.memory_space<hbm>> -> memref<256xi32, #tpu.memory_space<hbm>>
      %dma_start3A_50 = tpu.memref_slice %arg3[%mul3A_2] : memref<8192xi32, #tpu.memory_space<hbm>> -> memref<256xi32, #tpu.memory_space<hbm>>
      tpu.enqueue_dma source(%dma_start3A_50 : memref<256xi32, #tpu.memory_space<hbm>>) target(%arg5 : memref<256xi32, #tpu.memory_space<vmem>>) target_semaphore(%run_scoped3A : memref<!tpu.dma_semaphore, #tpu.memory_space<semaphore_mem>>)
      %dma_wait3A_51 = tpu.memref_slice %arg3[%mul3A_2] : memref<8192xi32, #tpu.memory_space<hbm>> -> memref<256xi32, #tpu.memory_space<hbm>>
      %dma_wait3A_52 = tpu.memref_slice %arg3[%mul3A_2] : memref<8192xi32, #tpu.memory_space<hbm>> -> memref<256xi32, #tpu.memory_space<hbm>>
      tpu.wait_dma2 semaphore(%run_scoped3A : memref<!tpu.dma_semaphore, #tpu.memory_space<semaphore_mem>>) src(%dma_wait3A_52 : memref<256xi32, #tpu.memory_space<hbm>>) dst(%arg5 : memref<256xi32, #tpu.memory_space<vmem>>)
      tpu.yield
    }) : () -> ()
    %dma_start3A = arith.constant 0 : i32
    %dma_start3A_3 = arith.constant 0 : i32
    %dma_start3A_4 = arith.constant 0 : i32
    %dma_start3A_5 = tpu.memref_slice %arg6[%dma_start3A, %dma_start3A_3, %dma_start3A_4] : memref<1x256x256xf32, #tpu.memory_space<vmem>> -> memref<1x256x256xf32, #tpu.memory_space<vmem>>
    %dma_start3A_6 = tpu.memref_squeeze %dma_start3A_5 : memref<1x256x256xf32, #tpu.memory_space<vmem>> -> memref<256x256xf32, #tpu.memory_space<vmem>>
    %dma_start3A_7 = arith.constant 0 : i32
    %dma_start3A_8 = tpu.memref_slice %arg5[%dma_start3A_7] : memref<256xi32, #tpu.memory_space<vmem>> -> memref<256xi32, #tpu.memory_space<vmem>>
    %dma_start3A_9 = arith.constant 0 : i32
    %dma_start3A_10 = arith.constant 0 : i32
    %dma_start3A_11 = tpu.memref_slice %arg2[%dma_start3A_9, %dma_start3A_10] : memref<32768x256xf32, #tpu.memory_space<hbm>> -> memref<32768x256xf32, #tpu.memory_space<hbm>>
    tpu.enqueue_indirect_dma source(%dma_start3A_11 : memref<32768x256xf32, #tpu.memory_space<hbm>>) target(%dma_start3A_6 : memref<256x256xf32, #tpu.memory_space<vmem>>) offsets(%dma_start3A_8 : memref<256xi32, #tpu.memory_space<vmem>>) semaphore(%arg7 : memref<!tpu.dma_semaphore, #tpu.memory_space<semaphore_mem>>)
    %dma_wait3A = arith.constant 0 : i32
    %dma_wait3A_12 = arith.constant 0 : i32
    %dma_wait3A_13 = arith.constant 0 : i32
    %dma_wait3A_14 = tpu.memref_slice %arg6[%dma_wait3A, %dma_wait3A_12, %dma_wait3A_13] : memref<1x256x256xf32, #tpu.memory_space<vmem>> -> memref<1x256x256xf32, #tpu.memory_space<vmem>>
    %dma_wait3A_15 = tpu.memref_squeeze %dma_wait3A_14 : memref<1x256x256xf32, #tpu.memory_space<vmem>> -> memref<256x256xf32, #tpu.memory_space<vmem>>
    %dma_wait3A_16 = arith.constant 0 : i32
    %dma_wait3A_17 = tpu.memref_slice %arg5[%dma_wait3A_16] : memref<256xi32, #tpu.memory_space<vmem>> -> memref<256xi32, #tpu.memory_space<vmem>>
    %dma_wait3A_18 = arith.constant 0 : i32
    %dma_wait3A_19 = arith.constant 0 : i32
    %dma_wait3A_20 = tpu.memref_slice %arg2[%dma_wait3A_18, %dma_wait3A_19] : memref<32768x256xf32, #tpu.memory_space<hbm>> -> memref<32768x256xf32, #tpu.memory_space<hbm>>
    tpu.wait_indirect_dma semaphore(%arg7 : memref<!tpu.dma_semaphore, #tpu.memory_space<semaphore_mem>>) src(%dma_wait3A_20 : memref<32768x256xf32, #tpu.memory_space<hbm>>) dst(%dma_wait3A_15 : memref<256x256xf32, #tpu.memory_space<vmem>>)
    %add3A_21 = arith.constant 0 : i32
    %add3A_22 = arith.addi %mul3A_2, %add3A_21 : i32
    %dma_start3A_23 = arith.constant 0 : i32
    %dma_start3A_24 = arith.constant 0 : i32
    %dma_start3A_25 = arith.constant 0 : i32
    %dma_start3A_26 = tpu.memref_slice %arg6[%dma_start3A_23, %dma_start3A_24, %dma_start3A_25] : memref<1x256x256xf32, #tpu.memory_space<vmem>> -> memref<1x256x256xf32, #tpu.memory_space<vmem>>
    %dma_start3A_27 = tpu.memref_squeeze %dma_start3A_26 : memref<1x256x256xf32, #tpu.memory_space<vmem>> -> memref<256x256xf32, #tpu.memory_space<vmem>>
    %dma_start3A_28 = arith.constant 0 : i32
    %dma_start3A_29 = tpu.memref_slice %arg4[%add3A_22, %dma_start3A_28] : memref<8192x256xf32, #tpu.memory_space<hbm>> -> memref<256x256xf32, #tpu.memory_space<hbm>>
    %dma_start3A_30 = arith.constant 0 : i32
    %dma_start3A_31 = tpu.memref_slice %arg4[%add3A_22, %dma_start3A_30] : memref<8192x256xf32, #tpu.memory_space<hbm>> -> memref<256x256xf32, #tpu.memory_space<hbm>>
    %dma_start3A_32 = arith.constant 0 : i32
    %dma_start3A_33 = arith.constant 0 : i32
    %dma_start3A_34 = tpu.memref_slice %arg6[%dma_start3A_23, %dma_start3A_32, %dma_start3A_33] : memref<1x256x256xf32, #tpu.memory_space<vmem>> -> memref<1x256x256xf32, #tpu.memory_space<vmem>>
    %dma_start3A_35 = tpu.memref_squeeze %dma_start3A_34 : memref<1x256x256xf32, #tpu.memory_space<vmem>> -> memref<256x256xf32, #tpu.memory_space<vmem>>
    tpu.enqueue_dma source(%dma_start3A_35 : memref<256x256xf32, #tpu.memory_space<vmem>>) target(%dma_start3A_31 : memref<256x256xf32, #tpu.memory_space<hbm>>) target_semaphore(%arg10 : memref<!tpu.dma_semaphore, #tpu.memory_space<semaphore_mem>>)
    %dma_wait3A_36 = arith.constant 0 : i32
    %dma_wait3A_37 = arith.constant 0 : i32
    %dma_wait3A_38 = arith.constant 0 : i32
    %dma_wait3A_39 = tpu.memref_slice %arg6[%dma_wait3A_36, %dma_wait3A_37, %dma_wait3A_38] : memref<1x256x256xf32, #tpu.memory_space<vmem>> -> memref<1x256x256xf32, #tpu.memory_space<vmem>>
    %dma_wait3A_40 = tpu.memref_squeeze %dma_wait3A_39 : memref<1x256x256xf32, #tpu.memory_space<vmem>> -> memref<256x256xf32, #tpu.memory_space<vmem>>
    %dma_wait3A_41 = arith.constant 0 : i32
    %dma_wait3A_42 = tpu.memref_slice %arg4[%add3A_22, %dma_wait3A_41] : memref<8192x256xf32, #tpu.memory_space<hbm>> -> memref<256x256xf32, #tpu.memory_space<hbm>>
    %dma_wait3A_43 = arith.constant 0 : i32
    %dma_wait3A_44 = tpu.memref_slice %arg4[%add3A_22, %dma_wait3A_43] : memref<8192x256xf32, #tpu.memory_space<hbm>> -> memref<256x256xf32, #tpu.memory_space<hbm>>
    %dma_wait3A_45 = arith.constant 0 : i32
    %dma_wait3A_46 = arith.constant 0 : i32
    %dma_wait3A_47 = tpu.memref_slice %arg6[%dma_wait3A_36, %dma_wait3A_45, %dma_wait3A_46] : memref<1x256x256xf32, #tpu.memory_space<vmem>> -> memref<1x256x256xf32, #tpu.memory_space<vmem>>
    %dma_wait3A_48 = tpu.memref_squeeze %dma_wait3A_47 : memref<1x256x256xf32, #tpu.memory_space<vmem>> -> memref<256x256xf32, #tpu.memory_space<vmem>>
    tpu.wait_dma2 semaphore(%arg10 : memref<!tpu.dma_semaphore, #tpu.memory_space<semaphore_mem>>) src(%dma_wait3A_48 : memref<256x256xf32, #tpu.memory_space<vmem>>) dst(%dma_wait3A_44 : memref<256x256xf32, #tpu.memory_space<hbm>>)
    return
  }
}

module attributes {stable_mosaic.version = 14 : i64} {
  func.func @body(%arg0: i32, %arg1: memref<1024x768xf32, #tpu.memory_space<vmem>>, %arg2: memref<768x512xf32, #tpu.memory_space<vmem>>, %arg3: memref<1x512xf32, #tpu.memory_space<vmem>>, %arg4: memref<512x256xf32, #tpu.memory_space<vmem>>, %arg5: memref<1x256xf32, #tpu.memory_space<vmem>>, %arg6: memref<8192x256xf32, #tpu.memory_space<vmem>>, %arg7: memref<1x1024xi32, #tpu.memory_space<vmem>>, %arg8: memref<8x8192xf32, #tpu.memory_space<vmem>>) attributes {dimension_semantics = [#tpu.dimension_semantics<arbitrary>], iteration_bounds = array<i64: 8>, scalar_prefetch = 0 : i64, scratch_operands = 1 : i64, tpu.core_type = #tpu.core_type<tc>, window_params = [{transform_indices = @transform_0, window_bounds = array<i64: 1024, 768>}, {pipeline_mode = #tpu.pipeline_mode<synchronous>, transform_indices = @transform_1, window_bounds = array<i64: 768, 512>}, {pipeline_mode = #tpu.pipeline_mode<synchronous>, transform_indices = @transform_2, window_bounds = array<i64: 1, 512>}, {pipeline_mode = #tpu.pipeline_mode<synchronous>, transform_indices = @transform_3, window_bounds = array<i64: 512, 256>}, {pipeline_mode = #tpu.pipeline_mode<synchronous>, transform_indices = @transform_4, window_bounds = array<i64: 1, 256>}, {pipeline_mode = #tpu.pipeline_mode<synchronous>, transform_indices = @transform_5, window_bounds = array<i64: 8192, 256>}, {transform_indices = @transform_6, window_bounds = array<i64: 1, 1024>}]} {
    %get3A = arith.constant 0 : index
    %get3A_0 = arith.constant 0 : index
    %get3A_1 = vector.load %arg6[%get3A, %get3A_0] : memref<8192x256xf32, #tpu.memory_space<vmem>>, vector<8192x256xf32>
    %eq3A = arith.constant 0 : i32
    %eq3A_2 = arith.cmpi eq, %arg0, %eq3A : i32
    %convert_element_type3A = arith.extui %eq3A_2 : i1 to i32
    %cond3A = arith.constant 0 : i32
    %cond3A_3 = arith.cmpi ne, %convert_element_type3A, %cond3A : i32
    scf.if %cond3A_3 {
      %mul3A_40 = arith.mulf %get3A_1, %get3A_1 : vector<8192x256xf32>
      %broadcast_in_dim3A = arith.constant 1.000000e+00 : f32
      %broadcast_in_dim3A_41 = vector.broadcast %broadcast_in_dim3A : f32 to vector<8x256xf32>
      %dot_general3A_42 = arith.constant dense<0.000000e+00> : vector<8x8192xf32>
      %dot_general3A_43 = tpu.matmul %broadcast_in_dim3A_41, %mul3A_40, %dot_general3A_42 {dimension_numbers = #tpu.dot_dimension_numbers<[1], [1], [0], [0], [0, 0, 1, 0], [], []>, transpose_lhs_hint = false} : vector<8x256xf32>, vector<8192x256xf32>, vector<8x8192xf32> -> vector<8x8192xf32>
      %swap3A_44 = arith.constant 0 : index
      %swap3A_45 = arith.constant 0 : index
      %swap3A_46 = vector.load %arg8[%swap3A_44, %swap3A_45] : memref<8x8192xf32, #tpu.memory_space<vmem>>, vector<8x8192xf32>
      tpu.vector_store %arg8[%swap3A_44, %swap3A_45], %dot_general3A_43 {strides = array<i32>} : memref<8x8192xf32, #tpu.memory_space<vmem>>, vector<8x8192xf32>,
    } else {
    }
    %get3A_4 = arith.constant 0 : index
    %get3A_5 = arith.constant 0 : index
    %get3A_6 = vector.load %arg1[%get3A_4, %get3A_5] : memref<1024x768xf32, #tpu.memory_space<vmem>>, vector<1024x768xf32>
    %get3A_7 = arith.constant 0 : index
    %get3A_8 = arith.constant 0 : index
    %get3A_9 = vector.load %arg2[%get3A_7, %get3A_8] : memref<768x512xf32, #tpu.memory_space<vmem>>, vector<768x512xf32>
    %dot_general3A = arith.constant dense<0.000000e+00> : vector<1024x512xf32>
    %dot_general3A_10 = tpu.matmul %get3A_6, %get3A_9, %dot_general3A {dimension_numbers = #tpu.dot_dimension_numbers<[1], [0], [0], [1], [0, 0, 1, 1], [], []>, transpose_lhs_hint = false} : vector<1024x768xf32>, vector<768x512xf32>, vector<1024x512xf32> -> vector<1024x512xf32>
    %get3A_11 = arith.constant 0 : index
    %get3A_12 = arith.constant 0 : index
    %get3A_13 = vector.load %arg3[%get3A_11, %get3A_12] : memref<1x512xf32, #tpu.memory_space<vmem>>, vector<1x512xf32>
    %add3A = vector.broadcast %get3A_13 : vector<1x512xf32> to vector<1024x512xf32>
    %add3A_14 = arith.addf %dot_general3A_10, %add3A : vector<1024x512xf32>
    %max3A = arith.constant 0.000000e+00 : f32
    %max3A_15 = vector.broadcast %max3A : f32 to vector<1024x512xf32>
    %max3A_16 = arith.maximumf %add3A_14, %max3A_15 : vector<1024x512xf32>
    %get3A_17 = arith.constant 0 : index
    %get3A_18 = arith.constant 0 : index
    %get3A_19 = vector.load %arg4[%get3A_17, %get3A_18] : memref<512x256xf32, #tpu.memory_space<vmem>>, vector<512x256xf32>
    %dot_general3A_20 = arith.constant dense<0.000000e+00> : vector<1024x256xf32>
    %dot_general3A_21 = tpu.matmul %max3A_16, %get3A_19, %dot_general3A_20 {dimension_numbers = #tpu.dot_dimension_numbers<[1], [0], [0], [1], [0, 0, 1, 1], [], []>, transpose_lhs_hint = false} : vector<1024x512xf32>, vector<512x256xf32>, vector<1024x256xf32> -> vector<1024x256xf32>
    %get3A_22 = arith.constant 0 : index
    %get3A_23 = arith.constant 0 : index
    %get3A_24 = vector.load %arg5[%get3A_22, %get3A_23] : memref<1x256xf32, #tpu.memory_space<vmem>>, vector<1x256xf32>
    %add3A_25 = vector.broadcast %get3A_24 : vector<1x256xf32> to vector<1024x256xf32>
    %add3A_26 = arith.addf %dot_general3A_21, %add3A_25 : vector<1024x256xf32>
    %dot_general3A_27 = arith.constant dense<0.000000e+00> : vector<1024x8192xf32>
    %dot_general3A_28 = tpu.matmul %add3A_26, %get3A_1, %dot_general3A_27 {dimension_numbers = #tpu.dot_dimension_numbers<[1], [1], [0], [0], [0, 0, 1, 0], [], []>, transpose_lhs_hint = false} : vector<1024x256xf32>, vector<8192x256xf32>, vector<1024x8192xf32> -> vector<1024x8192xf32>
    %get3A_29 = arith.constant 0 : index
    %get3A_30 = arith.constant 0 : index
    %get3A_31 = vector.load %arg8[%get3A_29, %get3A_30] : memref<8x8192xf32, #tpu.memory_space<vmem>>, vector<1x8192xf32>
    %mul3A = arith.constant 5.000000e-01 : f32
    %mul3A_32 = vector.broadcast %mul3A : f32 to vector<1x8192xf32>
    %mul3A_33 = arith.mulf %mul3A_32, %get3A_31 : vector<1x8192xf32>
    %sub3A = vector.broadcast %mul3A_33 : vector<1x8192xf32> to vector<1024x8192xf32>
    %sub3A_34 = arith.subf %dot_general3A_28, %sub3A : vector<1024x8192xf32>
    %argmax3A = tpu.reduce_index %sub3A_34 {axis = 1 : i32, kind = #tpu.reduction_kind<arg_max>} : vector<1024x8192xf32> -> vector<1024xi32>
    %add3A_35 = arith.constant 0 : i32
    %add3A_36 = vector.broadcast %add3A_35 : i32 to vector<1024xi32>
    %add3A_37 = arith.addi %argmax3A, %add3A_36 : vector<1024xi32>
    %reshape3A = vector.shape_cast %add3A_37 : vector<1024xi32> to vector<1x1024xi32>
    %swap3A = arith.constant 0 : index
    %swap3A_38 = arith.constant 0 : index
    %swap3A_39 = vector.load %arg7[%swap3A, %swap3A_38] : memref<1x1024xi32, #tpu.memory_space<vmem>>, vector<1x1024xi32>
    tpu.vector_store %arg7[%swap3A, %swap3A_38], %reshape3A {strides = array<i32>} : memref<1x1024xi32, #tpu.memory_space<vmem>>, vector<1x1024xi32>,
    return
  }
  func.func @transform_0(%arg0: i32) -> (i32, i32) {
    %c0_i32 = arith.constant 0 : i32
    %c0_i32_0 = arith.constant 0 : i32
    return %arg0, %c0_i32 : i32, i32
  }
  func.func @transform_1(%arg0: i32) -> (i32, i32) {
    %c0_i32 = arith.constant 0 : i32
    %c0_i32_0 = arith.constant 0 : i32
    %c0_i32_1 = arith.constant 0 : i32
    return %c0_i32, %c0_i32_0 : i32, i32
  }
  func.func @transform_2(%arg0: i32) -> (i32, i32) {
    %c0_i32 = arith.constant 0 : i32
    %c0_i32_0 = arith.constant 0 : i32
    %c0_i32_1 = arith.constant 0 : i32
    return %c0_i32, %c0_i32_0 : i32, i32
  }
  func.func @transform_3(%arg0: i32) -> (i32, i32) {
    %c0_i32 = arith.constant 0 : i32
    %c0_i32_0 = arith.constant 0 : i32
    %c0_i32_1 = arith.constant 0 : i32
    return %c0_i32, %c0_i32_0 : i32, i32
  }
  func.func @transform_4(%arg0: i32) -> (i32, i32) {
    %c0_i32 = arith.constant 0 : i32
    %c0_i32_0 = arith.constant 0 : i32
    %c0_i32_1 = arith.constant 0 : i32
    return %c0_i32, %c0_i32_0 : i32, i32
  }
  func.func @transform_5(%arg0: i32) -> (i32, i32) {
    %c0_i32 = arith.constant 0 : i32
    %c0_i32_0 = arith.constant 0 : i32
    %c0_i32_1 = arith.constant 0 : i32
    return %c0_i32, %c0_i32_0 : i32, i32
  }
  func.func @transform_6(%arg0: i32) -> (i32, i32) {
    %c0_i32 = arith.constant 0 : i32
    %c0_i32_0 = arith.constant 0 : i32
    return %c0_i32, %arg0 : i32, i32
  }
}

module attributes {stable_mosaic.version = 14 : i64} {
  func.func @body(%arg0: i32, %arg1: memref<1024x768xf32, #tpu.memory_space<vmem>>, %arg2: memref<768x512xf32, #tpu.memory_space<vmem>>, %arg3: memref<1x512xf32, #tpu.memory_space<vmem>>, %arg4: memref<512x256xf32, #tpu.memory_space<vmem>>, %arg5: memref<1x256xf32, #tpu.memory_space<vmem>>, %arg6: memref<8192x256xf32, #tpu.memory_space<vmem>>, %arg7: memref<1x1024xi32, #tpu.memory_space<vmem>>, %arg8: memref<8x8192xf32, #tpu.memory_space<vmem>>) attributes {dimension_semantics = [#tpu.dimension_semantics<arbitrary>], iteration_bounds = array<i64: 8>, scalar_prefetch = 0 : i64, scratch_operands = 1 : i64, tpu.core_type = #tpu.core_type<tc>, window_params = [{transform_indices = @transform_0, window_bounds = array<i64: 1024, 768>}, {pipeline_mode = #tpu.pipeline_mode<synchronous>, transform_indices = @transform_1, window_bounds = array<i64: 768, 512>}, {pipeline_mode = #tpu.pipeline_mode<synchronous>, transform_indices = @transform_2, window_bounds = array<i64: 1, 512>}, {pipeline_mode = #tpu.pipeline_mode<synchronous>, transform_indices = @transform_3, window_bounds = array<i64: 512, 256>}, {pipeline_mode = #tpu.pipeline_mode<synchronous>, transform_indices = @transform_4, window_bounds = array<i64: 1, 256>}, {pipeline_mode = #tpu.pipeline_mode<synchronous>, transform_indices = @transform_5, window_bounds = array<i64: 8192, 256>}, {transform_indices = @transform_6, window_bounds = array<i64: 1, 1024>}]} {
    %get3A = arith.constant 0 : index
    %get3A_0 = arith.constant 0 : index
    %get3A_1 = vector.load %arg6[%get3A, %get3A_0] : memref<8192x256xf32, #tpu.memory_space<vmem>>, vector<8192x256xf32>
    %eq3A = arith.constant 0 : i32
    %eq3A_2 = arith.cmpi eq, %arg0, %eq3A : i32
    %convert_element_type3A = arith.extui %eq3A_2 : i1 to i32
    %cond3A = arith.constant 0 : i32
    %cond3A_3 = arith.cmpi ne, %convert_element_type3A, %cond3A : i32
    scf.if %cond3A_3 {
      %mul3A_40 = arith.mulf %get3A_1, %get3A_1 : vector<8192x256xf32>
      %broadcast_in_dim3A = arith.constant 1.000000e+00 : f32
      %broadcast_in_dim3A_41 = vector.broadcast %broadcast_in_dim3A : f32 to vector<8x256xf32>
      %dot_general3A_42 = arith.constant dense<0.000000e+00> : vector<8x8192xf32>
      %dot_general3A_43 = tpu.matmul %broadcast_in_dim3A_41, %mul3A_40, %dot_general3A_42 {dimension_numbers = #tpu.dot_dimension_numbers<[1], [1], [0], [0], [0, 0, 1, 0], [], []>, transpose_lhs_hint = false} : vector<8x256xf32>, vector<8192x256xf32>, vector<8x8192xf32> -> vector<8x8192xf32>
      %swap3A_44 = arith.constant 0 : index
      %swap3A_45 = arith.constant 0 : index
      %swap3A_46 = vector.load %arg8[%swap3A_44, %swap3A_45] : memref<8x8192xf32, #tpu.memory_space<vmem>>, vector<8x8192xf32>
      tpu.vector_store %arg8[%swap3A_44, %swap3A_45], %dot_general3A_43 {strides = array<i32>} : memref<8x8192xf32, #tpu.memory_space<vmem>>, vector<8x8192xf32>,
    } else {
    }
    %get3A_4 = arith.constant 0 : index
    %get3A_5 = arith.constant 0 : index
    %get3A_6 = vector.load %arg1[%get3A_4, %get3A_5] : memref<1024x768xf32, #tpu.memory_space<vmem>>, vector<1024x768xf32>
    %get3A_7 = arith.constant 0 : index
    %get3A_8 = arith.constant 0 : index
    %get3A_9 = vector.load %arg2[%get3A_7, %get3A_8] : memref<768x512xf32, #tpu.memory_space<vmem>>, vector<768x512xf32>
    %dot_general3A = arith.constant dense<0.000000e+00> : vector<1024x512xf32>
    %dot_general3A_10 = tpu.matmul %get3A_6, %get3A_9, %dot_general3A {dimension_numbers = #tpu.dot_dimension_numbers<[1], [0], [0], [1], [0, 0, 1, 1], [], []>, transpose_lhs_hint = false} : vector<1024x768xf32>, vector<768x512xf32>, vector<1024x512xf32> -> vector<1024x512xf32>
    %get3A_11 = arith.constant 0 : index
    %get3A_12 = arith.constant 0 : index
    %get3A_13 = vector.load %arg3[%get3A_11, %get3A_12] : memref<1x512xf32, #tpu.memory_space<vmem>>, vector<1x512xf32>
    %add3A = vector.broadcast %get3A_13 : vector<1x512xf32> to vector<1024x512xf32>
    %add3A_14 = arith.addf %dot_general3A_10, %add3A : vector<1024x512xf32>
    %max3A = arith.constant 0.000000e+00 : f32
    %max3A_15 = vector.broadcast %max3A : f32 to vector<1024x512xf32>
    %max3A_16 = arith.maximumf %add3A_14, %max3A_15 : vector<1024x512xf32>
    %get3A_17 = arith.constant 0 : index
    %get3A_18 = arith.constant 0 : index
    %get3A_19 = vector.load %arg4[%get3A_17, %get3A_18] : memref<512x256xf32, #tpu.memory_space<vmem>>, vector<512x256xf32>
    %dot_general3A_20 = arith.constant dense<0.000000e+00> : vector<1024x256xf32>
    %dot_general3A_21 = tpu.matmul %max3A_16, %get3A_19, %dot_general3A_20 {dimension_numbers = #tpu.dot_dimension_numbers<[1], [0], [0], [1], [0, 0, 1, 1], [], []>, transpose_lhs_hint = false} : vector<1024x512xf32>, vector<512x256xf32>, vector<1024x256xf32> -> vector<1024x256xf32>
    %get3A_22 = arith.constant 0 : index
    %get3A_23 = arith.constant 0 : index
    %get3A_24 = vector.load %arg5[%get3A_22, %get3A_23] : memref<1x256xf32, #tpu.memory_space<vmem>>, vector<1x256xf32>
    %add3A_25 = vector.broadcast %get3A_24 : vector<1x256xf32> to vector<1024x256xf32>
    %add3A_26 = arith.addf %dot_general3A_21, %add3A_25 : vector<1024x256xf32>
    %dot_general3A_27 = arith.constant dense<0.000000e+00> : vector<1024x8192xf32>
    %dot_general3A_28 = tpu.matmul %add3A_26, %get3A_1, %dot_general3A_27 {dimension_numbers = #tpu.dot_dimension_numbers<[1], [1], [0], [0], [0, 0, 1, 0], [], []>, transpose_lhs_hint = false} : vector<1024x256xf32>, vector<8192x256xf32>, vector<1024x8192xf32> -> vector<1024x8192xf32>
    %get3A_29 = arith.constant 0 : index
    %get3A_30 = arith.constant 0 : index
    %get3A_31 = vector.load %arg8[%get3A_29, %get3A_30] : memref<8x8192xf32, #tpu.memory_space<vmem>>, vector<1x8192xf32>
    %mul3A = arith.constant 5.000000e-01 : f32
    %mul3A_32 = vector.broadcast %mul3A : f32 to vector<1x8192xf32>
    %mul3A_33 = arith.mulf %mul3A_32, %get3A_31 : vector<1x8192xf32>
    %sub3A = vector.broadcast %mul3A_33 : vector<1x8192xf32> to vector<1024x8192xf32>
    %sub3A_34 = arith.subf %dot_general3A_28, %sub3A : vector<1024x8192xf32>
    %argmax3A = tpu.reduce_index %sub3A_34 {axis = 1 : i32, kind = #tpu.reduction_kind<arg_max>} : vector<1024x8192xf32> -> vector<1024xi32>
    %add3A_35 = arith.constant 8192 : i32
    %add3A_36 = vector.broadcast %add3A_35 : i32 to vector<1024xi32>
    %add3A_37 = arith.addi %argmax3A, %add3A_36 : vector<1024xi32>
    %reshape3A = vector.shape_cast %add3A_37 : vector<1024xi32> to vector<1x1024xi32>
    %swap3A = arith.constant 0 : index
    %swap3A_38 = arith.constant 0 : index
    %swap3A_39 = vector.load %arg7[%swap3A, %swap3A_38] : memref<1x1024xi32, #tpu.memory_space<vmem>>, vector<1x1024xi32>
    tpu.vector_store %arg7[%swap3A, %swap3A_38], %reshape3A {strides = array<i32>} : memref<1x1024xi32, #tpu.memory_space<vmem>>, vector<1x1024xi32>,
    return
  }
  func.func @transform_0(%arg0: i32) -> (i32, i32) {
    %c1_i32 = arith.constant 1 : i32
    %c0_i32 = arith.constant 0 : i32
    return %arg0, %c1_i32 : i32, i32
  }
  func.func @transform_1(%arg0: i32) -> (i32, i32) {
    %c0_i32 = arith.constant 0 : i32
    %c0_i32_0 = arith.constant 0 : i32
    %c0_i32_1 = arith.constant 0 : i32
    return %c0_i32, %c0_i32_0 : i32, i32
  }
  func.func @transform_2(%arg0: i32) -> (i32, i32) {
    %c0_i32 = arith.constant 0 : i32
    %c0_i32_0 = arith.constant 0 : i32
    %c0_i32_1 = arith.constant 0 : i32
    return %c0_i32, %c0_i32_0 : i32, i32
  }
  func.func @transform_3(%arg0: i32) -> (i32, i32) {
    %c0_i32 = arith.constant 0 : i32
    %c0_i32_0 = arith.constant 0 : i32
    %c0_i32_1 = arith.constant 0 : i32
    return %c0_i32, %c0_i32_0 : i32, i32
  }
  func.func @transform_4(%arg0: i32) -> (i32, i32) {
    %c0_i32 = arith.constant 0 : i32
    %c0_i32_0 = arith.constant 0 : i32
    %c0_i32_1 = arith.constant 0 : i32
    return %c0_i32, %c0_i32_0 : i32, i32
  }
  func.func @transform_5(%arg0: i32) -> (i32, i32) {
    %c0_i32 = arith.constant 0 : i32
    %c0_i32_0 = arith.constant 0 : i32
    %c0_i32_1 = arith.constant 0 : i32
    return %c0_i32, %c0_i32_0 : i32, i32
  }
  func.func @transform_6(%arg0: i32) -> (i32, i32) {
    %c0_i32 = arith.constant 0 : i32
    %c0_i32_0 = arith.constant 0 : i32
    return %c0_i32, %arg0 : i32, i32
  }
}

module attributes {stable_mosaic.version = 14 : i64} {
  func.func @body(%arg0: i32, %arg1: memref<1024x768xf32, #tpu.memory_space<vmem>>, %arg2: memref<768x512xf32, #tpu.memory_space<vmem>>, %arg3: memref<1x512xf32, #tpu.memory_space<vmem>>, %arg4: memref<512x256xf32, #tpu.memory_space<vmem>>, %arg5: memref<1x256xf32, #tpu.memory_space<vmem>>, %arg6: memref<8192x256xf32, #tpu.memory_space<vmem>>, %arg7: memref<1x1024xi32, #tpu.memory_space<vmem>>, %arg8: memref<8x8192xf32, #tpu.memory_space<vmem>>) attributes {dimension_semantics = [#tpu.dimension_semantics<arbitrary>], iteration_bounds = array<i64: 8>, scalar_prefetch = 0 : i64, scratch_operands = 1 : i64, tpu.core_type = #tpu.core_type<tc>, window_params = [{transform_indices = @transform_0, window_bounds = array<i64: 1024, 768>}, {pipeline_mode = #tpu.pipeline_mode<synchronous>, transform_indices = @transform_1, window_bounds = array<i64: 768, 512>}, {pipeline_mode = #tpu.pipeline_mode<synchronous>, transform_indices = @transform_2, window_bounds = array<i64: 1, 512>}, {pipeline_mode = #tpu.pipeline_mode<synchronous>, transform_indices = @transform_3, window_bounds = array<i64: 512, 256>}, {pipeline_mode = #tpu.pipeline_mode<synchronous>, transform_indices = @transform_4, window_bounds = array<i64: 1, 256>}, {pipeline_mode = #tpu.pipeline_mode<synchronous>, transform_indices = @transform_5, window_bounds = array<i64: 8192, 256>}, {transform_indices = @transform_6, window_bounds = array<i64: 1, 1024>}]} {
    %get3A = arith.constant 0 : index
    %get3A_0 = arith.constant 0 : index
    %get3A_1 = vector.load %arg6[%get3A, %get3A_0] : memref<8192x256xf32, #tpu.memory_space<vmem>>, vector<8192x256xf32>
    %eq3A = arith.constant 0 : i32
    %eq3A_2 = arith.cmpi eq, %arg0, %eq3A : i32
    %convert_element_type3A = arith.extui %eq3A_2 : i1 to i32
    %cond3A = arith.constant 0 : i32
    %cond3A_3 = arith.cmpi ne, %convert_element_type3A, %cond3A : i32
    scf.if %cond3A_3 {
      %mul3A_40 = arith.mulf %get3A_1, %get3A_1 : vector<8192x256xf32>
      %broadcast_in_dim3A = arith.constant 1.000000e+00 : f32
      %broadcast_in_dim3A_41 = vector.broadcast %broadcast_in_dim3A : f32 to vector<8x256xf32>
      %dot_general3A_42 = arith.constant dense<0.000000e+00> : vector<8x8192xf32>
      %dot_general3A_43 = tpu.matmul %broadcast_in_dim3A_41, %mul3A_40, %dot_general3A_42 {dimension_numbers = #tpu.dot_dimension_numbers<[1], [1], [0], [0], [0, 0, 1, 0], [], []>, transpose_lhs_hint = false} : vector<8x256xf32>, vector<8192x256xf32>, vector<8x8192xf32> -> vector<8x8192xf32>
      %swap3A_44 = arith.constant 0 : index
      %swap3A_45 = arith.constant 0 : index
      %swap3A_46 = vector.load %arg8[%swap3A_44, %swap3A_45] : memref<8x8192xf32, #tpu.memory_space<vmem>>, vector<8x8192xf32>
      tpu.vector_store %arg8[%swap3A_44, %swap3A_45], %dot_general3A_43 {strides = array<i32>} : memref<8x8192xf32, #tpu.memory_space<vmem>>, vector<8x8192xf32>,
    } else {
    }
    %get3A_4 = arith.constant 0 : index
    %get3A_5 = arith.constant 0 : index
    %get3A_6 = vector.load %arg1[%get3A_4, %get3A_5] : memref<1024x768xf32, #tpu.memory_space<vmem>>, vector<1024x768xf32>
    %get3A_7 = arith.constant 0 : index
    %get3A_8 = arith.constant 0 : index
    %get3A_9 = vector.load %arg2[%get3A_7, %get3A_8] : memref<768x512xf32, #tpu.memory_space<vmem>>, vector<768x512xf32>
    %dot_general3A = arith.constant dense<0.000000e+00> : vector<1024x512xf32>
    %dot_general3A_10 = tpu.matmul %get3A_6, %get3A_9, %dot_general3A {dimension_numbers = #tpu.dot_dimension_numbers<[1], [0], [0], [1], [0, 0, 1, 1], [], []>, transpose_lhs_hint = false} : vector<1024x768xf32>, vector<768x512xf32>, vector<1024x512xf32> -> vector<1024x512xf32>
    %get3A_11 = arith.constant 0 : index
    %get3A_12 = arith.constant 0 : index
    %get3A_13 = vector.load %arg3[%get3A_11, %get3A_12] : memref<1x512xf32, #tpu.memory_space<vmem>>, vector<1x512xf32>
    %add3A = vector.broadcast %get3A_13 : vector<1x512xf32> to vector<1024x512xf32>
    %add3A_14 = arith.addf %dot_general3A_10, %add3A : vector<1024x512xf32>
    %max3A = arith.constant 0.000000e+00 : f32
    %max3A_15 = vector.broadcast %max3A : f32 to vector<1024x512xf32>
    %max3A_16 = arith.maximumf %add3A_14, %max3A_15 : vector<1024x512xf32>
    %get3A_17 = arith.constant 0 : index
    %get3A_18 = arith.constant 0 : index
    %get3A_19 = vector.load %arg4[%get3A_17, %get3A_18] : memref<512x256xf32, #tpu.memory_space<vmem>>, vector<512x256xf32>
    %dot_general3A_20 = arith.constant dense<0.000000e+00> : vector<1024x256xf32>
    %dot_general3A_21 = tpu.matmul %max3A_16, %get3A_19, %dot_general3A_20 {dimension_numbers = #tpu.dot_dimension_numbers<[1], [0], [0], [1], [0, 0, 1, 1], [], []>, transpose_lhs_hint = false} : vector<1024x512xf32>, vector<512x256xf32>, vector<1024x256xf32> -> vector<1024x256xf32>
    %get3A_22 = arith.constant 0 : index
    %get3A_23 = arith.constant 0 : index
    %get3A_24 = vector.load %arg5[%get3A_22, %get3A_23] : memref<1x256xf32, #tpu.memory_space<vmem>>, vector<1x256xf32>
    %add3A_25 = vector.broadcast %get3A_24 : vector<1x256xf32> to vector<1024x256xf32>
    %add3A_26 = arith.addf %dot_general3A_21, %add3A_25 : vector<1024x256xf32>
    %dot_general3A_27 = arith.constant dense<0.000000e+00> : vector<1024x8192xf32>
    %dot_general3A_28 = tpu.matmul %add3A_26, %get3A_1, %dot_general3A_27 {dimension_numbers = #tpu.dot_dimension_numbers<[1], [1], [0], [0], [0, 0, 1, 0], [], []>, transpose_lhs_hint = false} : vector<1024x256xf32>, vector<8192x256xf32>, vector<1024x8192xf32> -> vector<1024x8192xf32>
    %get3A_29 = arith.constant 0 : index
    %get3A_30 = arith.constant 0 : index
    %get3A_31 = vector.load %arg8[%get3A_29, %get3A_30] : memref<8x8192xf32, #tpu.memory_space<vmem>>, vector<1x8192xf32>
    %mul3A = arith.constant 5.000000e-01 : f32
    %mul3A_32 = vector.broadcast %mul3A : f32 to vector<1x8192xf32>
    %mul3A_33 = arith.mulf %mul3A_32, %get3A_31 : vector<1x8192xf32>
    %sub3A = vector.broadcast %mul3A_33 : vector<1x8192xf32> to vector<1024x8192xf32>
    %sub3A_34 = arith.subf %dot_general3A_28, %sub3A : vector<1024x8192xf32>
    %argmax3A = tpu.reduce_index %sub3A_34 {axis = 1 : i32, kind = #tpu.reduction_kind<arg_max>} : vector<1024x8192xf32> -> vector<1024xi32>
    %add3A_35 = arith.constant 16384 : i32
    %add3A_36 = vector.broadcast %add3A_35 : i32 to vector<1024xi32>
    %add3A_37 = arith.addi %argmax3A, %add3A_36 : vector<1024xi32>
    %reshape3A = vector.shape_cast %add3A_37 : vector<1024xi32> to vector<1x1024xi32>
    %swap3A = arith.constant 0 : index
    %swap3A_38 = arith.constant 0 : index
    %swap3A_39 = vector.load %arg7[%swap3A, %swap3A_38] : memref<1x1024xi32, #tpu.memory_space<vmem>>, vector<1x1024xi32>
    tpu.vector_store %arg7[%swap3A, %swap3A_38], %reshape3A {strides = array<i32>} : memref<1x1024xi32, #tpu.memory_space<vmem>>, vector<1x1024xi32>,
    return
  }
  func.func @transform_0(%arg0: i32) -> (i32, i32) {
    %c2_i32 = arith.constant 2 : i32
    %c0_i32 = arith.constant 0 : i32
    return %arg0, %c2_i32 : i32, i32
  }
  func.func @transform_1(%arg0: i32) -> (i32, i32) {
    %c0_i32 = arith.constant 0 : i32
    %c0_i32_0 = arith.constant 0 : i32
    %c0_i32_1 = arith.constant 0 : i32
    return %c0_i32, %c0_i32_0 : i32, i32
  }
  func.func @transform_2(%arg0: i32) -> (i32, i32) {
    %c0_i32 = arith.constant 0 : i32
    %c0_i32_0 = arith.constant 0 : i32
    %c0_i32_1 = arith.constant 0 : i32
    return %c0_i32, %c0_i32_0 : i32, i32
  }
  func.func @transform_3(%arg0: i32) -> (i32, i32) {
    %c0_i32 = arith.constant 0 : i32
    %c0_i32_0 = arith.constant 0 : i32
    %c0_i32_1 = arith.constant 0 : i32
    return %c0_i32, %c0_i32_0 : i32, i32
  }
  func.func @transform_4(%arg0: i32) -> (i32, i32) {
    %c0_i32 = arith.constant 0 : i32
    %c0_i32_0 = arith.constant 0 : i32
    %c0_i32_1 = arith.constant 0 : i32
    return %c0_i32, %c0_i32_0 : i32, i32
  }
  func.func @transform_5(%arg0: i32) -> (i32, i32) {
    %c0_i32 = arith.constant 0 : i32
    %c0_i32_0 = arith.constant 0 : i32
    %c0_i32_1 = arith.constant 0 : i32
    return %c0_i32, %c0_i32_0 : i32, i32
  }
  func.func @transform_6(%arg0: i32) -> (i32, i32) {
    %c0_i32 = arith.constant 0 : i32
    %c0_i32_0 = arith.constant 0 : i32
    return %c0_i32, %arg0 : i32, i32
  }
}

module attributes {stable_mosaic.version = 14 : i64} {
  func.func @body(%arg0: i32, %arg1: memref<1024x768xf32, #tpu.memory_space<vmem>>, %arg2: memref<768x512xf32, #tpu.memory_space<vmem>>, %arg3: memref<1x512xf32, #tpu.memory_space<vmem>>, %arg4: memref<512x256xf32, #tpu.memory_space<vmem>>, %arg5: memref<1x256xf32, #tpu.memory_space<vmem>>, %arg6: memref<8192x256xf32, #tpu.memory_space<vmem>>, %arg7: memref<1x1024xi32, #tpu.memory_space<vmem>>, %arg8: memref<1024x256xf32, #tpu.memory_space<vmem>>, %arg9: memref<8x8192xf32, #tpu.memory_space<vmem>>) attributes {dimension_semantics = [#tpu.dimension_semantics<arbitrary>], iteration_bounds = array<i64: 8>, scalar_prefetch = 0 : i64, scratch_operands = 1 : i64, tpu.core_type = #tpu.core_type<tc>, window_params = [{transform_indices = @transform_0, window_bounds = array<i64: 1024, 768>}, {pipeline_mode = #tpu.pipeline_mode<synchronous>, transform_indices = @transform_1, window_bounds = array<i64: 768, 512>}, {pipeline_mode = #tpu.pipeline_mode<synchronous>, transform_indices = @transform_2, window_bounds = array<i64: 1, 512>}, {pipeline_mode = #tpu.pipeline_mode<synchronous>, transform_indices = @transform_3, window_bounds = array<i64: 512, 256>}, {pipeline_mode = #tpu.pipeline_mode<synchronous>, transform_indices = @transform_4, window_bounds = array<i64: 1, 256>}, {pipeline_mode = #tpu.pipeline_mode<synchronous>, transform_indices = @transform_5, window_bounds = array<i64: 8192, 256>}, {transform_indices = @transform_6, window_bounds = array<i64: 1, 1024>}, {transform_indices = @transform_7, window_bounds = array<i64: 1024, 256>}]} {
    %get3A = arith.constant 0 : index
    %get3A_0 = arith.constant 0 : index
    %get3A_1 = vector.load %arg6[%get3A, %get3A_0] : memref<8192x256xf32, #tpu.memory_space<vmem>>, vector<8192x256xf32>
    %eq3A = arith.constant 0 : i32
    %eq3A_2 = arith.cmpi eq, %arg0, %eq3A : i32
    %convert_element_type3A = arith.extui %eq3A_2 : i1 to i32
    %cond3A = arith.constant 0 : i32
    %cond3A_3 = arith.cmpi ne, %convert_element_type3A, %cond3A : i32
    scf.if %cond3A_3 {
      %mul3A_43 = arith.mulf %get3A_1, %get3A_1 : vector<8192x256xf32>
      %broadcast_in_dim3A = arith.constant 1.000000e+00 : f32
      %broadcast_in_dim3A_44 = vector.broadcast %broadcast_in_dim3A : f32 to vector<8x256xf32>
      %dot_general3A_45 = arith.constant dense<0.000000e+00> : vector<8x8192xf32>
      %dot_general3A_46 = tpu.matmul %broadcast_in_dim3A_44, %mul3A_43, %dot_general3A_45 {dimension_numbers = #tpu.dot_dimension_numbers<[1], [1], [0], [0], [0, 0, 1, 0], [], []>, transpose_lhs_hint = false} : vector<8x256xf32>, vector<8192x256xf32>, vector<8x8192xf32> -> vector<8x8192xf32>
      %swap3A_47 = arith.constant 0 : index
      %swap3A_48 = arith.constant 0 : index
      %swap3A_49 = vector.load %arg9[%swap3A_47, %swap3A_48] : memref<8x8192xf32, #tpu.memory_space<vmem>>, vector<8x8192xf32>
      tpu.vector_store %arg9[%swap3A_47, %swap3A_48], %dot_general3A_46 {strides = array<i32>} : memref<8x8192xf32, #tpu.memory_space<vmem>>, vector<8x8192xf32>,
    } else {
    }
    %get3A_4 = arith.constant 0 : index
    %get3A_5 = arith.constant 0 : index
    %get3A_6 = vector.load %arg1[%get3A_4, %get3A_5] : memref<1024x768xf32, #tpu.memory_space<vmem>>, vector<1024x768xf32>
    %get3A_7 = arith.constant 0 : index
    %get3A_8 = arith.constant 0 : index
    %get3A_9 = vector.load %arg2[%get3A_7, %get3A_8] : memref<768x512xf32, #tpu.memory_space<vmem>>, vector<768x512xf32>
    %dot_general3A = arith.constant dense<0.000000e+00> : vector<1024x512xf32>
    %dot_general3A_10 = tpu.matmul %get3A_6, %get3A_9, %dot_general3A {dimension_numbers = #tpu.dot_dimension_numbers<[1], [0], [0], [1], [0, 0, 1, 1], [], []>, transpose_lhs_hint = false} : vector<1024x768xf32>, vector<768x512xf32>, vector<1024x512xf32> -> vector<1024x512xf32>
    %get3A_11 = arith.constant 0 : index
    %get3A_12 = arith.constant 0 : index
    %get3A_13 = vector.load %arg3[%get3A_11, %get3A_12] : memref<1x512xf32, #tpu.memory_space<vmem>>, vector<1x512xf32>
    %add3A = vector.broadcast %get3A_13 : vector<1x512xf32> to vector<1024x512xf32>
    %add3A_14 = arith.addf %dot_general3A_10, %add3A : vector<1024x512xf32>
    %max3A = arith.constant 0.000000e+00 : f32
    %max3A_15 = vector.broadcast %max3A : f32 to vector<1024x512xf32>
    %max3A_16 = arith.maximumf %add3A_14, %max3A_15 : vector<1024x512xf32>
    %get3A_17 = arith.constant 0 : index
    %get3A_18 = arith.constant 0 : index
    %get3A_19 = vector.load %arg4[%get3A_17, %get3A_18] : memref<512x256xf32, #tpu.memory_space<vmem>>, vector<512x256xf32>
    %dot_general3A_20 = arith.constant dense<0.000000e+00> : vector<1024x256xf32>
    %dot_general3A_21 = tpu.matmul %max3A_16, %get3A_19, %dot_general3A_20 {dimension_numbers = #tpu.dot_dimension_numbers<[1], [0], [0], [1], [0, 0, 1, 1], [], []>, transpose_lhs_hint = false} : vector<1024x512xf32>, vector<512x256xf32>, vector<1024x256xf32> -> vector<1024x256xf32>
    %get3A_22 = arith.constant 0 : index
    %get3A_23 = arith.constant 0 : index
    %get3A_24 = vector.load %arg5[%get3A_22, %get3A_23] : memref<1x256xf32, #tpu.memory_space<vmem>>, vector<1x256xf32>
    %add3A_25 = vector.broadcast %get3A_24 : vector<1x256xf32> to vector<1024x256xf32>
    %add3A_26 = arith.addf %dot_general3A_21, %add3A_25 : vector<1024x256xf32>
    %swap3A = arith.constant 0 : index
    %swap3A_27 = arith.constant 0 : index
    %swap3A_28 = vector.load %arg8[%swap3A, %swap3A_27] : memref<1024x256xf32, #tpu.memory_space<vmem>>, vector<1024x256xf32>
    tpu.vector_store %arg8[%swap3A, %swap3A_27], %add3A_26 {strides = array<i32>} : memref<1024x256xf32, #tpu.memory_space<vmem>>, vector<1024x256xf32>,
    %dot_general3A_29 = arith.constant dense<0.000000e+00> : vector<1024x8192xf32>
    %dot_general3A_30 = tpu.matmul %add3A_26, %get3A_1, %dot_general3A_29 {dimension_numbers = #tpu.dot_dimension_numbers<[1], [1], [0], [0], [0, 0, 1, 0], [], []>, transpose_lhs_hint = false} : vector<1024x256xf32>, vector<8192x256xf32>, vector<1024x8192xf32> -> vector<1024x8192xf32>
    %get3A_31 = arith.constant 0 : index
    %get3A_32 = arith.constant 0 : index
    %get3A_33 = vector.load %arg9[%get3A_31, %get3A_32] : memref<8x8192xf32, #tpu.memory_space<vmem>>, vector<1x8192xf32>
    %mul3A = arith.constant 5.000000e-01 : f32
    %mul3A_34 = vector.broadcast %mul3A : f32 to vector<1x8192xf32>
    %mul3A_35 = arith.mulf %mul3A_34, %get3A_33 : vector<1x8192xf32>
    %sub3A = vector.broadcast %mul3A_35 : vector<1x8192xf32> to vector<1024x8192xf32>
    %sub3A_36 = arith.subf %dot_general3A_30, %sub3A : vector<1024x8192xf32>
    %argmax3A = tpu.reduce_index %sub3A_36 {axis = 1 : i32, kind = #tpu.reduction_kind<arg_max>} : vector<1024x8192xf32> -> vector<1024xi32>
    %add3A_37 = arith.constant 24576 : i32
    %add3A_38 = vector.broadcast %add3A_37 : i32 to vector<1024xi32>
    %add3A_39 = arith.addi %argmax3A, %add3A_38 : vector<1024xi32>
    %reshape3A = vector.shape_cast %add3A_39 : vector<1024xi32> to vector<1x1024xi32>
    %swap3A_40 = arith.constant 0 : index
    %swap3A_41 = arith.constant 0 : index
    %swap3A_42 = vector.load %arg7[%swap3A_40, %swap3A_41] : memref<1x1024xi32, #tpu.memory_space<vmem>>, vector<1x1024xi32>
    tpu.vector_store %arg7[%swap3A_40, %swap3A_41], %reshape3A {strides = array<i32>} : memref<1x1024xi32, #tpu.memory_space<vmem>>, vector<1x1024xi32>,
    return
  }
  func.func @transform_0(%arg0: i32) -> (i32, i32) {
    %c3_i32 = arith.constant 3 : i32
    %c0_i32 = arith.constant 0 : i32
    return %arg0, %c3_i32 : i32, i32
  }
  func.func @transform_1(%arg0: i32) -> (i32, i32) {
    %c0_i32 = arith.constant 0 : i32
    %c0_i32_0 = arith.constant 0 : i32
    %c0_i32_1 = arith.constant 0 : i32
    return %c0_i32, %c0_i32_0 : i32, i32
  }
  func.func @transform_2(%arg0: i32) -> (i32, i32) {
    %c0_i32 = arith.constant 0 : i32
    %c0_i32_0 = arith.constant 0 : i32
    %c0_i32_1 = arith.constant 0 : i32
    return %c0_i32, %c0_i32_0 : i32, i32
  }
  func.func @transform_3(%arg0: i32) -> (i32, i32) {
    %c0_i32 = arith.constant 0 : i32
    %c0_i32_0 = arith.constant 0 : i32
    %c0_i32_1 = arith.constant 0 : i32
    return %c0_i32, %c0_i32_0 : i32, i32
  }
  func.func @transform_4(%arg0: i32) -> (i32, i32) {
    %c0_i32 = arith.constant 0 : i32
    %c0_i32_0 = arith.constant 0 : i32
    %c0_i32_1 = arith.constant 0 : i32
    return %c0_i32, %c0_i32_0 : i32, i32
  }
  func.func @transform_5(%arg0: i32) -> (i32, i32) {
    %c0_i32 = arith.constant 0 : i32
    %c0_i32_0 = arith.constant 0 : i32
    %c0_i32_1 = arith.constant 0 : i32
    return %c0_i32, %c0_i32_0 : i32, i32
  }
  func.func @transform_6(%arg0: i32) -> (i32, i32) {
    %c0_i32 = arith.constant 0 : i32
    %c0_i32_0 = arith.constant 0 : i32
    return %c0_i32, %arg0 : i32, i32
  }
  func.func @transform_7(%arg0: i32) -> (i32, i32) {
    %c0_i32 = arith.constant 0 : i32
    %c0_i32_0 = arith.constant 0 : i32
    return %arg0, %c0_i32 : i32, i32
  }
}

module attributes {stable_mosaic.version = 14 : i64} {
  func.func @body(%arg0: i32, %arg1: memref<1024x256xf32, #tpu.memory_space<vmem>>, %arg2: memref<1024x768xf32, #tpu.memory_space<vmem>>, %arg3: memref<256x512xf32, #tpu.memory_space<vmem>>, %arg4: memref<1x512xf32, #tpu.memory_space<vmem>>, %arg5: memref<512x768xf32, #tpu.memory_space<vmem>>, %arg6: memref<1x768xf32, #tpu.memory_space<vmem>>, %arg7: memref<1x1xf32, #tpu.memory_space<vmem>>, %arg8: memref<1x1xf32, #tpu.memory_space<vmem>>, %arg9: memref<1x1xf32, #tpu.memory_space<vmem>>, %arg10: memref<1x1xf32, #tpu.memory_space<vmem>>) attributes {dimension_semantics = [#tpu.dimension_semantics<arbitrary>], iteration_bounds = array<i64: 8>, scalar_prefetch = 0 : i64, scratch_operands = 0 : i64, tpu.core_type = #tpu.core_type<tc>, window_params = [{transform_indices = @transform_0, window_bounds = array<i64: 1024, 256>}, {transform_indices = @transform_1, window_bounds = array<i64: 1024, 768>}, {pipeline_mode = #tpu.pipeline_mode<synchronous>, transform_indices = @transform_2, window_bounds = array<i64: 256, 512>}, {pipeline_mode = #tpu.pipeline_mode<synchronous>, transform_indices = @transform_3, window_bounds = array<i64: 1, 512>}, {pipeline_mode = #tpu.pipeline_mode<synchronous>, transform_indices = @transform_4, window_bounds = array<i64: 512, 768>}, {pipeline_mode = #tpu.pipeline_mode<synchronous>, transform_indices = @transform_5, window_bounds = array<i64: 1, 768>}, {pipeline_mode = #tpu.pipeline_mode<synchronous>, transform_indices = @transform_6, window_bounds = array<i64: 1, 1>}, {pipeline_mode = #tpu.pipeline_mode<synchronous>, transform_indices = @transform_7, window_bounds = array<i64: 1, 1>}, {pipeline_mode = #tpu.pipeline_mode<synchronous>, transform_indices = @transform_8, window_bounds = array<i64: 1, 1>}, {pipeline_mode = #tpu.pipeline_mode<synchronous>, transform_indices = @transform_9, window_bounds = array<i64: 1, 1>}]} {
    %eq3A = arith.constant 0 : i32
    %eq3A_0 = arith.cmpi eq, %arg0, %eq3A : i32
    %convert_element_type3A = arith.extui %eq3A_0 : i1 to i32
    %cond3A = arith.constant 0 : i32
    %cond3A_1 = arith.cmpi ne, %convert_element_type3A, %cond3A : i32
    scf.if %cond3A_1 {
      %get3A_40 = arith.constant 0 : index
      %get3A_41 = arith.constant 0 : index
      %get3A_42 = vector.load %arg7[%get3A_40, %get3A_41] : memref<1x1xf32, #tpu.memory_space<vmem>>, vector<1x1xf32>
      %swap3A_43 = arith.constant 0 : index
      %swap3A_44 = arith.constant 0 : index
      %swap3A_45 = vector.load %arg9[%swap3A_43, %swap3A_44] : memref<1x1xf32, #tpu.memory_space<vmem>>, vector<1x1xf32>
      tpu.vector_store %arg9[%swap3A_43, %swap3A_44], %get3A_42 {strides = array<i32>} : memref<1x1xf32, #tpu.memory_space<vmem>>, vector<1x1xf32>,
      %get3A_46 = arith.constant 0 : index
      %get3A_47 = arith.constant 0 : index
      %get3A_48 = vector.load %arg8[%get3A_46, %get3A_47] : memref<1x1xf32, #tpu.memory_space<vmem>>, vector<1x1xf32>
      %swap3A_49 = arith.constant 0 : index
      %swap3A_50 = arith.constant 0 : index
      %swap3A_51 = vector.load %arg10[%swap3A_49, %swap3A_50] : memref<1x1xf32, #tpu.memory_space<vmem>>, vector<1x1xf32>
      tpu.vector_store %arg10[%swap3A_49, %swap3A_50], %get3A_48 {strides = array<i32>} : memref<1x1xf32, #tpu.memory_space<vmem>>, vector<1x1xf32>,
    } else {
    }
    %get3A = arith.constant 0 : index
    %get3A_2 = arith.constant 0 : index
    %get3A_3 = vector.load %arg1[%get3A, %get3A_2] : memref<1024x256xf32, #tpu.memory_space<vmem>>, vector<1024x256xf32>
    %get3A_4 = arith.constant 0 : index
    %get3A_5 = arith.constant 0 : index
    %get3A_6 = vector.load %arg3[%get3A_4, %get3A_5] : memref<256x512xf32, #tpu.memory_space<vmem>>, vector<256x512xf32>
    %dot_general3A = arith.constant dense<0.000000e+00> : vector<1024x512xf32>
    %dot_general3A_7 = tpu.matmul %get3A_3, %get3A_6, %dot_general3A {dimension_numbers = #tpu.dot_dimension_numbers<[1], [0], [0], [1], [0, 0, 1, 1], [], []>, transpose_lhs_hint = false} : vector<1024x256xf32>, vector<256x512xf32>, vector<1024x512xf32> -> vector<1024x512xf32>
    %get3A_8 = arith.constant 0 : index
    %get3A_9 = arith.constant 0 : index
    %get3A_10 = vector.load %arg4[%get3A_8, %get3A_9] : memref<1x512xf32, #tpu.memory_space<vmem>>, vector<1x512xf32>
    %add3A = vector.broadcast %get3A_10 : vector<1x512xf32> to vector<1024x512xf32>
    %add3A_11 = arith.addf %dot_general3A_7, %add3A : vector<1024x512xf32>
    %max3A = arith.constant 0.000000e+00 : f32
    %max3A_12 = vector.broadcast %max3A : f32 to vector<1024x512xf32>
    %max3A_13 = arith.maximumf %add3A_11, %max3A_12 : vector<1024x512xf32>
    %get3A_14 = arith.constant 0 : index
    %get3A_15 = arith.constant 0 : index
    %get3A_16 = vector.load %arg5[%get3A_14, %get3A_15] : memref<512x768xf32, #tpu.memory_space<vmem>>, vector<512x768xf32>
    %dot_general3A_17 = arith.constant dense<0.000000e+00> : vector<1024x768xf32>
    %dot_general3A_18 = tpu.matmul %max3A_13, %get3A_16, %dot_general3A_17 {dimension_numbers = #tpu.dot_dimension_numbers<[1], [0], [0], [1], [0, 0, 1, 1], [], []>, transpose_lhs_hint = false} : vector<1024x512xf32>, vector<512x768xf32>, vector<1024x768xf32> -> vector<1024x768xf32>
    %get3A_19 = arith.constant 0 : index
    %get3A_20 = arith.constant 0 : index
    %get3A_21 = vector.load %arg6[%get3A_19, %get3A_20] : memref<1x768xf32, #tpu.memory_space<vmem>>, vector<1x768xf32>
    %add3A_22 = vector.broadcast %get3A_21 : vector<1x768xf32> to vector<1024x768xf32>
    %add3A_23 = arith.addf %dot_general3A_18, %add3A_22 : vector<1024x768xf32>
    %get3A_24 = arith.constant 0 : index
    %get3A_25 = arith.constant 0 : index
    %get3A_26 = vector.load %arg2[%get3A_24, %get3A_25] : memref<1024x768xf32, #tpu.memory_space<vmem>>, vector<1024x768xf32>
    %sub3A = arith.subf %add3A_23, %get3A_26 : vector<1024x768xf32>
    %get3A_27 = arith.constant 0 : index
    %get3A_28 = arith.constant 0 : index
    %get3A_29 = vector.load %arg9[%get3A_27, %get3A_28] : memref<1x1xf32, #tpu.memory_space<vmem>>, vector<1x1xf32>
    %mul3A = arith.mulf %sub3A, %sub3A : vector<1024x768xf32>
    %reduce_sum3A = vector.shape_cast %mul3A : vector<1024x768xf32> to vector<1x1024x768xf32>
    %reduce_sum3A_30 = arith.constant dense<0.000000e+00> : vector<1xf32>
    %reduce_sum3A_31 = vector.multi_reduction <add>, %reduce_sum3A, %reduce_sum3A_30 [1, 2] : vector<1x1024x768xf32> to vector<1xf32>
    %reduce_sum3A_32 = vector.shape_cast %reduce_sum3A_31 : vector<1xf32> to vector<1x1x1xf32>
    %reduce_sum3A_33 = vector.extract %reduce_sum3A_32[0, 0, 0] : f32 from vector<1x1x1xf32>
    %mul3A_34 = arith.constant 3.9736431E-8 : f32
    %mul3A_35 = arith.mulf %reduce_sum3A_33, %mul3A_34 : f32
    %add3A_36 = vector.broadcast %mul3A_35 : f32 to vector<1x1xf32>
    %add3A_37 = arith.addf %get3A_29, %add3A_36 : vector<1x1xf32>
    %swap3A = arith.constant 0 : index
    %swap3A_38 = arith.constant 0 : index
    %swap3A_39 = vector.load %arg9[%swap3A, %swap3A_38] : memref<1x1xf32, #tpu.memory_space<vmem>>, vector<1x1xf32>
    tpu.vector_store %arg9[%swap3A, %swap3A_38], %add3A_37 {strides = array<i32>} : memref<1x1xf32, #tpu.memory_space<vmem>>, vector<1x1xf32>,
    return
  }
  func.func @transform_0(%arg0: i32) -> (i32, i32) {
    %c0_i32 = arith.constant 0 : i32
    %c0_i32_0 = arith.constant 0 : i32
    return %arg0, %c0_i32 : i32, i32
  }
  func.func @transform_1(%arg0: i32) -> (i32, i32) {
    %c0_i32 = arith.constant 0 : i32
    %c0_i32_0 = arith.constant 0 : i32
    return %arg0, %c0_i32 : i32, i32
  }
  func.func @transform_2(%arg0: i32) -> (i32, i32) {
    %c0_i32 = arith.constant 0 : i32
    %c0_i32_0 = arith.constant 0 : i32
    %c0_i32_1 = arith.constant 0 : i32
    return %c0_i32, %c0_i32_0 : i32, i32
  }
  func.func @transform_3(%arg0: i32) -> (i32, i32) {
    %c0_i32 = arith.constant 0 : i32
    %c0_i32_0 = arith.constant 0 : i32
    %c0_i32_1 = arith.constant 0 : i32
    return %c0_i32, %c0_i32_0 : i32, i32
  }
  func.func @transform_4(%arg0: i32) -> (i32, i32) {
    %c0_i32 = arith.constant 0 : i32
    %c0_i32_0 = arith.constant 0 : i32
    %c0_i32_1 = arith.constant 0 : i32
    return %c0_i32, %c0_i32_0 : i32, i32
  }
  func.func @transform_5(%arg0: i32) -> (i32, i32) {
    %c0_i32 = arith.constant 0 : i32
    %c0_i32_0 = arith.constant 0 : i32
    %c0_i32_1 = arith.constant 0 : i32
    return %c0_i32, %c0_i32_0 : i32, i32
  }
  func.func @transform_6(%arg0: i32) -> (i32, i32) {
    %c0_i32 = arith.constant 0 : i32
    %c0_i32_0 = arith.constant 0 : i32
    %c0_i32_1 = arith.constant 0 : i32
    return %c0_i32, %c0_i32_0 : i32, i32
  }
  func.func @transform_7(%arg0: i32) -> (i32, i32) {
    %c0_i32 = arith.constant 0 : i32
    %c0_i32_0 = arith.constant 0 : i32
    %c0_i32_1 = arith.constant 0 : i32
    return %c0_i32, %c0_i32_0 : i32, i32
  }
  func.func @transform_8(%arg0: i32) -> (i32, i32) {
    %c0_i32 = arith.constant 0 : i32
    %c0_i32_0 = arith.constant 0 : i32
    %c0_i32_1 = arith.constant 0 : i32
    return %c0_i32, %c0_i32_0 : i32, i32
  }
  func.func @transform_9(%arg0: i32) -> (i32, i32) {
    %c0_i32 = arith.constant 0 : i32
    %c0_i32_0 = arith.constant 0 : i32
    %c0_i32_1 = arith.constant 0 : i32
    return %c0_i32, %c0_i32_0 : i32, i32
  }
}

module attributes {stable_mosaic.version = 14 : i64} {
  func.func @body(%arg0: i32, %arg1: memref<1024x256xf32, #tpu.memory_space<vmem>>, %arg2: memref<1024x768xf32, #tpu.memory_space<vmem>>, %arg3: memref<256x512xf32, #tpu.memory_space<vmem>>, %arg4: memref<1x512xf32, #tpu.memory_space<vmem>>, %arg5: memref<512x768xf32, #tpu.memory_space<vmem>>, %arg6: memref<1x768xf32, #tpu.memory_space<vmem>>, %arg7: memref<1x1xf32, #tpu.memory_space<vmem>>, %arg8: memref<1x1xf32, #tpu.memory_space<vmem>>, %arg9: memref<1x1xf32, #tpu.memory_space<vmem>>, %arg10: memref<1x1xf32, #tpu.memory_space<vmem>>) attributes {dimension_semantics = [#tpu.dimension_semantics<arbitrary>], iteration_bounds = array<i64: 8>, scalar_prefetch = 0 : i64, scratch_operands = 0 : i64, tpu.core_type = #tpu.core_type<tc>, window_params = [{transform_indices = @transform_0, window_bounds = array<i64: 1024, 256>}, {transform_indices = @transform_1, window_bounds = array<i64: 1024, 768>}, {pipeline_mode = #tpu.pipeline_mode<synchronous>, transform_indices = @transform_2, window_bounds = array<i64: 256, 512>}, {pipeline_mode = #tpu.pipeline_mode<synchronous>, transform_indices = @transform_3, window_bounds = array<i64: 1, 512>}, {pipeline_mode = #tpu.pipeline_mode<synchronous>, transform_indices = @transform_4, window_bounds = array<i64: 512, 768>}, {pipeline_mode = #tpu.pipeline_mode<synchronous>, transform_indices = @transform_5, window_bounds = array<i64: 1, 768>}, {pipeline_mode = #tpu.pipeline_mode<synchronous>, transform_indices = @transform_6, window_bounds = array<i64: 1, 1>}, {pipeline_mode = #tpu.pipeline_mode<synchronous>, transform_indices = @transform_7, window_bounds = array<i64: 1, 1>}, {pipeline_mode = #tpu.pipeline_mode<synchronous>, transform_indices = @transform_8, window_bounds = array<i64: 1, 1>}, {pipeline_mode = #tpu.pipeline_mode<synchronous>, transform_indices = @transform_9, window_bounds = array<i64: 1, 1>}]} {
    %eq3A = arith.constant 0 : i32
    %eq3A_0 = arith.cmpi eq, %arg0, %eq3A : i32
    %convert_element_type3A = arith.extui %eq3A_0 : i1 to i32
    %cond3A = arith.constant 0 : i32
    %cond3A_1 = arith.cmpi ne, %convert_element_type3A, %cond3A : i32
    scf.if %cond3A_1 {
      %get3A_40 = arith.constant 0 : index
      %get3A_41 = arith.constant 0 : index
      %get3A_42 = vector.load %arg7[%get3A_40, %get3A_41] : memref<1x1xf32, #tpu.memory_space<vmem>>, vector<1x1xf32>
      %swap3A_43 = arith.constant 0 : index
      %swap3A_44 = arith.constant 0 : index
      %swap3A_45 = vector.load %arg9[%swap3A_43, %swap3A_44] : memref<1x1xf32, #tpu.memory_space<vmem>>, vector<1x1xf32>
      tpu.vector_store %arg9[%swap3A_43, %swap3A_44], %get3A_42 {strides = array<i32>} : memref<1x1xf32, #tpu.memory_space<vmem>>, vector<1x1xf32>,
      %get3A_46 = arith.constant 0 : index
      %get3A_47 = arith.constant 0 : index
      %get3A_48 = vector.load %arg8[%get3A_46, %get3A_47] : memref<1x1xf32, #tpu.memory_space<vmem>>, vector<1x1xf32>
      %swap3A_49 = arith.constant 0 : index
      %swap3A_50 = arith.constant 0 : index
      %swap3A_51 = vector.load %arg10[%swap3A_49, %swap3A_50] : memref<1x1xf32, #tpu.memory_space<vmem>>, vector<1x1xf32>
      tpu.vector_store %arg10[%swap3A_49, %swap3A_50], %get3A_48 {strides = array<i32>} : memref<1x1xf32, #tpu.memory_space<vmem>>, vector<1x1xf32>,
    } else {
    }
    %get3A = arith.constant 0 : index
    %get3A_2 = arith.constant 0 : index
    %get3A_3 = vector.load %arg1[%get3A, %get3A_2] : memref<1024x256xf32, #tpu.memory_space<vmem>>, vector<1024x256xf32>
    %get3A_4 = arith.constant 0 : index
    %get3A_5 = arith.constant 0 : index
    %get3A_6 = vector.load %arg3[%get3A_4, %get3A_5] : memref<256x512xf32, #tpu.memory_space<vmem>>, vector<256x512xf32>
    %dot_general3A = arith.constant dense<0.000000e+00> : vector<1024x512xf32>
    %dot_general3A_7 = tpu.matmul %get3A_3, %get3A_6, %dot_general3A {dimension_numbers = #tpu.dot_dimension_numbers<[1], [0], [0], [1], [0, 0, 1, 1], [], []>, transpose_lhs_hint = false} : vector<1024x256xf32>, vector<256x512xf32>, vector<1024x512xf32> -> vector<1024x512xf32>
    %get3A_8 = arith.constant 0 : index
    %get3A_9 = arith.constant 0 : index
    %get3A_10 = vector.load %arg4[%get3A_8, %get3A_9] : memref<1x512xf32, #tpu.memory_space<vmem>>, vector<1x512xf32>
    %add3A = vector.broadcast %get3A_10 : vector<1x512xf32> to vector<1024x512xf32>
    %add3A_11 = arith.addf %dot_general3A_7, %add3A : vector<1024x512xf32>
    %max3A = arith.constant 0.000000e+00 : f32
    %max3A_12 = vector.broadcast %max3A : f32 to vector<1024x512xf32>
    %max3A_13 = arith.maximumf %add3A_11, %max3A_12 : vector<1024x512xf32>
    %get3A_14 = arith.constant 0 : index
    %get3A_15 = arith.constant 0 : index
    %get3A_16 = vector.load %arg5[%get3A_14, %get3A_15] : memref<512x768xf32, #tpu.memory_space<vmem>>, vector<512x768xf32>
    %dot_general3A_17 = arith.constant dense<0.000000e+00> : vector<1024x768xf32>
    %dot_general3A_18 = tpu.matmul %max3A_13, %get3A_16, %dot_general3A_17 {dimension_numbers = #tpu.dot_dimension_numbers<[1], [0], [0], [1], [0, 0, 1, 1], [], []>, transpose_lhs_hint = false} : vector<1024x512xf32>, vector<512x768xf32>, vector<1024x768xf32> -> vector<1024x768xf32>
    %get3A_19 = arith.constant 0 : index
    %get3A_20 = arith.constant 0 : index
    %get3A_21 = vector.load %arg6[%get3A_19, %get3A_20] : memref<1x768xf32, #tpu.memory_space<vmem>>, vector<1x768xf32>
    %add3A_22 = vector.broadcast %get3A_21 : vector<1x768xf32> to vector<1024x768xf32>
    %add3A_23 = arith.addf %dot_general3A_18, %add3A_22 : vector<1024x768xf32>
    %get3A_24 = arith.constant 0 : index
    %get3A_25 = arith.constant 0 : index
    %get3A_26 = vector.load %arg2[%get3A_24, %get3A_25] : memref<1024x768xf32, #tpu.memory_space<vmem>>, vector<1024x768xf32>
    %sub3A = arith.subf %add3A_23, %get3A_26 : vector<1024x768xf32>
    %get3A_27 = arith.constant 0 : index
    %get3A_28 = arith.constant 0 : index
    %get3A_29 = vector.load %arg9[%get3A_27, %get3A_28] : memref<1x1xf32, #tpu.memory_space<vmem>>, vector<1x1xf32>
    %mul3A = arith.mulf %sub3A, %sub3A : vector<1024x768xf32>
    %reduce_sum3A = vector.shape_cast %mul3A : vector<1024x768xf32> to vector<1x1024x768xf32>
    %reduce_sum3A_30 = arith.constant dense<0.000000e+00> : vector<1xf32>
    %reduce_sum3A_31 = vector.multi_reduction <add>, %reduce_sum3A, %reduce_sum3A_30 [1, 2] : vector<1x1024x768xf32> to vector<1xf32>
    %reduce_sum3A_32 = vector.shape_cast %reduce_sum3A_31 : vector<1xf32> to vector<1x1x1xf32>
    %reduce_sum3A_33 = vector.extract %reduce_sum3A_32[0, 0, 0] : f32 from vector<1x1x1xf32>
    %mul3A_34 = arith.constant 3.9736431E-8 : f32
    %mul3A_35 = arith.mulf %reduce_sum3A_33, %mul3A_34 : f32
    %add3A_36 = vector.broadcast %mul3A_35 : f32 to vector<1x1xf32>
    %add3A_37 = arith.addf %get3A_29, %add3A_36 : vector<1x1xf32>
    %swap3A = arith.constant 0 : index
    %swap3A_38 = arith.constant 0 : index
    %swap3A_39 = vector.load %arg9[%swap3A, %swap3A_38] : memref<1x1xf32, #tpu.memory_space<vmem>>, vector<1x1xf32>
    tpu.vector_store %arg9[%swap3A, %swap3A_38], %add3A_37 {strides = array<i32>} : memref<1x1xf32, #tpu.memory_space<vmem>>, vector<1x1xf32>,
    return
  }
  func.func @transform_0(%arg0: i32) -> (i32, i32) {
    %c0_i32 = arith.constant 0 : i32
    %c0_i32_0 = arith.constant 0 : i32
    return %arg0, %c0_i32 : i32, i32
  }
  func.func @transform_1(%arg0: i32) -> (i32, i32) {
    %c1_i32 = arith.constant 1 : i32
    %c0_i32 = arith.constant 0 : i32
    return %arg0, %c1_i32 : i32, i32
  }
  func.func @transform_2(%arg0: i32) -> (i32, i32) {
    %c0_i32 = arith.constant 0 : i32
    %c0_i32_0 = arith.constant 0 : i32
    %c0_i32_1 = arith.constant 0 : i32
    return %c0_i32, %c0_i32_0 : i32, i32
  }
  func.func @transform_3(%arg0: i32) -> (i32, i32) {
    %c0_i32 = arith.constant 0 : i32
    %c0_i32_0 = arith.constant 0 : i32
    %c0_i32_1 = arith.constant 0 : i32
    return %c0_i32, %c0_i32_0 : i32, i32
  }
  func.func @transform_4(%arg0: i32) -> (i32, i32) {
    %c0_i32 = arith.constant 0 : i32
    %c0_i32_0 = arith.constant 0 : i32
    %c0_i32_1 = arith.constant 0 : i32
    return %c0_i32, %c0_i32_0 : i32, i32
  }
  func.func @transform_5(%arg0: i32) -> (i32, i32) {
    %c0_i32 = arith.constant 0 : i32
    %c0_i32_0 = arith.constant 0 : i32
    %c0_i32_1 = arith.constant 0 : i32
    return %c0_i32, %c0_i32_0 : i32, i32
  }
  func.func @transform_6(%arg0: i32) -> (i32, i32) {
    %c0_i32 = arith.constant 0 : i32
    %c0_i32_0 = arith.constant 0 : i32
    %c0_i32_1 = arith.constant 0 : i32
    return %c0_i32, %c0_i32_0 : i32, i32
  }
  func.func @transform_7(%arg0: i32) -> (i32, i32) {
    %c0_i32 = arith.constant 0 : i32
    %c0_i32_0 = arith.constant 0 : i32
    %c0_i32_1 = arith.constant 0 : i32
    return %c0_i32, %c0_i32_0 : i32, i32
  }
  func.func @transform_8(%arg0: i32) -> (i32, i32) {
    %c0_i32 = arith.constant 0 : i32
    %c0_i32_0 = arith.constant 0 : i32
    %c0_i32_1 = arith.constant 0 : i32
    return %c0_i32, %c0_i32_0 : i32, i32
  }
  func.func @transform_9(%arg0: i32) -> (i32, i32) {
    %c0_i32 = arith.constant 0 : i32
    %c0_i32_0 = arith.constant 0 : i32
    %c0_i32_1 = arith.constant 0 : i32
    return %c0_i32, %c0_i32_0 : i32, i32
  }
}

module attributes {stable_mosaic.version = 14 : i64} {
  func.func @body(%arg0: i32, %arg1: memref<1024x256xf32, #tpu.memory_space<vmem>>, %arg2: memref<1024x768xf32, #tpu.memory_space<vmem>>, %arg3: memref<256x512xf32, #tpu.memory_space<vmem>>, %arg4: memref<1x512xf32, #tpu.memory_space<vmem>>, %arg5: memref<512x768xf32, #tpu.memory_space<vmem>>, %arg6: memref<1x768xf32, #tpu.memory_space<vmem>>, %arg7: memref<1x1xf32, #tpu.memory_space<vmem>>, %arg8: memref<1x1xf32, #tpu.memory_space<vmem>>, %arg9: memref<1x1xf32, #tpu.memory_space<vmem>>, %arg10: memref<1x1xf32, #tpu.memory_space<vmem>>) attributes {dimension_semantics = [#tpu.dimension_semantics<arbitrary>], iteration_bounds = array<i64: 8>, scalar_prefetch = 0 : i64, scratch_operands = 0 : i64, tpu.core_type = #tpu.core_type<tc>, window_params = [{transform_indices = @transform_0, window_bounds = array<i64: 1024, 256>}, {transform_indices = @transform_1, window_bounds = array<i64: 1024, 768>}, {pipeline_mode = #tpu.pipeline_mode<synchronous>, transform_indices = @transform_2, window_bounds = array<i64: 256, 512>}, {pipeline_mode = #tpu.pipeline_mode<synchronous>, transform_indices = @transform_3, window_bounds = array<i64: 1, 512>}, {pipeline_mode = #tpu.pipeline_mode<synchronous>, transform_indices = @transform_4, window_bounds = array<i64: 512, 768>}, {pipeline_mode = #tpu.pipeline_mode<synchronous>, transform_indices = @transform_5, window_bounds = array<i64: 1, 768>}, {pipeline_mode = #tpu.pipeline_mode<synchronous>, transform_indices = @transform_6, window_bounds = array<i64: 1, 1>}, {pipeline_mode = #tpu.pipeline_mode<synchronous>, transform_indices = @transform_7, window_bounds = array<i64: 1, 1>}, {pipeline_mode = #tpu.pipeline_mode<synchronous>, transform_indices = @transform_8, window_bounds = array<i64: 1, 1>}, {pipeline_mode = #tpu.pipeline_mode<synchronous>, transform_indices = @transform_9, window_bounds = array<i64: 1, 1>}]} {
    %eq3A = arith.constant 0 : i32
    %eq3A_0 = arith.cmpi eq, %arg0, %eq3A : i32
    %convert_element_type3A = arith.extui %eq3A_0 : i1 to i32
    %cond3A = arith.constant 0 : i32
    %cond3A_1 = arith.cmpi ne, %convert_element_type3A, %cond3A : i32
    scf.if %cond3A_1 {
      %get3A_40 = arith.constant 0 : index
      %get3A_41 = arith.constant 0 : index
      %get3A_42 = vector.load %arg7[%get3A_40, %get3A_41] : memref<1x1xf32, #tpu.memory_space<vmem>>, vector<1x1xf32>
      %swap3A_43 = arith.constant 0 : index
      %swap3A_44 = arith.constant 0 : index
      %swap3A_45 = vector.load %arg9[%swap3A_43, %swap3A_44] : memref<1x1xf32, #tpu.memory_space<vmem>>, vector<1x1xf32>
      tpu.vector_store %arg9[%swap3A_43, %swap3A_44], %get3A_42 {strides = array<i32>} : memref<1x1xf32, #tpu.memory_space<vmem>>, vector<1x1xf32>,
      %get3A_46 = arith.constant 0 : index
      %get3A_47 = arith.constant 0 : index
      %get3A_48 = vector.load %arg8[%get3A_46, %get3A_47] : memref<1x1xf32, #tpu.memory_space<vmem>>, vector<1x1xf32>
      %swap3A_49 = arith.constant 0 : index
      %swap3A_50 = arith.constant 0 : index
      %swap3A_51 = vector.load %arg10[%swap3A_49, %swap3A_50] : memref<1x1xf32, #tpu.memory_space<vmem>>, vector<1x1xf32>
      tpu.vector_store %arg10[%swap3A_49, %swap3A_50], %get3A_48 {strides = array<i32>} : memref<1x1xf32, #tpu.memory_space<vmem>>, vector<1x1xf32>,
    } else {
    }
    %get3A = arith.constant 0 : index
    %get3A_2 = arith.constant 0 : index
    %get3A_3 = vector.load %arg1[%get3A, %get3A_2] : memref<1024x256xf32, #tpu.memory_space<vmem>>, vector<1024x256xf32>
    %get3A_4 = arith.constant 0 : index
    %get3A_5 = arith.constant 0 : index
    %get3A_6 = vector.load %arg3[%get3A_4, %get3A_5] : memref<256x512xf32, #tpu.memory_space<vmem>>, vector<256x512xf32>
    %dot_general3A = arith.constant dense<0.000000e+00> : vector<1024x512xf32>
    %dot_general3A_7 = tpu.matmul %get3A_3, %get3A_6, %dot_general3A {dimension_numbers = #tpu.dot_dimension_numbers<[1], [0], [0], [1], [0, 0, 1, 1], [], []>, transpose_lhs_hint = false} : vector<1024x256xf32>, vector<256x512xf32>, vector<1024x512xf32> -> vector<1024x512xf32>
    %get3A_8 = arith.constant 0 : index
    %get3A_9 = arith.constant 0 : index
    %get3A_10 = vector.load %arg4[%get3A_8, %get3A_9] : memref<1x512xf32, #tpu.memory_space<vmem>>, vector<1x512xf32>
    %add3A = vector.broadcast %get3A_10 : vector<1x512xf32> to vector<1024x512xf32>
    %add3A_11 = arith.addf %dot_general3A_7, %add3A : vector<1024x512xf32>
    %max3A = arith.constant 0.000000e+00 : f32
    %max3A_12 = vector.broadcast %max3A : f32 to vector<1024x512xf32>
    %max3A_13 = arith.maximumf %add3A_11, %max3A_12 : vector<1024x512xf32>
    %get3A_14 = arith.constant 0 : index
    %get3A_15 = arith.constant 0 : index
    %get3A_16 = vector.load %arg5[%get3A_14, %get3A_15] : memref<512x768xf32, #tpu.memory_space<vmem>>, vector<512x768xf32>
    %dot_general3A_17 = arith.constant dense<0.000000e+00> : vector<1024x768xf32>
    %dot_general3A_18 = tpu.matmul %max3A_13, %get3A_16, %dot_general3A_17 {dimension_numbers = #tpu.dot_dimension_numbers<[1], [0], [0], [1], [0, 0, 1, 1], [], []>, transpose_lhs_hint = false} : vector<1024x512xf32>, vector<512x768xf32>, vector<1024x768xf32> -> vector<1024x768xf32>
    %get3A_19 = arith.constant 0 : index
    %get3A_20 = arith.constant 0 : index
    %get3A_21 = vector.load %arg6[%get3A_19, %get3A_20] : memref<1x768xf32, #tpu.memory_space<vmem>>, vector<1x768xf32>
    %add3A_22 = vector.broadcast %get3A_21 : vector<1x768xf32> to vector<1024x768xf32>
    %add3A_23 = arith.addf %dot_general3A_18, %add3A_22 : vector<1024x768xf32>
    %get3A_24 = arith.constant 0 : index
    %get3A_25 = arith.constant 0 : index
    %get3A_26 = vector.load %arg2[%get3A_24, %get3A_25] : memref<1024x768xf32, #tpu.memory_space<vmem>>, vector<1024x768xf32>
    %sub3A = arith.subf %add3A_23, %get3A_26 : vector<1024x768xf32>
    %get3A_27 = arith.constant 0 : index
    %get3A_28 = arith.constant 0 : index
    %get3A_29 = vector.load %arg9[%get3A_27, %get3A_28] : memref<1x1xf32, #tpu.memory_space<vmem>>, vector<1x1xf32>
    %mul3A = arith.mulf %sub3A, %sub3A : vector<1024x768xf32>
    %reduce_sum3A = vector.shape_cast %mul3A : vector<1024x768xf32> to vector<1x1024x768xf32>
    %reduce_sum3A_30 = arith.constant dense<0.000000e+00> : vector<1xf32>
    %reduce_sum3A_31 = vector.multi_reduction <add>, %reduce_sum3A, %reduce_sum3A_30 [1, 2] : vector<1x1024x768xf32> to vector<1xf32>
    %reduce_sum3A_32 = vector.shape_cast %reduce_sum3A_31 : vector<1xf32> to vector<1x1x1xf32>
    %reduce_sum3A_33 = vector.extract %reduce_sum3A_32[0, 0, 0] : f32 from vector<1x1x1xf32>
    %mul3A_34 = arith.constant 3.9736431E-8 : f32
    %mul3A_35 = arith.mulf %reduce_sum3A_33, %mul3A_34 : f32
    %add3A_36 = vector.broadcast %mul3A_35 : f32 to vector<1x1xf32>
    %add3A_37 = arith.addf %get3A_29, %add3A_36 : vector<1x1xf32>
    %swap3A = arith.constant 0 : index
    %swap3A_38 = arith.constant 0 : index
    %swap3A_39 = vector.load %arg9[%swap3A, %swap3A_38] : memref<1x1xf32, #tpu.memory_space<vmem>>, vector<1x1xf32>
    tpu.vector_store %arg9[%swap3A, %swap3A_38], %add3A_37 {strides = array<i32>} : memref<1x1xf32, #tpu.memory_space<vmem>>, vector<1x1xf32>,
    return
  }
  func.func @transform_0(%arg0: i32) -> (i32, i32) {
    %c0_i32 = arith.constant 0 : i32
    %c0_i32_0 = arith.constant 0 : i32
    return %arg0, %c0_i32 : i32, i32
  }
  func.func @transform_1(%arg0: i32) -> (i32, i32) {
    %c2_i32 = arith.constant 2 : i32
    %c0_i32 = arith.constant 0 : i32
    return %arg0, %c2_i32 : i32, i32
  }
  func.func @transform_2(%arg0: i32) -> (i32, i32) {
    %c0_i32 = arith.constant 0 : i32
    %c0_i32_0 = arith.constant 0 : i32
    %c0_i32_1 = arith.constant 0 : i32
    return %c0_i32, %c0_i32_0 : i32, i32
  }
  func.func @transform_3(%arg0: i32) -> (i32, i32) {
    %c0_i32 = arith.constant 0 : i32
    %c0_i32_0 = arith.constant 0 : i32
    %c0_i32_1 = arith.constant 0 : i32
    return %c0_i32, %c0_i32_0 : i32, i32
  }
  func.func @transform_4(%arg0: i32) -> (i32, i32) {
    %c0_i32 = arith.constant 0 : i32
    %c0_i32_0 = arith.constant 0 : i32
    %c0_i32_1 = arith.constant 0 : i32
    return %c0_i32, %c0_i32_0 : i32, i32
  }
  func.func @transform_5(%arg0: i32) -> (i32, i32) {
    %c0_i32 = arith.constant 0 : i32
    %c0_i32_0 = arith.constant 0 : i32
    %c0_i32_1 = arith.constant 0 : i32
    return %c0_i32, %c0_i32_0 : i32, i32
  }
  func.func @transform_6(%arg0: i32) -> (i32, i32) {
    %c0_i32 = arith.constant 0 : i32
    %c0_i32_0 = arith.constant 0 : i32
    %c0_i32_1 = arith.constant 0 : i32
    return %c0_i32, %c0_i32_0 : i32, i32
  }
  func.func @transform_7(%arg0: i32) -> (i32, i32) {
    %c0_i32 = arith.constant 0 : i32
    %c0_i32_0 = arith.constant 0 : i32
    %c0_i32_1 = arith.constant 0 : i32
    return %c0_i32, %c0_i32_0 : i32, i32
  }
  func.func @transform_8(%arg0: i32) -> (i32, i32) {
    %c0_i32 = arith.constant 0 : i32
    %c0_i32_0 = arith.constant 0 : i32
    %c0_i32_1 = arith.constant 0 : i32
    return %c0_i32, %c0_i32_0 : i32, i32
  }
  func.func @transform_9(%arg0: i32) -> (i32, i32) {
    %c0_i32 = arith.constant 0 : i32
    %c0_i32_0 = arith.constant 0 : i32
    %c0_i32_1 = arith.constant 0 : i32
    return %c0_i32, %c0_i32_0 : i32, i32
  }
}

module attributes {stable_mosaic.version = 14 : i64} {
  func.func @body(%arg0: i32, %arg1: memref<1024x256xf32, #tpu.memory_space<vmem>>, %arg2: memref<1024x256xf32, #tpu.memory_space<vmem>>, %arg3: memref<1024x768xf32, #tpu.memory_space<vmem>>, %arg4: memref<256x512xf32, #tpu.memory_space<vmem>>, %arg5: memref<1x512xf32, #tpu.memory_space<vmem>>, %arg6: memref<512x768xf32, #tpu.memory_space<vmem>>, %arg7: memref<1x768xf32, #tpu.memory_space<vmem>>, %arg8: memref<1x1xf32, #tpu.memory_space<vmem>>, %arg9: memref<1x1xf32, #tpu.memory_space<vmem>>, %arg10: memref<1x1xf32, #tpu.memory_space<vmem>>, %arg11: memref<1x1xf32, #tpu.memory_space<vmem>>) attributes {dimension_semantics = [#tpu.dimension_semantics<arbitrary>], iteration_bounds = array<i64: 8>, scalar_prefetch = 0 : i64, scratch_operands = 0 : i64, tpu.core_type = #tpu.core_type<tc>, window_params = [{transform_indices = @transform_0, window_bounds = array<i64: 1024, 256>}, {transform_indices = @transform_1, window_bounds = array<i64: 1024, 256>}, {transform_indices = @transform_2, window_bounds = array<i64: 1024, 768>}, {pipeline_mode = #tpu.pipeline_mode<synchronous>, transform_indices = @transform_3, window_bounds = array<i64: 256, 512>}, {pipeline_mode = #tpu.pipeline_mode<synchronous>, transform_indices = @transform_4, window_bounds = array<i64: 1, 512>}, {pipeline_mode = #tpu.pipeline_mode<synchronous>, transform_indices = @transform_5, window_bounds = array<i64: 512, 768>}, {pipeline_mode = #tpu.pipeline_mode<synchronous>, transform_indices = @transform_6, window_bounds = array<i64: 1, 768>}, {pipeline_mode = #tpu.pipeline_mode<synchronous>, transform_indices = @transform_7, window_bounds = array<i64: 1, 1>}, {pipeline_mode = #tpu.pipeline_mode<synchronous>, transform_indices = @transform_8, window_bounds = array<i64: 1, 1>}, {pipeline_mode = #tpu.pipeline_mode<synchronous>, transform_indices = @transform_9, window_bounds = array<i64: 1, 1>}, {pipeline_mode = #tpu.pipeline_mode<synchronous>, transform_indices = @transform_10, window_bounds = array<i64: 1, 1>}]} {
    %eq3A = arith.constant 0 : i32
    %eq3A_0 = arith.cmpi eq, %arg0, %eq3A : i32
    %convert_element_type3A = arith.extui %eq3A_0 : i1 to i32
    %cond3A = arith.constant 0 : i32
    %cond3A_1 = arith.cmpi ne, %convert_element_type3A, %cond3A : i32
    scf.if %cond3A_1 {
      %get3A_60 = arith.constant 0 : index
      %get3A_61 = arith.constant 0 : index
      %get3A_62 = vector.load %arg8[%get3A_60, %get3A_61] : memref<1x1xf32, #tpu.memory_space<vmem>>, vector<1x1xf32>
      %swap3A_63 = arith.constant 0 : index
      %swap3A_64 = arith.constant 0 : index
      %swap3A_65 = vector.load %arg10[%swap3A_63, %swap3A_64] : memref<1x1xf32, #tpu.memory_space<vmem>>, vector<1x1xf32>
      tpu.vector_store %arg10[%swap3A_63, %swap3A_64], %get3A_62 {strides = array<i32>} : memref<1x1xf32, #tpu.memory_space<vmem>>, vector<1x1xf32>,
      %get3A_66 = arith.constant 0 : index
      %get3A_67 = arith.constant 0 : index
      %get3A_68 = vector.load %arg9[%get3A_66, %get3A_67] : memref<1x1xf32, #tpu.memory_space<vmem>>, vector<1x1xf32>
      %swap3A_69 = arith.constant 0 : index
      %swap3A_70 = arith.constant 0 : index
      %swap3A_71 = vector.load %arg11[%swap3A_69, %swap3A_70] : memref<1x1xf32, #tpu.memory_space<vmem>>, vector<1x1xf32>
      tpu.vector_store %arg11[%swap3A_69, %swap3A_70], %get3A_68 {strides = array<i32>} : memref<1x1xf32, #tpu.memory_space<vmem>>, vector<1x1xf32>,
    } else {
    }
    %get3A = arith.constant 0 : index
    %get3A_2 = arith.constant 0 : index
    %get3A_3 = vector.load %arg1[%get3A, %get3A_2] : memref<1024x256xf32, #tpu.memory_space<vmem>>, vector<1024x256xf32>
    %get3A_4 = arith.constant 0 : index
    %get3A_5 = arith.constant 0 : index
    %get3A_6 = vector.load %arg4[%get3A_4, %get3A_5] : memref<256x512xf32, #tpu.memory_space<vmem>>, vector<256x512xf32>
    %dot_general3A = arith.constant dense<0.000000e+00> : vector<1024x512xf32>
    %dot_general3A_7 = tpu.matmul %get3A_3, %get3A_6, %dot_general3A {dimension_numbers = #tpu.dot_dimension_numbers<[1], [0], [0], [1], [0, 0, 1, 1], [], []>, transpose_lhs_hint = false} : vector<1024x256xf32>, vector<256x512xf32>, vector<1024x512xf32> -> vector<1024x512xf32>
    %get3A_8 = arith.constant 0 : index
    %get3A_9 = arith.constant 0 : index
    %get3A_10 = vector.load %arg5[%get3A_8, %get3A_9] : memref<1x512xf32, #tpu.memory_space<vmem>>, vector<1x512xf32>
    %add3A = vector.broadcast %get3A_10 : vector<1x512xf32> to vector<1024x512xf32>
    %add3A_11 = arith.addf %dot_general3A_7, %add3A : vector<1024x512xf32>
    %max3A = arith.constant 0.000000e+00 : f32
    %max3A_12 = vector.broadcast %max3A : f32 to vector<1024x512xf32>
    %max3A_13 = arith.maximumf %add3A_11, %max3A_12 : vector<1024x512xf32>
    %get3A_14 = arith.constant 0 : index
    %get3A_15 = arith.constant 0 : index
    %get3A_16 = vector.load %arg6[%get3A_14, %get3A_15] : memref<512x768xf32, #tpu.memory_space<vmem>>, vector<512x768xf32>
    %dot_general3A_17 = arith.constant dense<0.000000e+00> : vector<1024x768xf32>
    %dot_general3A_18 = tpu.matmul %max3A_13, %get3A_16, %dot_general3A_17 {dimension_numbers = #tpu.dot_dimension_numbers<[1], [0], [0], [1], [0, 0, 1, 1], [], []>, transpose_lhs_hint = false} : vector<1024x512xf32>, vector<512x768xf32>, vector<1024x768xf32> -> vector<1024x768xf32>
    %get3A_19 = arith.constant 0 : index
    %get3A_20 = arith.constant 0 : index
    %get3A_21 = vector.load %arg7[%get3A_19, %get3A_20] : memref<1x768xf32, #tpu.memory_space<vmem>>, vector<1x768xf32>
    %add3A_22 = vector.broadcast %get3A_21 : vector<1x768xf32> to vector<1024x768xf32>
    %add3A_23 = arith.addf %dot_general3A_18, %add3A_22 : vector<1024x768xf32>
    %get3A_24 = arith.constant 0 : index
    %get3A_25 = arith.constant 0 : index
    %get3A_26 = vector.load %arg3[%get3A_24, %get3A_25] : memref<1024x768xf32, #tpu.memory_space<vmem>>, vector<1024x768xf32>
    %sub3A = arith.subf %add3A_23, %get3A_26 : vector<1024x768xf32>
    %get3A_27 = arith.constant 0 : index
    %get3A_28 = arith.constant 0 : index
    %get3A_29 = vector.load %arg10[%get3A_27, %get3A_28] : memref<1x1xf32, #tpu.memory_space<vmem>>, vector<1x1xf32>
    %mul3A = arith.mulf %sub3A, %sub3A : vector<1024x768xf32>
    %reduce_sum3A = vector.shape_cast %mul3A : vector<1024x768xf32> to vector<1x1024x768xf32>
    %reduce_sum3A_30 = arith.constant dense<0.000000e+00> : vector<1xf32>
    %reduce_sum3A_31 = vector.multi_reduction <add>, %reduce_sum3A, %reduce_sum3A_30 [1, 2] : vector<1x1024x768xf32> to vector<1xf32>
    %reduce_sum3A_32 = vector.shape_cast %reduce_sum3A_31 : vector<1xf32> to vector<1x1x1xf32>
    %reduce_sum3A_33 = vector.extract %reduce_sum3A_32[0, 0, 0] : f32 from vector<1x1x1xf32>
    %mul3A_34 = arith.constant 3.9736431E-8 : f32
    %mul3A_35 = arith.mulf %reduce_sum3A_33, %mul3A_34 : f32
    %add3A_36 = vector.broadcast %mul3A_35 : f32 to vector<1x1xf32>
    %add3A_37 = arith.addf %get3A_29, %add3A_36 : vector<1x1xf32>
    %swap3A = arith.constant 0 : index
    %swap3A_38 = arith.constant 0 : index
    %swap3A_39 = vector.load %arg10[%swap3A, %swap3A_38] : memref<1x1xf32, #tpu.memory_space<vmem>>, vector<1x1xf32>
    tpu.vector_store %arg10[%swap3A, %swap3A_38], %add3A_37 {strides = array<i32>} : memref<1x1xf32, #tpu.memory_space<vmem>>, vector<1x1xf32>,
    %get3A_40 = arith.constant 0 : index
    %get3A_41 = arith.constant 0 : index
    %get3A_42 = vector.load %arg2[%get3A_40, %get3A_41] : memref<1024x256xf32, #tpu.memory_space<vmem>>, vector<1024x256xf32>
    %sub3A_43 = arith.subf %get3A_3, %get3A_42 : vector<1024x256xf32>
    %get3A_44 = arith.constant 0 : index
    %get3A_45 = arith.constant 0 : index
    %get3A_46 = vector.load %arg11[%get3A_44, %get3A_45] : memref<1x1xf32, #tpu.memory_space<vmem>>, vector<1x1xf32>
    %mul3A_47 = arith.mulf %sub3A_43, %sub3A_43 : vector<1024x256xf32>
    %reduce_sum3A_48 = vector.shape_cast %mul3A_47 : vector<1024x256xf32> to vector<1x1024x256xf32>
    %reduce_sum3A_49 = arith.constant dense<0.000000e+00> : vector<1xf32>
    %reduce_sum3A_50 = vector.multi_reduction <add>, %reduce_sum3A_48, %reduce_sum3A_49 [1, 2] : vector<1x1024x256xf32> to vector<1xf32>
    %reduce_sum3A_51 = vector.shape_cast %reduce_sum3A_50 : vector<1xf32> to vector<1x1x1xf32>
    %reduce_sum3A_52 = vector.extract %reduce_sum3A_51[0, 0, 0] : f32 from vector<1x1x1xf32>
    %mul3A_53 = arith.constant 1.1920929E-7 : f32
    %mul3A_54 = arith.mulf %reduce_sum3A_52, %mul3A_53 : f32
    %add3A_55 = vector.broadcast %mul3A_54 : f32 to vector<1x1xf32>
    %add3A_56 = arith.addf %get3A_46, %add3A_55 : vector<1x1xf32>
    %swap3A_57 = arith.constant 0 : index
    %swap3A_58 = arith.constant 0 : index
    %swap3A_59 = vector.load %arg11[%swap3A_57, %swap3A_58] : memref<1x1xf32, #tpu.memory_space<vmem>>, vector<1x1xf32>
    tpu.vector_store %arg11[%swap3A_57, %swap3A_58], %add3A_56 {strides = array<i32>} : memref<1x1xf32, #tpu.memory_space<vmem>>, vector<1x1xf32>,
    return
  }
  func.func @transform_0(%arg0: i32) -> (i32, i32) {
    %c0_i32 = arith.constant 0 : i32
    %c0_i32_0 = arith.constant 0 : i32
    return %arg0, %c0_i32 : i32, i32
  }
  func.func @transform_1(%arg0: i32) -> (i32, i32) {
    %c0_i32 = arith.constant 0 : i32
    %c0_i32_0 = arith.constant 0 : i32
    return %arg0, %c0_i32 : i32, i32
  }
  func.func @transform_2(%arg0: i32) -> (i32, i32) {
    %c3_i32 = arith.constant 3 : i32
    %c0_i32 = arith.constant 0 : i32
    return %arg0, %c3_i32 : i32, i32
  }
  func.func @transform_3(%arg0: i32) -> (i32, i32) {
    %c0_i32 = arith.constant 0 : i32
    %c0_i32_0 = arith.constant 0 : i32
    %c0_i32_1 = arith.constant 0 : i32
    return %c0_i32, %c0_i32_0 : i32, i32
  }
  func.func @transform_4(%arg0: i32) -> (i32, i32) {
    %c0_i32 = arith.constant 0 : i32
    %c0_i32_0 = arith.constant 0 : i32
    %c0_i32_1 = arith.constant 0 : i32
    return %c0_i32, %c0_i32_0 : i32, i32
  }
  func.func @transform_5(%arg0: i32) -> (i32, i32) {
    %c0_i32 = arith.constant 0 : i32
    %c0_i32_0 = arith.constant 0 : i32
    %c0_i32_1 = arith.constant 0 : i32
    return %c0_i32, %c0_i32_0 : i32, i32
  }
  func.func @transform_6(%arg0: i32) -> (i32, i32) {
    %c0_i32 = arith.constant 0 : i32
    %c0_i32_0 = arith.constant 0 : i32
    %c0_i32_1 = arith.constant 0 : i32
    return %c0_i32, %c0_i32_0 : i32, i32
  }
  func.func @transform_7(%arg0: i32) -> (i32, i32) {
    %c0_i32 = arith.constant 0 : i32
    %c0_i32_0 = arith.constant 0 : i32
    %c0_i32_1 = arith.constant 0 : i32
    return %c0_i32, %c0_i32_0 : i32, i32
  }
  func.func @transform_8(%arg0: i32) -> (i32, i32) {
    %c0_i32 = arith.constant 0 : i32
    %c0_i32_0 = arith.constant 0 : i32
    %c0_i32_1 = arith.constant 0 : i32
    return %c0_i32, %c0_i32_0 : i32, i32
  }
  func.func @transform_9(%arg0: i32) -> (i32, i32) {
    %c0_i32 = arith.constant 0 : i32
    %c0_i32_0 = arith.constant 0 : i32
    %c0_i32_1 = arith.constant 0 : i32
    return %c0_i32, %c0_i32_0 : i32, i32
  }
  func.func @transform_10(%arg0: i32) -> (i32, i32) {
    %c0_i32 = arith.constant 0 : i32
    %c0_i32_0 = arith.constant 0 : i32
    %c0_i32_1 = arith.constant 0 : i32
    return %c0_i32, %c0_i32_0 : i32, i32
  }
}

</mosaic_0001>

<sc_bundles>
// kernel: kernel.14.cloned.1.call-start
scs
__scs_entry_jumppad:
0x0: {  	(pc) =	sbr.rel $0x88, $3  }
0x1: {  	(tag) =	ssettag $0x0;
	lr =	simm.s32 $0x1  }
0x2: {  	[smem:$0x3F97] =	sst lr;
	_ =	strace $0xD0000000  }
0x3: {  	_ = 	snop  }
0x4: {  	_ = 	snop  }
0x5: {  	_ = 	snop  }
0x6: {  	_ = 	snop  }
0x7: {  	_ = 	snop  }
__scs_overlays_trampoline_lowered:
0x8: {  	[smem:$0x3FA6] =	sst s0  }
0x9: {  	[smem:$0x3FA7] =	sst s1  }
0xa: {  	[smem:$0x3FA8] =	sst s2  }
0xb: {  	[smem:$0x3FA9] =	sst s3  }
0xc: {  	[smem:$0x3FAA] =	sst s4  }
0xd: {  	[smem:$0x3FAB] =	sst s5  }
0xe: {  	[smem:$0x3FAC] =	sst s6  }
0xf: {  	[smem:$0x3FAD] =	sst s7  }
0x10: {  	[smem:$0x3FAE] =	sst s8  }
0x11: {  	[smem:$0x3FAF] =	sst s9;
	s0 =	simm.s32 @!p0 $0x0  }
0x12: {  	s1 =	sld [smem:$0x3F95];
	s0 =	simm.s32 @p0 $0x1  }
0x13: {  	[smem:$0x3FB0] =	sst s0;
	s0 =	simm.s32 @!p1 $0x0  }
0x14: {  	s2 =	sld [smem:$0x3F94];
	s0 =	simm.s32 @p1 $0x1  }
0x15: {  	[smem:$0x3FB1] =	sst s0;
	s0 =	simm.s32 @!p2 $0x0  }
0x16: {  	s3 =	sld [smem:$0x3FDB];
	s0 =	simm.s32 @p2 $0x1  }
0x17: {  	s4 =	simm.s32 $0x1BF5;
	[smem:$0x3FB3] =	sst s0  }
0x18: {  	s0 =	sld [smem:$0x3F96];
	_ =	swait.ge [sflag:s4], $0x0  }
0x19: {  	s7 =	sld [smem:$0x3F97]  }
0x1a: {  	s8 =	sadd.s32 $0xFFFFE003, lr  }
0x1b: {  	s9 =	sadd.s32 $0xFFFFFEF7, lr;
	s5 =	simm.s32 $0xFFFFFFFF;
	p2 =	slt.u32 s8, $0xFFFFF086  }
0x1c: {  	p1 =	slt.u32 s9, $0xF7A;
	s5 =	simm.s32 @!p2 $0x0  }
0x1d: {  	s5 =	simm.s32 @p1 $0x1;
	p0 =	seq.s32 s7, s2  }
0x1e: {  	s7 =	smul.u32 @!p0 $0xF7A, s2;
	p2 =	seq.s32 @!p0 s5, $0x0  }
0x1f: {  	s9 =	smul.u32 $0xF7A, s1;
	s8 =	simm.s32 @!p0 $0x1BF5;
	p2 =	por !p2, p0  }
0x20: {  	[sflag:s8] =	ssyncset.s32 @!p0 $0xFFFFF086;
	s6 =	sadd.s32 @!p0 s3, s7;
	s7 =	simm.s32 @!p0 $0x108  }
0x21: {  	s3 =	sadd.s32 s3, s9;
	s6 =	sadd.s32 @!p0 $0x88, s6;
	s7 =	simm.s32 @p2 $0x1082  }
0x22: {  	[simem:s7], [sflag:s8] =	dma.local @!p0 [hbm:s6], $0xF7A  }
0x23: {  	s9 =	sor.u32 $0xD0000000, s2;
	s6 =	simm.s32 $0x108;
	_ =	swait.ge @!p0 [sflag:s8], $0x0  }
0x24: {  	s3 =	sadd.s32 $0x88, s3;
	s6 =	simm.s32 @!p1 $0x1082;
	[sflag:s4] =	ssyncset.s32 $0xFFFFF086  }
0x25: {  	[simem:s6], [sflag:s4] =	dma.local [hbm:s3], $0xF7A  }
0x26: {  	[smem:$0x3F97] =	sst s1;
	(tag) =	ssettag s2;
	_ =	strace s9  }
0x27: {  	s1 =	sld [smem:$0x3FA7]  }
0x28: {  	s2 =	sld [smem:$0x3FA8]  }
0x29: {  	s4 =	sld [smem:$0x3FAA]  }
0x2a: {  	p0 =	seq.s32 s5, $0x0;
	s5 =	sld [smem:$0x3FAB]  }
0x2b: {  	s6 =	sld [smem:$0x3FAC]  }
0x2c: {  	s7 =	sld [smem:$0x3FAD]  }
0x2d: {  	s3 =	simm.s32 $0x108;
	s8 =	sld [smem:$0x3FAE]  }
0x2e: {  	s3 =	simm.s32 @!p0 $0x1082;
	s9 =	sld [smem:$0x3FAF]  }
0x2f: {  	lr =	sadd.s32 s0, s3;
	s0 =	sld [smem:$0x3FA6]  }
0x30: {  	s3 =	sld [smem:$0x3FA9]  }
0x31: {  	[smem:$0x3FB2] =	sst s10  }
0x32: {  	s10 =	sld [smem:$0x3FB0];
	_ =	sdelay $0x3  }
0x33: {  	p0 =	seq.s32 s10, $0x1;
	s10 =	sld [smem:$0x3FB2];
	_ =	sdelay $0x3  }
0x34: {  	[smem:$0x3FB2] =	sst s10  }
0x35: {  	s10 =	sld [smem:$0x3FB1];
	_ =	sdelay $0x3  }
0x36: {  	p1 =	seq.s32 s10, $0x1;
	s10 =	sld [smem:$0x3FB2];
	_ =	sdelay $0x3  }
0x37: {  	[smem:$0x3FB2] =	sst s10  }
0x38: {  	s10 =	sld [smem:$0x3FB3]  }
0x39: {  	_ = 	snop;
	(pc) =	sbr.ind lr, $3  }
0x3a: {  	_ = 	snop  }
0x3b: {  	_ = 	snop  }
0x3c: {  	p2 =	seq.s32 s10, $0x1;
	s10 =	sld [smem:$0x3FB2]  }
0x3d: {  	_ =	shalt  }
0x3e: {  	_ =	shalt  }
0x3f: {  	_ =	shalt  }
0x40: {  	_ =	shalt  }
0x41: {  	_ =	shalt  }
0x42: {  	_ =	shalt  }
0x43: {  	_ =	shalt  }
0x44: {  	_ =	shalt  }
0x45: {  	_ =	shalt  }
0x46: {  	_ =	shalt  }
0x47: {  	_ =	shalt  }
0x48: {  	_ =	shalt  }
0x49: {  	_ =	shalt  }
0x4a: {  	_ =	shalt  }
0x4b: {  	_ =	shalt  }
0x4c: {  	_ =	shalt  }
0x4d: {  	_ =	shalt  }
0x4e: {  	_ =	shalt  }
0x4f: {  	_ =	shalt  }
0x50: {  	_ =	shalt  }
0x51: {  	_ =	shalt  }
0x52: {  	_ =	shalt  }
0x53: {  	_ =	shalt  }
0x54: {  	_ =	shalt  }
0x55: {  	_ =	shalt  }
0x56: {  	_ =	shalt  }
0x57: {  	_ =	shalt  }
0x58: {  	_ =	shalt  }
0x59: {  	_ =	shalt  }
0x5a: {  	_ =	shalt  }
0x5b: {  	_ =	shalt  }
0x5c: {  	_ =	shalt  }
0x5d: {  	_ =	shalt  }
0x5e: {  	_ =	shalt  }
0x5f: {  	_ =	shalt  }
0x60: {  	_ =	shalt  }
0x61: {  	_ =	shalt  }
0x62: {  	_ =	shalt  }
0x63: {  	_ =	shalt  }
0x64: {  	_ =	shalt  }
0x65: {  	_ =	shalt  }
0x66: {  	_ =	shalt  }
0x67: {  	_ =	shalt  }
0x68: {  	_ =	shalt  }
0x69: {  	_ =	shalt  }
0x6a: {  	_ =	shalt  }
0x6b: {  	_ =	shalt  }
0x6c: {  	_ =	shalt  }
0x6d: {  	_ =	shalt  }
0x6e: {  	_ =	shalt  }
0x6f: {  	_ =	shalt  }
0x70: {  	_ =	shalt  }
0x71: {  	_ =	shalt  }
0x72: {  	_ =	shalt  }
0x73: {  	_ =	shalt  }
0x74: {  	_ =	shalt  }
0x75: {  	_ =	shalt  }
0x76: {  	_ =	shalt  }
0x77: {  	_ =	shalt  }
0x78: {  	_ =	shalt  }
0x79: {  	_ =	shalt  }
0x7a: {  	_ =	shalt  }
0x7b: {  	_ =	shalt  }
0x7c: {  	_ =	shalt  }
0x7d: {  	_ =	shalt  }
0x7e: {  	_ =	shalt  }
0x7f: {  	_ =	shalt  }
0x80: {  	_ =	shalt  }
0x81: {  	_ =	shalt  }
0x82: {  	_ =	shalt  }
0x83: {  	_ =	shalt  }
0x84: {  	_ =	shalt  }
0x85: {  	_ =	shalt  }
0x86: {  	_ =	shalt  }
0x87: {  	_ =	shalt  }
.Lfunc_end0:
.L_simem_size_0:
called_computation_lowered:
.L_overlay_start_0:
0x88: {  	s2 =	sld [smem:$0x3FD9]  }
0x89: {  	s3 =	sld [smem:$0x3FFE];
	_ =	sdelay $0x1  }
0x8a: {  	s1 =	srdreg.scid  }
0x8b: {  	s0 =	sand.u32 $0x1, s1  }
0x8c: {  	s17 =	sshll.u32 s0, $0xA;
	s2 =	sadd.s32 s3, s2  }
0x8d: {  	s2 =	sadd.s32 s2, s17  }
0x8e: {  	[smem:$0x3FBE] =	sst s2  }
0x8f: {  	_ = 	snop  }
0x90: {  	s2 =	sld [smem:$0x3FC0];
	(tm) =	ssettm $0x1  }
0x91: {  	s18 =	sld [smem:$0x3FFB];
	_ =	sdelay $0x3  }
0x92: {  	_ =	strace s18  }
0x93: {  	s3 =	sld [smem:$0x3FFC];
	_ =	sdelay $0x3  }
0x94: {  	_ =	strace s3  }
0x95: {  	s3 =	sld [smem:$0x3FFD];
	_ =	sdelay $0x3  }
0x96: {  	_ =	strace s3  }
0x97: {  	_ =	strace $0x8FFFFFFF  }
0x98: {  	s19 =	sld [smem:$0x3FDB];
	_ =	sdelay $0x1  }
0x99: {  	s4 =	simm.s32 $_scs_section_size  }
0x9a: {  	s5 =	simm.s32 $_size__tile_overlayer_lowered;
	s6 =	simm.s32 $_tile_overlayer_lowered  }
0x9b: {  	s22 =	simm.s32 $0x1BFF;
	s21 =	sshll.u32 s6, $0x1;
	s3 =	sadd.s32 s4, s19  }
0x9c: {  	s7 =	simm.s32 $0x0;
	s20 =	sshll.u32 s5, $0x1;
	s5 =	sadd.s32 s21, s3  }
0x9d: {  	[timem:s7], [sflag:s22] =	dma.local [hbm:s5], s20  }
0x9e: {  	_ =	swait.ge [sflag:s22], s20  }
0x9f: {  	s4 =	ssub.s32 $0x0, s20;
	[sflag:s22] =	ssyncset.done $0x0  }
0xa0: {  	[sflag:s22] =	ssyncadd.s32 s4;
	_ =	sdelay $0x1  }
0xa1: {  	s23 =	simm.s32 $0x1B8B  }
0xa2: {  	_ =	swait.ge [sflag:s23], $0x1  }
0xa3: {  	[sflag:s23] =	ssyncset.done $0x0  }
0xa4: {  	s25 =	simm.s32 $0x1B8E;
	s24 =	sld [smem:$0x3FFE];
	[sflag:s23] =	ssyncadd.s32 $0xFFFFFFFF  }
0xa5: {  	s26 =	simm.s32 $execute0_lowered;
	[smem:$0x3FD2] =	sst s25  }
0xa6: {  	s5 =	sshll.u32 s26, $0x1;
	_ =	strace $0x80000046;
	[dreg:$0x1] =	wrdreg $0xFFFFFFFF  }
0xa7: {  	s28 =	simm.s32 $_size_execute0_lowered;
	s3 =	sadd.s32 s3, s5;
	[dreg:$0x0] =	wrdreg $0x0  }
0xa8: {  	s5 =	sshll.u32 s28, $0x1;
	[dreg:$0x2] =	wrdreg s3  }
0xa9: {  	[dreg:$0x3] =	wrdreg s5  }
0xaa: {  	[dreg:$0x4] =	wrdreg $0xC0  }
0xab: {  	_ =	task [dreg:s7], $0x5FFFF  }
0xac: {  	[dreg:$0x1] =	wrdreg $0xFFFFFFFF  }
0xad: {  	[dreg:$0x0] =	wrdreg $0x60  }
0xae: {  	[dreg:$0x2] =	wrdreg s2  }
0xaf: {  	[dreg:$0x3] =	wrdreg s24  }
0xb0: {  	[dreg:$0x4] =	wrdreg $0x9  }
0xb1: {  	_ =	task.clear_ibuf [dreg:s7], $0x5FFFF;
	_ =	strace $0x90000046  }
0xb2: {  	s29 =	simm.s32 $0x9;
	_ =	strace $0x80000048  }
0xb3: {  	_ =	swait.ge [sflag:s29], $0x1  }
0xb4: {  	[sflag:s29] =	ssyncadd.s32 $0xFFFFFFFF  }
0xb5: {  	_ =	strace $0x90000048  }
0xb6: {  	_ =	sfence  }
0xb7: {  	s30 =	sld [smem:$0x0];
	_ =	sdelay $0x2  }
0xb8: {  	s31 =	sshll.u32 s1, $0xD;
	s1 =	sshrl.u32 s1, $0x2  }
0xb9: {  	s3 =	sand.u32 $0x4000, s31;
	s1 =	sadd.s32 s1, s30  }
0xba: {  	s0 =	sor.u32 s3, s0;
	s1 =	sshll.u32 s1, $0x11  }
0xbb: {  	s0 =	sor.u32 s1, s0  }
0xbc: {  	s0 =	sadd.s32 $0x8F2B, s0  }
0xbd: {  	[sflag:s0] =	ssyncadd.remote.s32 $0x1  }
0xbe: {  	_ =	sfence.sel $0xFFFF  }
0xbf: {  	[dreg:$0x0] =	wrdreg $0xFFFFFFFF;
	(pc) =	sbr.abs _section_cstart, $3  }
0xc0: {  	[dreg:$0x1] =	wrdreg $0xFFFFFFFF  }
0xc1: {  	_ =	task.clear_ibuf [dreg:s7], $0x2FFFF;
	_ =	strace $0x9FFFFFFF  }
0xc2: {  	(tm) =	ssettm $0x7FFFFFFF  }
0xc3: {  	_ =	shalt  }
tec
execute0_lowered:
.L_overlay_start_1:
0x0: {  	(tag) =	ssettag $0x1  }
0x1: {  	s1 =	srdreg.scid;
	s2 =	rddreg [dreg:$0x0]  }
0x2: {  	s0 =	stileid.u32;
	s5 =	rddreg [dreg:$0x1];
	s18 =	simm.s32 $0x900  }
0x3: {  	s19 =	simm.s32 $0x1100;
	s20 =	simm.s32 $0x1900;
	s21 =	simm.s32 $0x2100  }
0x4: {  	s23 =	simm.s32 $0x2900;
	s24 =	simm.s32 $0x3100;
	s25 =	simm.s32 $0x3900  }
0x5: {  	s26 =	simm.s32 $0x4100;
	s8 =	simm.s32 $0x5100;
	s9 =	simm.s32 $0x5900  }
0x6: {  	s10 =	simm.s32 $0x6100;
	s11 =	simm.s32 $0x6900;
	s1 =	sand.u32 $0x1, s1  }
0x7: {  	s12 =	simm.s32 $0x7100;
	s3 =	sshll.u32 s0, $0x9;
	s4 =	sshll.u32 s1, $0x8  }
0x8: {  	s13 =	simm.s32 $0x7900;
	s4 =	sor.u32 s4, s3;
	s3 =	simm.s32 $0x0  }
0x9: {  	s14 =	simm.s32 $0x8100;
	s15 =	simm.s32 $0x8900;
	[smem:$0x7FF] =	sst s3  }
0xa: {  	s16 =	simm.s32 $0x9100;
	_ =	strace $0x80000047;
	[dreg:$0x5] =	wrdreg s18  }
0xb: {  	s28 =	simm.s32 $0xE900;
	s29 =	simm.s32 $0xF100;
	[dreg:$0x6] =	wrdreg s19  }
0xc: {  	s30 =	simm.s32 $0xF900;
	s1 =	ssub.s32 $0x2, s1;
	[dreg:$0x7] =	wrdreg s20  }
0xd: {  	s31 =	simm.s32 $0x1;
	s22 =	sshrl.u32 s1, $0x1;
	[dreg:$0x8] =	wrdreg s21  }
0xe: {  	s6 =	sshrl.u32 s4, $0x3;
	s4 =	sshll.u32 s4, $0x5;
	[dreg:$0x9] =	wrdreg s23  }
0xf: {  	s1 =	ssub.s32 s1, s22;
	s22 =	simm.s32 $0xC100;
	[dreg:$0xa] =	wrdreg s24  }
0x10: {  	s6 =	sadd.s32 s6, s5;
	s4 =	sadd.s32 s4, s5;
	[dreg:$0xb] =	wrdreg s25  }
0x11: {  	s5 =	simm.s32 $0x3;
	[dreg:$0xc] =	wrdreg s26;
	s18 =	simm.s32 $0xA100  }
0x12: {  	s19 =	simm.s32 $0xA900;
	s20 =	simm.s32 $0xB100;
	s21 =	simm.s32 $0xB900  }
0x13: {  	s23 =	simm.s32 $0xC900;
	s24 =	simm.s32 $0xD100;
	s17 =	sadd.s32 $0x56E00, s6  }
0x14: {  	v2 =	vlaneseq.u32;
	s25 =	simm.s32 $0xD900;
	s4 =	sadd.s32 $0x57200, s4;
	[dreg:$0x3] =	wrdreg s17  }
0x15: {  	vm0 =	vmmov $0xffff;
	v1 =	vshrl.u32 v2, $0x3;
	s26 =	simm.s32 $0xE100;
	s6 =	simm.s32 $0x100;
	[dreg:$0x4] =	wrdreg s4  }
0x16: {  	v0 =	vand.u32 $0x7, v2;
	v2 =	vor.u32 $0x8, v2;
	v1 =	vmul.u32 $0x8, v1;
	s4 =	smax.u32 s1, $0x1;
	s17 =	simm.s32 $0x9900;
	s1 =	simm.s32 $0x2  }
.LBB2_1:
0x17: {  	s0 =	rddreg [dreg:$0x3]  }
0x18: {  	[tilespmem:s3], [sflag:$0x3] =	stream.linear.gather [hbm4b:s0+s3], $0x100, $0x38;
	[tilespmem:$0x10100] =	vst v63  }
0x19: {  	_ =	swait.ge [sflag:s5], $0x100  }
0x1a: {  	[sflag:s5] =	ssyncset.done $0x0  }
0x1b: {  	[sflag:s5] =	ssyncadd.s32 $0xFFFFFF00  }
0x1c: {  	v3 =	vld [tilespmem:$0x0];
	_ =	sdelay $0x4  }
0x1d: {  	v4 =	vshll.u32 v3, $0x1  }
0x1e: {  	v3 =	vand.u32 $0x7, v3;
	v4 =	vand.u32 $0xFFFFFFF0, v4  }
0x1f: {  	v3 =	vor.u32 v3, v4  }
0x20: {  	v4 =	vperm.xlane v3, v0;
	_ =	sdelay $0x1  }
0x21: {  	v3 =	vperm.xlane v3, v2;
	v4 =	vadd.s32 v1, v4;
	_ =	sdelay $0x1  }
0x22: {  	v3 =	vadd.s32 v1, v3;
	_ =	sdelay $0x2  }
0x23: {  	[tilespmem:s6], [sflag:$0x1] =	stream.indirect_vreg.gather [hbm4b:s2+s3], $0x80, v4, vm0, $0xb8;
	[tilespmem:$0x10100] =	vst v63  }
0x24: {  	s7 =	rddreg [dreg:$0x5]  }
0x25: {  	[tilespmem:s7], [sflag:$0x1] =	stream.indirect_vreg.gather [hbm4b:s2+s3], $0x80, v3, vm0, $0xb8;
	[tilespmem:$0x10100] =	vst v63  }
0x26: {  	v3 =	vld [tilespmem:$0x10];
	_ =	sdelay $0x4  }
0x27: {  	v49 =	vshll.u32 v3, $0x1  }
0x28: {  	v3 =	vand.u32 $0x7, v3;
	v4 =	vand.u32 $0xFFFFFFF0, v49  }
0x29: {  	v3 =	vor.u32 v3, v4  }
0x2a: {  	v4 =	vperm.xlane v3, v0;
	_ =	sdelay $0x1  }
0x2b: {  	v3 =	vperm.xlane v3, v2;
	v4 =	vadd.s32 v1, v4;
	_ =	sdelay $0x1  }
0x2c: {  	v3 =	vadd.s32 v1, v3;
	_ =	sdelay $0x1  }
0x2d: {  	s0 =	rddreg [dreg:$0x6]  }
0x2e: {  	[tilespmem:s0], [sflag:$0x1] =	stream.indirect_vreg.gather [hbm4b:s2+s3], $0x80, v4, vm0, $0xb8;
	[tilespmem:$0x10100] =	vst v63  }
0x2f: {  	s7 =	rddreg [dreg:$0x7]  }
0x30: {  	[tilespmem:s7], [sflag:$0x1] =	stream.indirect_vreg.gather [hbm4b:s2+s3], $0x80, v3, vm0, $0xb8;
	[tilespmem:$0x10100] =	vst v63  }
0x31: {  	v3 =	vld [tilespmem:$0x20];
	_ =	sdelay $0x4  }
0x32: {  	v50 =	vshll.u32 v3, $0x1  }
0x33: {  	v3 =	vand.u32 $0x7, v3;
	v4 =	vand.u32 $0xFFFFFFF0, v50  }
0x34: {  	v3 =	vor.u32 v3, v4  }
0x35: {  	v4 =	vperm.xlane v3, v0;
	_ =	sdelay $0x1  }
0x36: {  	v3 =	vperm.xlane v3, v2;
	v4 =	vadd.s32 v1, v4;
	_ =	sdelay $0x1  }
0x37: {  	v3 =	vadd.s32 v1, v3;
	_ =	sdelay $0x1  }
0x38: {  	s0 =	rddreg [dreg:$0x8]  }
0x39: {  	[tilespmem:s0], [sflag:$0x1] =	stream.indirect_vreg.gather [hbm4b:s2+s3], $0x80, v4, vm0, $0xb8;
	[tilespmem:$0x10100] =	vst v63  }
0x3a: {  	s7 =	rddreg [dreg:$0x9]  }
0x3b: {  	[tilespmem:s7], [sflag:$0x1] =	stream.indirect_vreg.gather [hbm4b:s2+s3], $0x80, v3, vm0, $0xb8;
	[tilespmem:$0x10100] =	vst v63  }
0x3c: {  	v3 =	vld [tilespmem:$0x30];
	_ =	sdelay $0x4  }
0x3d: {  	v51 =	vshll.u32 v3, $0x1  }
0x3e: {  	v3 =	vand.u32 $0x7, v3;
	v4 =	vand.u32 $0xFFFFFFF0, v51  }
0x3f: {  	v3 =	vor.u32 v3, v4  }
0x40: {  	v4 =	vperm.xlane v3, v0;
	_ =	sdelay $0x1  }
0x41: {  	v3 =	vperm.xlane v3, v2;
	v4 =	vadd.s32 v1, v4;
	_ =	sdelay $0x1  }
0x42: {  	v3 =	vadd.s32 v1, v3;
	_ =	sdelay $0x1  }
0x43: {  	s0 =	rddreg [dreg:$0xa]  }
0x44: {  	[tilespmem:s0], [sflag:$0x1] =	stream.indirect_vreg.gather [hbm4b:s2+s3], $0x80, v4, vm0, $0xb8;
	[tilespmem:$0x10100] =	vst v63  }
0x45: {  	s7 =	rddreg [dreg:$0xb]  }
0x46: {  	[tilespmem:s7], [sflag:$0x1] =	stream.indirect_vreg.gather [hbm4b:s2+s3], $0x80, v3, vm0, $0xb8;
	[tilespmem:$0x10100] =	vst v63  }
0x47: {  	v3 =	vld [tilespmem:$0x40];
	_ =	sdelay $0x4  }
0x48: {  	v52 =	vshll.u32 v3, $0x1  }
0x49: {  	v3 =	vand.u32 $0x7, v3;
	v4 =	vand.u32 $0xFFFFFFF0, v52  }
0x4a: {  	v3 =	vor.u32 v3, v4  }
0x4b: {  	v4 =	vperm.xlane v3, v0;
	_ =	sdelay $0x1  }
0x4c: {  	v3 =	vperm.xlane v3, v2;
	v4 =	vadd.s32 v1, v4;
	_ =	sdelay $0x1  }
0x4d: {  	v3 =	vadd.s32 v1, v3;
	_ =	sdelay $0x1  }
0x4e: {  	s7 =	rddreg [dreg:$0xc]  }
0x4f: {  	[tilespmem:s7], [sflag:$0x1] =	stream.indirect_vreg.gather [hbm4b:s2+s3], $0x80, v4, vm0, $0xb8;
	[tilespmem:$0x10100] =	vst v63  }
0x50: {  	s7 =	simm.s32 $0x4900  }
0x51: {  	[tilespmem:s7], [sflag:$0x1] =	stream.indirect_vreg.gather [hbm4b:s2+s3], $0x80, v3, vm0, $0xb8;
	[tilespmem:$0x10100] =	vst v63  }
0x52: {  	v3 =	vld [tilespmem:$0x50];
	_ =	sdelay $0x4  }
0x53: {  	v53 =	vshll.u32 v3, $0x1  }
0x54: {  	v3 =	vand.u32 $0x7, v3;
	v4 =	vand.u32 $0xFFFFFFF0, v53  }
0x55: {  	v3 =	vor.u32 v3, v4  }
0x56: {  	v4 =	vperm.xlane v3, v0;
	_ =	sdelay $0x1  }
0x57: {  	v3 =	vperm.xlane v3, v2;
	v4 =	vadd.s32 v1, v4;
	_ =	sdelay $0x1  }
0x58: {  	v3 =	vadd.s32 v1, v3;
	_ =	sdelay $0x2  }
0x59: {  	[tilespmem:s8], [sflag:$0x1] =	stream.indirect_vreg.gather [hbm4b:s2+s3], $0x80, v4, vm0, $0xb8;
	[tilespmem:$0x10100] =	vst v63  }
0x5a: {  	_ = 	snop  }
0x5b: {  	[tilespmem:s9], [sflag:$0x1] =	stream.indirect_vreg.gather [hbm4b:s2+s3], $0x80, v3, vm0, $0xb8;
	[tilespmem:$0x10100] =	vst v63  }
0x5c: {  	v3 =	vld [tilespmem:$0x60];
	_ =	sdelay $0x4  }
0x5d: {  	v54 =	vshll.u32 v3, $0x1  }
0x5e: {  	v3 =	vand.u32 $0x7, v3;
	v4 =	vand.u32 $0xFFFFFFF0, v54  }
0x5f: {  	v3 =	vor.u32 v3, v4  }
0x60: {  	v4 =	vperm.xlane v3, v0;
	_ =	sdelay $0x1  }
0x61: {  	v3 =	vperm.xlane v3, v2;
	v4 =	vadd.s32 v1, v4;
	_ =	sdelay $0x1  }
0x62: {  	v3 =	vadd.s32 v1, v3;
	_ =	sdelay $0x2  }
0x63: {  	[tilespmem:s10], [sflag:$0x1] =	stream.indirect_vreg.gather [hbm4b:s2+s3], $0x80, v4, vm0, $0xb8;
	[tilespmem:$0x10100] =	vst v63  }
0x64: {  	_ = 	snop  }
0x65: {  	[tilespmem:s11], [sflag:$0x1] =	stream.indirect_vreg.gather [hbm4b:s2+s3], $0x80, v3, vm0, $0xb8;
	[tilespmem:$0x10100] =	vst v63  }
0x66: {  	v3 =	vld [tilespmem:$0x70];
	_ =	sdelay $0x4  }
0x67: {  	v55 =	vshll.u32 v3, $0x1  }
0x68: {  	v3 =	vand.u32 $0x7, v3;
	v4 =	vand.u32 $0xFFFFFFF0, v55  }
0x69: {  	v3 =	vor.u32 v3, v4  }
0x6a: {  	v4 =	vperm.xlane v3, v0;
	_ =	sdelay $0x1  }
0x6b: {  	v3 =	vperm.xlane v3, v2;
	v4 =	vadd.s32 v1, v4;
	_ =	sdelay $0x1  }
0x6c: {  	v3 =	vadd.s32 v1, v3;
	_ =	sdelay $0x2  }
0x6d: {  	[tilespmem:s12], [sflag:$0x1] =	stream.indirect_vreg.gather [hbm4b:s2+s3], $0x80, v4, vm0, $0xb8;
	[tilespmem:$0x10100] =	vst v63  }
0x6e: {  	_ = 	snop  }
0x6f: {  	[tilespmem:s13], [sflag:$0x1] =	stream.indirect_vreg.gather [hbm4b:s2+s3], $0x80, v3, vm0, $0xb8;
	[tilespmem:$0x10100] =	vst v63  }
0x70: {  	v3 =	vld [tilespmem:$0x80];
	_ =	sdelay $0x4  }
0x71: {  	v56 =	vshll.u32 v3, $0x1  }
0x72: {  	v3 =	vand.u32 $0x7, v3;
	v4 =	vand.u32 $0xFFFFFFF0, v56  }
0x73: {  	v3 =	vor.u32 v3, v4  }
0x74: {  	v4 =	vperm.xlane v3, v0;
	_ =	sdelay $0x1  }
0x75: {  	v3 =	vperm.xlane v3, v2;
	v4 =	vadd.s32 v1, v4;
	_ =	sdelay $0x1  }
0x76: {  	v3 =	vadd.s32 v1, v3;
	_ =	sdelay $0x2  }
0x77: {  	[tilespmem:s14], [sflag:$0x1] =	stream.indirect_vreg.gather [hbm4b:s2+s3], $0x80, v4, vm0, $0xb8;
	[tilespmem:$0x10100] =	vst v63  }
0x78: {  	_ = 	snop  }
0x79: {  	[tilespmem:s15], [sflag:$0x1] =	stream.indirect_vreg.gather [hbm4b:s2+s3], $0x80, v3, vm0, $0xb8;
	[tilespmem:$0x10100] =	vst v63  }
0x7a: {  	v3 =	vld [tilespmem:$0x90];
	_ =	sdelay $0x4  }
0x7b: {  	v57 =	vshll.u32 v3, $0x1  }
0x7c: {  	v3 =	vand.u32 $0x7, v3;
	v4 =	vand.u32 $0xFFFFFFF0, v57  }
0x7d: {  	v3 =	vor.u32 v3, v4  }
0x7e: {  	v4 =	vperm.xlane v3, v0;
	_ =	sdelay $0x1  }
0x7f: {  	v3 =	vperm.xlane v3, v2;
	v4 =	vadd.s32 v1, v4;
	_ =	sdelay $0x1  }
0x80: {  	v3 =	vadd.s32 v1, v3;
	_ =	sdelay $0x2  }
0x81: {  	[tilespmem:s16], [sflag:$0x1] =	stream.indirect_vreg.gather [hbm4b:s2+s3], $0x80, v4, vm0, $0xb8;
	[tilespmem:$0x10100] =	vst v63  }
0x82: {  	_ = 	snop  }
0x83: {  	[tilespmem:s17], [sflag:$0x1] =	stream.indirect_vreg.gather [hbm4b:s2+s3], $0x80, v3, vm0, $0xb8;
	[tilespmem:$0x10100] =	vst v63  }
0x84: {  	v3 =	vld [tilespmem:$0xA0];
	_ =	sdelay $0x4  }
0x85: {  	v58 =	vshll.u32 v3, $0x1  }
0x86: {  	v3 =	vand.u32 $0x7, v3;
	v4 =	vand.u32 $0xFFFFFFF0, v58  }
0x87: {  	v3 =	vor.u32 v3, v4  }
0x88: {  	v4 =	vperm.xlane v3, v0;
	_ =	sdelay $0x1  }
0x89: {  	v3 =	vperm.xlane v3, v2;
	v4 =	vadd.s32 v1, v4;
	_ =	sdelay $0x1  }
0x8a: {  	v3 =	vadd.s32 v1, v3;
	_ =	sdelay $0x2  }
0x8b: {  	[tilespmem:s18], [sflag:$0x1] =	stream.indirect_vreg.gather [hbm4b:s2+s3], $0x80, v4, vm0, $0xb8;
	[tilespmem:$0x10100] =	vst v63  }
0x8c: {  	_ = 	snop  }
0x8d: {  	[tilespmem:s19], [sflag:$0x1] =	stream.indirect_vreg.gather [hbm4b:s2+s3], $0x80, v3, vm0, $0xb8;
	[tilespmem:$0x10100] =	vst v63  }
0x8e: {  	v3 =	vld [tilespmem:$0xB0];
	_ =	sdelay $0x4  }
0x8f: {  	v59 =	vshll.u32 v3, $0x1  }
0x90: {  	v3 =	vand.u32 $0x7, v3;
	v4 =	vand.u32 $0xFFFFFFF0, v59  }
0x91: {  	v3 =	vor.u32 v3, v4  }
0x92: {  	v4 =	vperm.xlane v3, v0;
	_ =	sdelay $0x1  }
0x93: {  	v3 =	vperm.xlane v3, v2;
	v4 =	vadd.s32 v1, v4;
	_ =	sdelay $0x1  }
0x94: {  	v3 =	vadd.s32 v1, v3;
	_ =	sdelay $0x2  }
0x95: {  	[tilespmem:s20], [sflag:$0x1] =	stream.indirect_vreg.gather [hbm4b:s2+s3], $0x80, v4, vm0, $0xb8;
	[tilespmem:$0x10100] =	vst v63  }
0x96: {  	_ = 	snop  }
0x97: {  	[tilespmem:s21], [sflag:$0x1] =	stream.indirect_vreg.gather [hbm4b:s2+s3], $0x80, v3, vm0, $0xb8;
	[tilespmem:$0x10100] =	vst v63  }
0x98: {  	v3 =	vld [tilespmem:$0xC0];
	_ =	sdelay $0x4  }
0x99: {  	v60 =	vshll.u32 v3, $0x1  }
0x9a: {  	v3 =	vand.u32 $0x7, v3;
	v4 =	vand.u32 $0xFFFFFFF0, v60  }
0x9b: {  	v3 =	vor.u32 v3, v4  }
0x9c: {  	v4 =	vperm.xlane v3, v0;
	_ =	sdelay $0x1  }
0x9d: {  	v3 =	vperm.xlane v3, v2;
	v4 =	vadd.s32 v1, v4;
	_ =	sdelay $0x1  }
0x9e: {  	v3 =	vadd.s32 v1, v3;
	_ =	sdelay $0x2  }
0x9f: {  	[tilespmem:s22], [sflag:$0x1] =	stream.indirect_vreg.gather [hbm4b:s2+s3], $0x80, v4, vm0, $0xb8;
	[tilespmem:$0x10100] =	vst v63  }
0xa0: {  	_ = 	snop  }
0xa1: {  	[tilespmem:s23], [sflag:$0x1] =	stream.indirect_vreg.gather [hbm4b:s2+s3], $0x80, v3, vm0, $0xb8;
	[tilespmem:$0x10100] =	vst v63  }
0xa2: {  	v3 =	vld [tilespmem:$0xD0];
	_ =	sdelay $0x4  }
0xa3: {  	v61 =	vshll.u32 v3, $0x1  }
0xa4: {  	v3 =	vand.u32 $0x7, v3;
	v4 =	vand.u32 $0xFFFFFFF0, v61  }
0xa5: {  	v3 =	vor.u32 v3, v4  }
0xa6: {  	v4 =	vperm.xlane v3, v0;
	_ =	sdelay $0x1  }
0xa7: {  	v3 =	vperm.xlane v3, v2;
	v4 =	vadd.s32 v1, v4;
	_ =	sdelay $0x1  }
0xa8: {  	v3 =	vadd.s32 v1, v3;
	_ =	sdelay $0x2  }
0xa9: {  	[tilespmem:s24], [sflag:$0x1] =	stream.indirect_vreg.gather [hbm4b:s2+s3], $0x80, v4, vm0, $0xb8;
	[tilespmem:$0x10100] =	vst v63  }
0xaa: {  	_ = 	snop  }
0xab: {  	[tilespmem:s25], [sflag:$0x1] =	stream.indirect_vreg.gather [hbm4b:s2+s3], $0x80, v3, vm0, $0xb8;
	[tilespmem:$0x10100] =	vst v63  }
0xac: {  	v3 =	vld [tilespmem:$0xE0];
	_ =	sdelay $0x4  }
0xad: {  	v62 =	vshll.u32 v3, $0x1  }
0xae: {  	v3 =	vand.u32 $0x7, v3;
	v4 =	vand.u32 $0xFFFFFFF0, v62  }
0xaf: {  	v3 =	vor.u32 v3, v4  }
0xb0: {  	v4 =	vperm.xlane v3, v0;
	_ =	sdelay $0x1  }
0xb1: {  	v3 =	vperm.xlane v3, v2;
	v4 =	vadd.s32 v1, v4;
	_ =	sdelay $0x1  }
0xb2: {  	v3 =	vadd.s32 v1, v3;
	_ =	sdelay $0x2  }
0xb3: {  	[tilespmem:s26], [sflag:$0x1] =	stream.indirect_vreg.gather [hbm4b:s2+s3], $0x80, v4, vm0, $0xb8;
	[tilespmem:$0x10100] =	vst v63  }
0xb4: {  	_ = 	snop  }
0xb5: {  	[tilespmem:s28], [sflag:$0x1] =	stream.indirect_vreg.gather [hbm4b:s2+s3], $0x80, v3, vm0, $0xb8;
	[tilespmem:$0x10100] =	vst v63  }
0xb6: {  	v3 =	vld [tilespmem:$0xF0];
	_ =	sdelay $0x4  }
0xb7: {  	v63 =	vshll.u32 v3, $0x1  }
0xb8: {  	v3 =	vand.u32 $0x7, v3;
	v4 =	vand.u32 $0xFFFFFFF0, v63  }
0xb9: {  	v3 =	vor.u32 v3, v4  }
0xba: {  	v4 =	vperm.xlane v3, v0;
	_ =	sdelay $0x1  }
0xbb: {  	v3 =	vperm.xlane v3, v2;
	v4 =	vadd.s32 v1, v4;
	_ =	sdelay $0x1  }
0xbc: {  	v3 =	vadd.s32 v1, v3;
	_ =	sdelay $0x2  }
0xbd: {  	[tilespmem:s29], [sflag:$0x1] =	stream.indirect_vreg.gather [hbm4b:s2+s3], $0x80, v4, vm0, $0xb8;
	[tilespmem:$0x10100] =	vst v63  }
0xbe: {  	_ = 	snop  }
0xbf: {  	[tilespmem:s30], [sflag:$0x1] =	stream.indirect_vreg.gather [hbm4b:s2+s3], $0x80, v3, vm0, $0xb8;
	[tilespmem:$0x10100] =	vst v63  }
0xc0: {  	_ =	swait.ge [sflag:s31], $0x10000  }
0xc1: {  	p0 =	sne.s32 s4, $0x1;
	[sflag:s31] =	ssyncset.done $0x0  }
.Ltmp0:
0xc2: {  	s7 =	rddreg [dreg:$0x4];
	[sflag:s31] =	ssyncadd.s32 $0xFFFF0000;
	(pc) =	sbr.rel @p0 .LBB2_1-.Ltmp0, $4  }
0xc3: {  	[hbm4b:s7+s3] =	stream.linear.scatter [tilespmem:s6], [sflag:$0x2], $0x10000, $0x38;
	[tilespmem:$0x10100] =	vst v63  }
0xc4: {  	_ =	swait.ge [sflag:s1], $0x10000  }
0xc5: {  	[sflag:s1] =	ssyncset.done $0x0  }
0xc6: {  	s4 =	sadd.s32 $0xFFFFFFFF, s4;
	[sflag:s1] =	ssyncadd.s32 $0xFFFF0000  }
0xc7: {  	_ =	sfence.sel $0x180000  }
0xc8: {  	[bflag:$0x0] =	sbarrier.arrive $0xFFFF  }
0xc9: {  	_ =	strace $0x90000047  }
0xca: {  	s0 =	stileid.u32;
	[bflag:$0x2] =	sbarrier.arrive $0xFFFF  }
0xcb: {  	p0 =	sne.s32 s0, $0x0;
	s0 =	rddreg [dreg:$0x2]  }
0xcc: {  	s0 =	sadd.s32 @!p0 $0x100000, s0  }
0xcd: {  	[sflag:s0] =	ssyncadd.tile.s32 @!p0 $0x1;
	_ =	shalt  }
.Lfunc_end2:
_tile_overlayer_lowered:
.L_overlay_start_2:
0xce: {  	(tag) =	ssettag $0x2  }
0xcf: {  	s0 =	rddreg [dreg:$0x0];
	s2 =	stileid.u32  }
0xd0: {  	s1 =	rddreg [dreg:$0x1];
	p0 =	sne.s32 s2, $0x0  }
0xd1: {  	s3 =	rddreg [dreg:$0x2];
	[bflag:$0x3] =	sbarrier.arrive $0xFFFF;
	s2 =	simm.s32 @!p0 $0x1C03  }
0xd2: {  	[timem:s3], [sflag:s2] =	dma.local @!p0 [hbm:s0], s1  }
0xd3: {  	s0 =	simm.s32 @!p0 $0x3  }
0xd4: {  	_ =	swait.ge @!p0 [sflag:s0], s1  }
0xd5: {  	s1 =	ssub.s32 @!p0 $0x0, s1;
	[sflag:s0] =	ssyncset.done @!p0 $0x0  }
0xd6: {  	[sflag:s0] =	ssyncadd.s32 @!p0 s1  }
0xd7: {  	[bflag:$0x3] =	sbarrier.arrive $0xFFFF  }
0xd8: {  	_ =	shalt  }

// kernel: kernel.17.cloned.1.call-start
scs
__scs_entry_jumppad:
0x0: {  	(pc) =	sbr.rel $0x88, $3  }
0x1: {  	(tag) =	ssettag $0x0;
	lr =	simm.s32 $0x1  }
0x2: {  	[smem:$0x3F97] =	sst lr;
	_ =	strace $0xD0000000  }
0x3: {  	_ = 	snop  }
0x4: {  	_ = 	snop  }
0x5: {  	_ = 	snop  }
0x6: {  	_ = 	snop  }
0x7: {  	_ = 	snop  }
__scs_overlays_trampoline_lowered:
0x8: {  	[smem:$0x3FA6] =	sst s0  }
0x9: {  	[smem:$0x3FA7] =	sst s1  }
0xa: {  	[smem:$0x3FA8] =	sst s2  }
0xb: {  	[smem:$0x3FA9] =	sst s3  }
0xc: {  	[smem:$0x3FAA] =	sst s4  }
0xd: {  	[smem:$0x3FAB] =	sst s5  }
0xe: {  	[smem:$0x3FAC] =	sst s6  }
0xf: {  	[smem:$0x3FAD] =	sst s7  }
0x10: {  	[smem:$0x3FAE] =	sst s8  }
0x11: {  	[smem:$0x3FAF] =	sst s9;
	s0 =	simm.s32 @!p0 $0x0  }
0x12: {  	s1 =	sld [smem:$0x3F95];
	s0 =	simm.s32 @p0 $0x1  }
0x13: {  	[smem:$0x3FB0] =	sst s0;
	s0 =	simm.s32 @!p1 $0x0  }
0x14: {  	s2 =	sld [smem:$0x3F94];
	s0 =	simm.s32 @p1 $0x1  }
0x15: {  	[smem:$0x3FB1] =	sst s0;
	s0 =	simm.s32 @!p2 $0x0  }
0x16: {  	s3 =	sld [smem:$0x3FDB];
	s0 =	simm.s32 @p2 $0x1  }
0x17: {  	s4 =	simm.s32 $0x1BF5;
	[smem:$0x3FB3] =	sst s0  }
0x18: {  	s0 =	sld [smem:$0x3F96];
	_ =	swait.ge [sflag:s4], $0x0  }
0x19: {  	s7 =	sld [smem:$0x3F97]  }
0x1a: {  	s8 =	sadd.s32 $0xFFFFE003, lr  }
0x1b: {  	s9 =	sadd.s32 $0xFFFFFEF7, lr;
	s5 =	simm.s32 $0xFFFFFFFF;
	p2 =	slt.u32 s8, $0xFFFFF086  }
0x1c: {  	p1 =	slt.u32 s9, $0xF7A;
	s5 =	simm.s32 @!p2 $0x0  }
0x1d: {  	s5 =	simm.s32 @p1 $0x1;
	p0 =	seq.s32 s7, s2  }
0x1e: {  	s7 =	smul.u32 @!p0 $0xF7A, s2;
	p2 =	seq.s32 @!p0 s5, $0x0  }
0x1f: {  	s9 =	smul.u32 $0xF7A, s1;
	s8 =	simm.s32 @!p0 $0x1BF5;
	p2 =	por !p2, p0  }
0x20: {  	[sflag:s8] =	ssyncset.s32 @!p0 $0xFFFFF086;
	s6 =	sadd.s32 @!p0 s3, s7;
	s7 =	simm.s32 @!p0 $0x108  }
0x21: {  	s3 =	sadd.s32 s3, s9;
	s6 =	sadd.s32 @!p0 $0x88, s6;
	s7 =	simm.s32 @p2 $0x1082  }
0x22: {  	[simem:s7], [sflag:s8] =	dma.local @!p0 [hbm:s6], $0xF7A  }
0x23: {  	s9 =	sor.u32 $0xD0000000, s2;
	s6 =	simm.s32 $0x108;
	_ =	swait.ge @!p0 [sflag:s8], $0x0  }
0x24: {  	s3 =	sadd.s32 $0x88, s3;
	s6 =	simm.s32 @!p1 $0x1082;
	[sflag:s4] =	ssyncset.s32 $0xFFFFF086  }
0x25: {  	[simem:s6], [sflag:s4] =	dma.local [hbm:s3], $0xF7A  }
0x26: {  	[smem:$0x3F97] =	sst s1;
	(tag) =	ssettag s2;
	_ =	strace s9  }
0x27: {  	s1 =	sld [smem:$0x3FA7]  }
0x28: {  	s2 =	sld [smem:$0x3FA8]  }
0x29: {  	s4 =	sld [smem:$0x3FAA]  }
0x2a: {  	p0 =	seq.s32 s5, $0x0;
	s5 =	sld [smem:$0x3FAB]  }
0x2b: {  	s6 =	sld [smem:$0x3FAC]  }
0x2c: {  	s7 =	sld [smem:$0x3FAD]  }
0x2d: {  	s3 =	simm.s32 $0x108;
	s8 =	sld [smem:$0x3FAE]  }
0x2e: {  	s3 =	simm.s32 @!p0 $0x1082;
	s9 =	sld [smem:$0x3FAF]  }
0x2f: {  	lr =	sadd.s32 s0, s3;
	s0 =	sld [smem:$0x3FA6]  }
0x30: {  	s3 =	sld [smem:$0x3FA9]  }
0x31: {  	[smem:$0x3FB2] =	sst s10  }
0x32: {  	s10 =	sld [smem:$0x3FB0];
	_ =	sdelay $0x3  }
0x33: {  	p0 =	seq.s32 s10, $0x1;
	s10 =	sld [smem:$0x3FB2];
	_ =	sdelay $0x3  }
0x34: {  	[smem:$0x3FB2] =	sst s10  }
0x35: {  	s10 =	sld [smem:$0x3FB1];
	_ =	sdelay $0x3  }
0x36: {  	p1 =	seq.s32 s10, $0x1;
	s10 =	sld [smem:$0x3FB2];
	_ =	sdelay $0x3  }
0x37: {  	[smem:$0x3FB2] =	sst s10  }
0x38: {  	s10 =	sld [smem:$0x3FB3]  }
0x39: {  	_ = 	snop;
	(pc) =	sbr.ind lr, $3  }
0x3a: {  	_ = 	snop  }
0x3b: {  	_ = 	snop  }
0x3c: {  	p2 =	seq.s32 s10, $0x1;
	s10 =	sld [smem:$0x3FB2]  }
0x3d: {  	_ =	shalt  }
0x3e: {  	_ =	shalt  }
0x3f: {  	_ =	shalt  }
0x40: {  	_ =	shalt  }
0x41: {  	_ =	shalt  }
0x42: {  	_ =	shalt  }
0x43: {  	_ =	shalt  }
0x44: {  	_ =	shalt  }
0x45: {  	_ =	shalt  }
0x46: {  	_ =	shalt  }
0x47: {  	_ =	shalt  }
0x48: {  	_ =	shalt  }
0x49: {  	_ =	shalt  }
0x4a: {  	_ =	shalt  }
0x4b: {  	_ =	shalt  }
0x4c: {  	_ =	shalt  }
0x4d: {  	_ =	shalt  }
0x4e: {  	_ =	shalt  }
0x4f: {  	_ =	shalt  }
0x50: {  	_ =	shalt  }
0x51: {  	_ =	shalt  }
0x52: {  	_ =	shalt  }
0x53: {  	_ =	shalt  }
0x54: {  	_ =	shalt  }
0x55: {  	_ =	shalt  }
0x56: {  	_ =	shalt  }
0x57: {  	_ =	shalt  }
0x58: {  	_ =	shalt  }
0x59: {  	_ =	shalt  }
0x5a: {  	_ =	shalt  }
0x5b: {  	_ =	shalt  }
0x5c: {  	_ =	shalt  }
0x5d: {  	_ =	shalt  }
0x5e: {  	_ =	shalt  }
0x5f: {  	_ =	shalt  }
0x60: {  	_ =	shalt  }
0x61: {  	_ =	shalt  }
0x62: {  	_ =	shalt  }
0x63: {  	_ =	shalt  }
0x64: {  	_ =	shalt  }
0x65: {  	_ =	shalt  }
0x66: {  	_ =	shalt  }
0x67: {  	_ =	shalt  }
0x68: {  	_ =	shalt  }
0x69: {  	_ =	shalt  }
0x6a: {  	_ =	shalt  }
0x6b: {  	_ =	shalt  }
0x6c: {  	_ =	shalt  }
0x6d: {  	_ =	shalt  }
0x6e: {  	_ =	shalt  }
0x6f: {  	_ =	shalt  }
0x70: {  	_ =	shalt  }
0x71: {  	_ =	shalt  }
0x72: {  	_ =	shalt  }
0x73: {  	_ =	shalt  }
0x74: {  	_ =	shalt  }
0x75: {  	_ =	shalt  }
0x76: {  	_ =	shalt  }
0x77: {  	_ =	shalt  }
0x78: {  	_ =	shalt  }
0x79: {  	_ =	shalt  }
0x7a: {  	_ =	shalt  }
0x7b: {  	_ =	shalt  }
0x7c: {  	_ =	shalt  }
0x7d: {  	_ =	shalt  }
0x7e: {  	_ =	shalt  }
0x7f: {  	_ =	shalt  }
0x80: {  	_ =	shalt  }
0x81: {  	_ =	shalt  }
0x82: {  	_ =	shalt  }
0x83: {  	_ =	shalt  }
0x84: {  	_ =	shalt  }
0x85: {  	_ =	shalt  }
0x86: {  	_ =	shalt  }
0x87: {  	_ =	shalt  }
.Lfunc_end0:
.L_simem_size_0:
called_computation.1_lowered:
.L_overlay_start_0:
0x88: {  	s2 =	sld [smem:$0x3FD9]  }
0x89: {  	s3 =	sld [smem:$0x3FFE];
	_ =	sdelay $0x1  }
0x8a: {  	s1 =	srdreg.scid  }
0x8b: {  	s0 =	sand.u32 $0x1, s1  }
0x8c: {  	s17 =	sshll.u32 s0, $0xA;
	s2 =	sadd.s32 s3, s2  }
0x8d: {  	s2 =	sadd.s32 s2, s17  }
0x8e: {  	[smem:$0x3FBE] =	sst s2  }
0x8f: {  	_ = 	snop  }
0x90: {  	s18 =	sld [smem:$0x3FC0];
	(tm) =	ssettm $0x1  }
0x91: {  	s19 =	sld [smem:$0x3FFB];
	_ =	sdelay $0x3  }
0x92: {  	_ =	strace s19  }
0x93: {  	s2 =	sld [smem:$0x3FFC];
	_ =	sdelay $0x3  }
0x94: {  	_ =	strace s2  }
0x95: {  	s2 =	sld [smem:$0x3FFD];
	_ =	sdelay $0x3  }
0x96: {  	_ =	strace s2  }
0x97: {  	_ =	strace $0x8FFFFFFF  }
0x98: {  	s20 =	sld [smem:$0x3FDB];
	_ =	sdelay $0x1  }
0x99: {  	s4 =	simm.s32 $_scs_section_size  }
0x9a: {  	s5 =	simm.s32 $_size__tile_overlayer_lowered;
	s6 =	simm.s32 $_tile_overlayer_lowered  }
0x9b: {  	s7 =	simm.s32 $0x1BFF;
	s21 =	sshll.u32 s6, $0x1;
	s4 =	sadd.s32 s4, s20  }
0x9c: {  	s22 =	simm.s32 $0x0;
	s5 =	sshll.u32 s5, $0x1;
	s6 =	sadd.s32 s21, s4  }
0x9d: {  	[timem:s22], [sflag:s7] =	dma.local [hbm:s6], s5  }
0x9e: {  	_ =	swait.ge [sflag:s7], s5  }
0x9f: {  	s5 =	ssub.s32 $0x0, s5;
	[sflag:s7] =	ssyncset.done $0x0  }
0xa0: {  	[sflag:s7] =	ssyncadd.s32 s5;
	_ =	sdelay $0x1  }
0xa1: {  	s23 =	simm.s32 $0x1B8B  }
0xa2: {  	_ =	swait.ge [sflag:s23], $0x1  }
0xa3: {  	[sflag:s23] =	ssyncset.done $0x0  }
0xa4: {  	[sflag:s23] =	ssyncadd.s32 $0xFFFFFFFF  }
0xa5: {  	s5 =	sld [smem:$0x0]  }
0xa6: {  	s6 =	sand.u32 $0xFFFFFFFE, s1  }
0xa7: {  	p0 =	sne.s32 s1, s6  }
0xa8: {  	s6 =	sshll.u32 @p0 s6, $0xE  }
0xa9: {  	s6 =	sadd.s32 @p0 $0x11B8D, s6;
	s7 =	sshll.u32 @p0 s5, $0x11  }
0xaa: {  	s6 =	sor.u32 @p0 s7, s6  }
0xab: {  	[sflag:s6] =	ssyncadd.remote.s32 @p0 $0x1;
	_ =	sdelay $0x1  }
0xac: {  	s6 =	simm.s32 @p0 $0x1B8D  }
0xad: {  	_ =	swait.eq @p0 [sflag:s6], $0x1  }
0xae: {  	[sflag:s6] =	ssyncadd.s32 @p0 $0xFFFFFFFF  }
0xaf: {  	s7 =	sshll.u32 @!p0 s1, $0xE  }
0xb0: {  	s7 =	sor.u32 @!p0 $0x4000, s7;
	s6 =	simm.s32 @!p0 $0x1B8D  }
0xb1: {  	s5 =	sshll.u32 @!p0 s5, $0x11;
	s7 =	sadd.s32 @!p0 $0x11B8D, s7;
	_ =	swait.eq @!p0 [sflag:s6], $0x1  }
0xb2: {  	s5 =	sor.u32 @!p0 s5, s7;
	[sflag:s6] =	ssyncadd.s32 @!p0 $0xFFFFFFFF  }
0xb3: {  	s25 =	simm.s32 $0x1B8E;
	s24 =	sld [smem:$0x3FFE];
	[sflag:s5] =	ssyncadd.remote.s32 @!p0 $0x1  }
0xb4: {  	s26 =	simm.s32 $execute0_lowered;
	[smem:$0x3FD2] =	sst s25  }
0xb5: {  	s6 =	sshll.u32 s26, $0x1;
	_ =	strace $0x80000049;
	[dreg:$0x1] =	wrdreg $0xFFFFFFFF  }
0xb6: {  	s28 =	simm.s32 $_size_execute0_lowered;
	s4 =	sadd.s32 s4, s6;
	[dreg:$0x0] =	wrdreg $0x0  }
0xb7: {  	s6 =	sshll.u32 s28, $0x1;
	[dreg:$0x2] =	wrdreg s4  }
0xb8: {  	[dreg:$0x3] =	wrdreg s6  }
0xb9: {  	[dreg:$0x4] =	wrdreg $0xC0  }
0xba: {  	_ =	task [dreg:s22], $0x5FFFF  }
0xbb: {  	[dreg:$0x1] =	wrdreg $0xFFFFFFFF  }
0xbc: {  	[dreg:$0x0] =	wrdreg $0x60  }
0xbd: {  	[dreg:$0x2] =	wrdreg s18  }
0xbe: {  	[dreg:$0x3] =	wrdreg s24  }
0xbf: {  	[dreg:$0x4] =	wrdreg $0xA  }
0xc0: {  	_ =	task.clear_ibuf [dreg:s22], $0x5FFFF;
	_ =	strace $0x90000049  }
0xc1: {  	s29 =	simm.s32 $0xA;
	_ =	strace $0x8000004B  }
0xc2: {  	_ =	swait.ge [sflag:s29], $0x1  }
0xc3: {  	[sflag:s29] =	ssyncadd.s32 $0xFFFFFFFF  }
0xc4: {  	_ =	strace $0x9000004B  }
0xc5: {  	_ =	sfence  }
0xc6: {  	s30 =	sld [smem:$0x0];
	_ =	sdelay $0x2  }
0xc7: {  	s31 =	sshll.u32 s1, $0xD;
	s1 =	sshrl.u32 s1, $0x2  }
0xc8: {  	s4 =	sand.u32 $0x4000, s31;
	s1 =	sadd.s32 s1, s30  }
0xc9: {  	s0 =	sor.u32 s4, s0;
	s1 =	sshll.u32 s1, $0x11  }
0xca: {  	s0 =	sor.u32 s1, s0  }
0xcb: {  	s0 =	sadd.s32 $0x8F2B, s0  }
0xcc: {  	[sflag:s0] =	ssyncadd.remote.s32 $0x1  }
0xcd: {  	_ =	sfence.sel $0xFFFF  }
0xce: {  	[dreg:$0x0] =	wrdreg $0xFFFFFFFF;
	(pc) =	sbr.abs _section_cstart, $3  }
0xcf: {  	[dreg:$0x1] =	wrdreg $0xFFFFFFFF  }
0xd0: {  	_ =	task.clear_ibuf [dreg:s22], $0x2FFFF;
	_ =	strace $0x9FFFFFFF  }
0xd1: {  	(tm) =	ssettm $0x7FFFFFFF  }
tec
execute0_lowered:
.L_overlay_start_1:
0x0: {  	(tag) =	ssettag $0x1  }
0x1: {  	s1 =	srdreg.scid;
	s2 =	rddreg [dreg:$0x0]  }
0x2: {  	s0 =	stileid.u32;
	s5 =	rddreg [dreg:$0x1];
	s18 =	simm.s32 $0x900  }
0x3: {  	s19 =	simm.s32 $0x1100;
	s20 =	simm.s32 $0x1900;
	s21 =	simm.s32 $0x2100  }
0x4: {  	s23 =	simm.s32 $0x2900;
	s24 =	simm.s32 $0x3100;
	s25 =	simm.s32 $0x3900  }
0x5: {  	s26 =	simm.s32 $0x4100;
	s8 =	simm.s32 $0x5100;
	s9 =	simm.s32 $0x5900  }
0x6: {  	s10 =	simm.s32 $0x6100;
	s11 =	simm.s32 $0x6900;
	s1 =	sand.u32 $0x1, s1  }
0x7: {  	s12 =	simm.s32 $0x7100;
	s3 =	sshll.u32 s0, $0x9;
	s4 =	sshll.u32 s1, $0x8  }
0x8: {  	s13 =	simm.s32 $0x7900;
	s4 =	sor.u32 s4, s3;
	s3 =	simm.s32 $0x0  }
0x9: {  	s14 =	simm.s32 $0x8100;
	s15 =	simm.s32 $0x8900;
	[smem:$0x7FF] =	sst s3  }
0xa: {  	s16 =	simm.s32 $0x9100;
	_ =	strace $0x8000004A;
	[dreg:$0x5] =	wrdreg s18  }
0xb: {  	s28 =	simm.s32 $0xE900;
	s29 =	simm.s32 $0xF100;
	[dreg:$0x6] =	wrdreg s19  }
0xc: {  	s30 =	simm.s32 $0xF900;
	s1 =	ssub.s32 $0x2, s1;
	[dreg:$0x7] =	wrdreg s20  }
0xd: {  	s31 =	simm.s32 $0x1;
	s22 =	sshrl.u32 s1, $0x1;
	[dreg:$0x8] =	wrdreg s21  }
0xe: {  	s6 =	sshrl.u32 s4, $0x3;
	s4 =	sshll.u32 s4, $0x5;
	[dreg:$0x9] =	wrdreg s23  }
0xf: {  	s1 =	ssub.s32 s1, s22;
	s22 =	simm.s32 $0xC100;
	[dreg:$0xa] =	wrdreg s24  }
0x10: {  	s6 =	sadd.s32 s6, s5;
	s4 =	sadd.s32 s4, s5;
	[dreg:$0xb] =	wrdreg s25  }
0x11: {  	s5 =	simm.s32 $0x3;
	[dreg:$0xc] =	wrdreg s26;
	s18 =	simm.s32 $0xA100  }
0x12: {  	s19 =	simm.s32 $0xA900;
	s20 =	simm.s32 $0xB100;
	s21 =	simm.s32 $0xB900  }
0x13: {  	s23 =	simm.s32 $0xC900;
	s24 =	simm.s32 $0xD100;
	s17 =	sadd.s32 $0x97200, s6  }
0x14: {  	v2 =	vlaneseq.u32;
	s25 =	simm.s32 $0xD900;
	s4 =	sadd.s32 $0x97600, s4;
	[dreg:$0x3] =	wrdreg s17  }
0x15: {  	vm0 =	vmmov $0xffff;
	v1 =	vshrl.u32 v2, $0x3;
	s26 =	simm.s32 $0xE100;
	s6 =	simm.s32 $0x100;
	[dreg:$0x4] =	wrdreg s4  }
0x16: {  	v0 =	vand.u32 $0x7, v2;
	v2 =	vor.u32 $0x8, v2;
	v1 =	vmul.u32 $0x8, v1;
	s4 =	smax.u32 s1, $0x1;
	s17 =	simm.s32 $0x9900;
	s1 =	simm.s32 $0x2  }
.LBB2_1:
0x17: {  	s0 =	rddreg [dreg:$0x3]  }
0x18: {  	[tilespmem:s3], [sflag:$0x3] =	stream.linear.gather [hbm4b:s0+s3], $0x100, $0x38;
	[tilespmem:$0x10100] =	vst v63  }
0x19: {  	_ =	swait.ge [sflag:s5], $0x100  }
0x1a: {  	[sflag:s5] =	ssyncset.done $0x0  }
0x1b: {  	[sflag:s5] =	ssyncadd.s32 $0xFFFFFF00  }
0x1c: {  	v3 =	vld [tilespmem:$0x0];
	_ =	sdelay $0x4  }
0x1d: {  	v4 =	vshll.u32 v3, $0x1  }
0x1e: {  	v3 =	vand.u32 $0x7, v3;
	v4 =	vand.u32 $0xFFFFFFF0, v4  }
0x1f: {  	v3 =	vor.u32 v3, v4  }
0x20: {  	v4 =	vperm.xlane v3, v0;
	_ =	sdelay $0x1  }
0x21: {  	v3 =	vperm.xlane v3, v2;
	v4 =	vadd.s32 v1, v4;
	_ =	sdelay $0x1  }
0x22: {  	v3 =	vadd.s32 v1, v3;
	_ =	sdelay $0x2  }
0x23: {  	[tilespmem:s6], [sflag:$0x1] =	stream.indirect_vreg.gather [hbm4b:s2+s3], $0x80, v4, vm0, $0xb8;
	[tilespmem:$0x10100] =	vst v63  }
0x24: {  	s7 =	rddreg [dreg:$0x5]  }
0x25: {  	[tilespmem:s7], [sflag:$0x1] =	stream.indirect_vreg.gather [hbm4b:s2+s3], $0x80, v3, vm0, $0xb8;
	[tilespmem:$0x10100] =	vst v63  }
0x26: {  	v3 =	vld [tilespmem:$0x10];
	_ =	sdelay $0x4  }
0x27: {  	v49 =	vshll.u32 v3, $0x1  }
0x28: {  	v3 =	vand.u32 $0x7, v3;
	v4 =	vand.u32 $0xFFFFFFF0, v49  }
0x29: {  	v3 =	vor.u32 v3, v4  }
0x2a: {  	v4 =	vperm.xlane v3, v0;
	_ =	sdelay $0x1  }
0x2b: {  	v3 =	vperm.xlane v3, v2;
	v4 =	vadd.s32 v1, v4;
	_ =	sdelay $0x1  }
0x2c: {  	v3 =	vadd.s32 v1, v3;
	_ =	sdelay $0x1  }
0x2d: {  	s0 =	rddreg [dreg:$0x6]  }
0x2e: {  	[tilespmem:s0], [sflag:$0x1] =	stream.indirect_vreg.gather [hbm4b:s2+s3], $0x80, v4, vm0, $0xb8;
	[tilespmem:$0x10100] =	vst v63  }
0x2f: {  	s7 =	rddreg [dreg:$0x7]  }
0x30: {  	[tilespmem:s7], [sflag:$0x1] =	stream.indirect_vreg.gather [hbm4b:s2+s3], $0x80, v3, vm0, $0xb8;
	[tilespmem:$0x10100] =	vst v63  }
0x31: {  	v3 =	vld [tilespmem:$0x20];
	_ =	sdelay $0x4  }
0x32: {  	v50 =	vshll.u32 v3, $0x1  }
0x33: {  	v3 =	vand.u32 $0x7, v3;
	v4 =	vand.u32 $0xFFFFFFF0, v50  }
0x34: {  	v3 =	vor.u32 v3, v4  }
0x35: {  	v4 =	vperm.xlane v3, v0;
	_ =	sdelay $0x1  }
0x36: {  	v3 =	vperm.xlane v3, v2;
	v4 =	vadd.s32 v1, v4;
	_ =	sdelay $0x1  }
0x37: {  	v3 =	vadd.s32 v1, v3;
	_ =	sdelay $0x1  }
0x38: {  	s0 =	rddreg [dreg:$0x8]  }
0x39: {  	[tilespmem:s0], [sflag:$0x1] =	stream.indirect_vreg.gather [hbm4b:s2+s3], $0x80, v4, vm0, $0xb8;
	[tilespmem:$0x10100] =	vst v63  }
0x3a: {  	s7 =	rddreg [dreg:$0x9]  }
0x3b: {  	[tilespmem:s7], [sflag:$0x1] =	stream.indirect_vreg.gather [hbm4b:s2+s3], $0x80, v3, vm0, $0xb8;
	[tilespmem:$0x10100] =	vst v63  }
0x3c: {  	v3 =	vld [tilespmem:$0x30];
	_ =	sdelay $0x4  }
0x3d: {  	v51 =	vshll.u32 v3, $0x1  }
0x3e: {  	v3 =	vand.u32 $0x7, v3;
	v4 =	vand.u32 $0xFFFFFFF0, v51  }
0x3f: {  	v3 =	vor.u32 v3, v4  }
0x40: {  	v4 =	vperm.xlane v3, v0;
	_ =	sdelay $0x1  }
0x41: {  	v3 =	vperm.xlane v3, v2;
	v4 =	vadd.s32 v1, v4;
	_ =	sdelay $0x1  }
0x42: {  	v3 =	vadd.s32 v1, v3;
	_ =	sdelay $0x1  }
0x43: {  	s0 =	rddreg [dreg:$0xa]  }
0x44: {  	[tilespmem:s0], [sflag:$0x1] =	stream.indirect_vreg.gather [hbm4b:s2+s3], $0x80, v4, vm0, $0xb8;
	[tilespmem:$0x10100] =	vst v63  }
0x45: {  	s7 =	rddreg [dreg:$0xb]  }
0x46: {  	[tilespmem:s7], [sflag:$0x1] =	stream.indirect_vreg.gather [hbm4b:s2+s3], $0x80, v3, vm0, $0xb8;
	[tilespmem:$0x10100] =	vst v63  }
0x47: {  	v3 =	vld [tilespmem:$0x40];
	_ =	sdelay $0x4  }
0x48: {  	v52 =	vshll.u32 v3, $0x1  }
0x49: {  	v3 =	vand.u32 $0x7, v3;
	v4 =	vand.u32 $0xFFFFFFF0, v52  }
0x4a: {  	v3 =	vor.u32 v3, v4  }
0x4b: {  	v4 =	vperm.xlane v3, v0;
	_ =	sdelay $0x1  }
0x4c: {  	v3 =	vperm.xlane v3, v2;
	v4 =	vadd.s32 v1, v4;
	_ =	sdelay $0x1  }
0x4d: {  	v3 =	vadd.s32 v1, v3;
	_ =	sdelay $0x1  }
0x4e: {  	s7 =	rddreg [dreg:$0xc]  }
0x4f: {  	[tilespmem:s7], [sflag:$0x1] =	stream.indirect_vreg.gather [hbm4b:s2+s3], $0x80, v4, vm0, $0xb8;
	[tilespmem:$0x10100] =	vst v63  }
0x50: {  	s7 =	simm.s32 $0x4900  }
0x51: {  	[tilespmem:s7], [sflag:$0x1] =	stream.indirect_vreg.gather [hbm4b:s2+s3], $0x80, v3, vm0, $0xb8;
	[tilespmem:$0x10100] =	vst v63  }
0x52: {  	v3 =	vld [tilespmem:$0x50];
	_ =	sdelay $0x4  }
0x53: {  	v53 =	vshll.u32 v3, $0x1  }
0x54: {  	v3 =	vand.u32 $0x7, v3;
	v4 =	vand.u32 $0xFFFFFFF0, v53  }
0x55: {  	v3 =	vor.u32 v3, v4  }
0x56: {  	v4 =	vperm.xlane v3, v0;
	_ =	sdelay $0x1  }
0x57: {  	v3 =	vperm.xlane v3, v2;
	v4 =	vadd.s32 v1, v4;
	_ =	sdelay $0x1  }
0x58: {  	v3 =	vadd.s32 v1, v3;
	_ =	sdelay $0x2  }
0x59: {  	[tilespmem:s8], [sflag:$0x1] =	stream.indirect_vreg.gather [hbm4b:s2+s3], $0x80, v4, vm0, $0xb8;
	[tilespmem:$0x10100] =	vst v63  }
0x5a: {  	_ = 	snop  }
0x5b: {  	[tilespmem:s9], [sflag:$0x1] =	stream.indirect_vreg.gather [hbm4b:s2+s3], $0x80, v3, vm0, $0xb8;
	[tilespmem:$0x10100] =	vst v63  }
0x5c: {  	v3 =	vld [tilespmem:$0x60];
	_ =	sdelay $0x4  }
0x5d: {  	v54 =	vshll.u32 v3, $0x1  }
0x5e: {  	v3 =	vand.u32 $0x7, v3;
	v4 =	vand.u32 $0xFFFFFFF0, v54  }
0x5f: {  	v3 =	vor.u32 v3, v4  }
0x60: {  	v4 =	vperm.xlane v3, v0;
	_ =	sdelay $0x1  }
0x61: {  	v3 =	vperm.xlane v3, v2;
	v4 =	vadd.s32 v1, v4;
	_ =	sdelay $0x1  }
0x62: {  	v3 =	vadd.s32 v1, v3;
	_ =	sdelay $0x2  }
0x63: {  	[tilespmem:s10], [sflag:$0x1] =	stream.indirect_vreg.gather [hbm4b:s2+s3], $0x80, v4, vm0, $0xb8;
	[tilespmem:$0x10100] =	vst v63  }
0x64: {  	_ = 	snop  }
0x65: {  	[tilespmem:s11], [sflag:$0x1] =	stream.indirect_vreg.gather [hbm4b:s2+s3], $0x80, v3, vm0, $0xb8;
	[tilespmem:$0x10100] =	vst v63  }
0x66: {  	v3 =	vld [tilespmem:$0x70];
	_ =	sdelay $0x4  }
0x67: {  	v55 =	vshll.u32 v3, $0x1  }
0x68: {  	v3 =	vand.u32 $0x7, v3;
	v4 =	vand.u32 $0xFFFFFFF0, v55  }
0x69: {  	v3 =	vor.u32 v3, v4  }
0x6a: {  	v4 =	vperm.xlane v3, v0;
	_ =	sdelay $0x1  }
0x6b: {  	v3 =	vperm.xlane v3, v2;
	v4 =	vadd.s32 v1, v4;
	_ =	sdelay $0x1  }
0x6c: {  	v3 =	vadd.s32 v1, v3;
	_ =	sdelay $0x2  }
0x6d: {  	[tilespmem:s12], [sflag:$0x1] =	stream.indirect_vreg.gather [hbm4b:s2+s3], $0x80, v4, vm0, $0xb8;
	[tilespmem:$0x10100] =	vst v63  }
0x6e: {  	_ = 	snop  }
0x6f: {  	[tilespmem:s13], [sflag:$0x1] =	stream.indirect_vreg.gather [hbm4b:s2+s3], $0x80, v3, vm0, $0xb8;
	[tilespmem:$0x10100] =	vst v63  }
0x70: {  	v3 =	vld [tilespmem:$0x80];
	_ =	sdelay $0x4  }
0x71: {  	v56 =	vshll.u32 v3, $0x1  }
0x72: {  	v3 =	vand.u32 $0x7, v3;
	v4 =	vand.u32 $0xFFFFFFF0, v56  }
0x73: {  	v3 =	vor.u32 v3, v4  }
0x74: {  	v4 =	vperm.xlane v3, v0;
	_ =	sdelay $0x1  }
0x75: {  	v3 =	vperm.xlane v3, v2;
	v4 =	vadd.s32 v1, v4;
	_ =	sdelay $0x1  }
0x76: {  	v3 =	vadd.s32 v1, v3;
	_ =	sdelay $0x2  }
0x77: {  	[tilespmem:s14], [sflag:$0x1] =	stream.indirect_vreg.gather [hbm4b:s2+s3], $0x80, v4, vm0, $0xb8;
	[tilespmem:$0x10100] =	vst v63  }
0x78: {  	_ = 	snop  }
0x79: {  	[tilespmem:s15], [sflag:$0x1] =	stream.indirect_vreg.gather [hbm4b:s2+s3], $0x80, v3, vm0, $0xb8;
	[tilespmem:$0x10100] =	vst v63  }
0x7a: {  	v3 =	vld [tilespmem:$0x90];
	_ =	sdelay $0x4  }
0x7b: {  	v57 =	vshll.u32 v3, $0x1  }
0x7c: {  	v3 =	vand.u32 $0x7, v3;
	v4 =	vand.u32 $0xFFFFFFF0, v57  }
0x7d: {  	v3 =	vor.u32 v3, v4  }
0x7e: {  	v4 =	vperm.xlane v3, v0;
	_ =	sdelay $0x1  }
0x7f: {  	v3 =	vperm.xlane v3, v2;
	v4 =	vadd.s32 v1, v4;
	_ =	sdelay $0x1  }
0x80: {  	v3 =	vadd.s32 v1, v3;
	_ =	sdelay $0x2  }
0x81: {  	[tilespmem:s16], [sflag:$0x1] =	stream.indirect_vreg.gather [hbm4b:s2+s3], $0x80, v4, vm0, $0xb8;
	[tilespmem:$0x10100] =	vst v63  }
0x82: {  	_ = 	snop  }
0x83: {  	[tilespmem:s17], [sflag:$0x1] =	stream.indirect_vreg.gather [hbm4b:s2+s3], $0x80, v3, vm0, $0xb8;
	[tilespmem:$0x10100] =	vst v63  }
0x84: {  	v3 =	vld [tilespmem:$0xA0];
	_ =	sdelay $0x4  }
0x85: {  	v58 =	vshll.u32 v3, $0x1  }
0x86: {  	v3 =	vand.u32 $0x7, v3;
	v4 =	vand.u32 $0xFFFFFFF0, v58  }
0x87: {  	v3 =	vor.u32 v3, v4  }
0x88: {  	v4 =	vperm.xlane v3, v0;
	_ =	sdelay $0x1  }
0x89: {  	v3 =	vperm.xlane v3, v2;
	v4 =	vadd.s32 v1, v4;
	_ =	sdelay $0x1  }
0x8a: {  	v3 =	vadd.s32 v1, v3;
	_ =	sdelay $0x2  }
0x8b: {  	[tilespmem:s18], [sflag:$0x1] =	stream.indirect_vreg.gather [hbm4b:s2+s3], $0x80, v4, vm0, $0xb8;
	[tilespmem:$0x10100] =	vst v63  }
0x8c: {  	_ = 	snop  }
0x8d: {  	[tilespmem:s19], [sflag:$0x1] =	stream.indirect_vreg.gather [hbm4b:s2+s3], $0x80, v3, vm0, $0xb8;
	[tilespmem:$0x10100] =	vst v63  }
0x8e: {  	v3 =	vld [tilespmem:$0xB0];
	_ =	sdelay $0x4  }
0x8f: {  	v59 =	vshll.u32 v3, $0x1  }
0x90: {  	v3 =	vand.u32 $0x7, v3;
	v4 =	vand.u32 $0xFFFFFFF0, v59  }
0x91: {  	v3 =	vor.u32 v3, v4  }
0x92: {  	v4 =	vperm.xlane v3, v0;
	_ =	sdelay $0x1  }
0x93: {  	v3 =	vperm.xlane v3, v2;
	v4 =	vadd.s32 v1, v4;
	_ =	sdelay $0x1  }
0x94: {  	v3 =	vadd.s32 v1, v3;
	_ =	sdelay $0x2  }
0x95: {  	[tilespmem:s20], [sflag:$0x1] =	stream.indirect_vreg.gather [hbm4b:s2+s3], $0x80, v4, vm0, $0xb8;
	[tilespmem:$0x10100] =	vst v63  }
0x96: {  	_ = 	snop  }
0x97: {  	[tilespmem:s21], [sflag:$0x1] =	stream.indirect_vreg.gather [hbm4b:s2+s3], $0x80, v3, vm0, $0xb8;
	[tilespmem:$0x10100] =	vst v63  }
0x98: {  	v3 =	vld [tilespmem:$0xC0];
	_ =	sdelay $0x4  }
0x99: {  	v60 =	vshll.u32 v3, $0x1  }
0x9a: {  	v3 =	vand.u32 $0x7, v3;
	v4 =	vand.u32 $0xFFFFFFF0, v60  }
0x9b: {  	v3 =	vor.u32 v3, v4  }
0x9c: {  	v4 =	vperm.xlane v3, v0;
	_ =	sdelay $0x1  }
0x9d: {  	v3 =	vperm.xlane v3, v2;
	v4 =	vadd.s32 v1, v4;
	_ =	sdelay $0x1  }
0x9e: {  	v3 =	vadd.s32 v1, v3;
	_ =	sdelay $0x2  }
0x9f: {  	[tilespmem:s22], [sflag:$0x1] =	stream.indirect_vreg.gather [hbm4b:s2+s3], $0x80, v4, vm0, $0xb8;
	[tilespmem:$0x10100] =	vst v63  }
0xa0: {  	_ = 	snop  }
0xa1: {  	[tilespmem:s23], [sflag:$0x1] =	stream.indirect_vreg.gather [hbm4b:s2+s3], $0x80, v3, vm0, $0xb8;
	[tilespmem:$0x10100] =	vst v63  }
0xa2: {  	v3 =	vld [tilespmem:$0xD0];
	_ =	sdelay $0x4  }
0xa3: {  	v61 =	vshll.u32 v3, $0x1  }
0xa4: {  	v3 =	vand.u32 $0x7, v3;
	v4 =	vand.u32 $0xFFFFFFF0, v61  }
0xa5: {  	v3 =	vor.u32 v3, v4  }
0xa6: {  	v4 =	vperm.xlane v3, v0;
	_ =	sdelay $0x1  }
0xa7: {  	v3 =	vperm.xlane v3, v2;
	v4 =	vadd.s32 v1, v4;
	_ =	sdelay $0x1  }
0xa8: {  	v3 =	vadd.s32 v1, v3;
	_ =	sdelay $0x2  }
0xa9: {  	[tilespmem:s24], [sflag:$0x1] =	stream.indirect_vreg.gather [hbm4b:s2+s3], $0x80, v4, vm0, $0xb8;
	[tilespmem:$0x10100] =	vst v63  }
0xaa: {  	_ = 	snop  }
0xab: {  	[tilespmem:s25], [sflag:$0x1] =	stream.indirect_vreg.gather [hbm4b:s2+s3], $0x80, v3, vm0, $0xb8;
	[tilespmem:$0x10100] =	vst v63  }
0xac: {  	v3 =	vld [tilespmem:$0xE0];
	_ =	sdelay $0x4  }
0xad: {  	v62 =	vshll.u32 v3, $0x1  }
0xae: {  	v3 =	vand.u32 $0x7, v3;
	v4 =	vand.u32 $0xFFFFFFF0, v62  }
0xaf: {  	v3 =	vor.u32 v3, v4  }
0xb0: {  	v4 =	vperm.xlane v3, v0;
	_ =	sdelay $0x1  }
0xb1: {  	v3 =	vperm.xlane v3, v2;
	v4 =	vadd.s32 v1, v4;
	_ =	sdelay $0x1  }
0xb2: {  	v3 =	vadd.s32 v1, v3;
	_ =	sdelay $0x2  }
0xb3: {  	[tilespmem:s26], [sflag:$0x1] =	stream.indirect_vreg.gather [hbm4b:s2+s3], $0x80, v4, vm0, $0xb8;
	[tilespmem:$0x10100] =	vst v63  }
0xb4: {  	_ = 	snop  }
0xb5: {  	[tilespmem:s28], [sflag:$0x1] =	stream.indirect_vreg.gather [hbm4b:s2+s3], $0x80, v3, vm0, $0xb8;
	[tilespmem:$0x10100] =	vst v63  }
0xb6: {  	v3 =	vld [tilespmem:$0xF0];
	_ =	sdelay $0x4  }
0xb7: {  	v63 =	vshll.u32 v3, $0x1  }
0xb8: {  	v3 =	vand.u32 $0x7, v3;
	v4 =	vand.u32 $0xFFFFFFF0, v63  }
0xb9: {  	v3 =	vor.u32 v3, v4  }
0xba: {  	v4 =	vperm.xlane v3, v0;
	_ =	sdelay $0x1  }
0xbb: {  	v3 =	vperm.xlane v3, v2;
	v4 =	vadd.s32 v1, v4;
	_ =	sdelay $0x1  }
0xbc: {  	v3 =	vadd.s32 v1, v3;
	_ =	sdelay $0x2  }
0xbd: {  	[tilespmem:s29], [sflag:$0x1] =	stream.indirect_vreg.gather [hbm4b:s2+s3], $0x80, v4, vm0, $0xb8;
	[tilespmem:$0x10100] =	vst v63  }
0xbe: {  	_ = 	snop  }
0xbf: {  	[tilespmem:s30], [sflag:$0x1] =	stream.indirect_vreg.gather [hbm4b:s2+s3], $0x80, v3, vm0, $0xb8;
	[tilespmem:$0x10100] =	vst v63  }
0xc0: {  	_ =	swait.ge [sflag:s31], $0x10000  }
0xc1: {  	p0 =	sne.s32 s4, $0x1;
	[sflag:s31] =	ssyncset.done $0x0  }
.Ltmp0:
0xc2: {  	s7 =	rddreg [dreg:$0x4];
	[sflag:s31] =	ssyncadd.s32 $0xFFFF0000;
	(pc) =	sbr.rel @p0 .LBB2_1-.Ltmp0, $4  }
0xc3: {  	[hbm4b:s7+s3] =	stream.linear.scatter [tilespmem:s6], [sflag:$0x2], $0x10000, $0x38;
	[tilespmem:$0x10100] =	vst v63  }
0xc4: {  	_ =	swait.ge [sflag:s1], $0x10000  }
0xc5: {  	[sflag:s1] =	ssyncset.done $0x0  }
0xc6: {  	s4 =	sadd.s32 $0xFFFFFFFF, s4;
	[sflag:s1] =	ssyncadd.s32 $0xFFFF0000  }
0xc7: {  	_ =	sfence.sel $0x180000  }
0xc8: {  	[bflag:$0x0] =	sbarrier.arrive $0xFFFF  }
0xc9: {  	_ =	strace $0x9000004A  }
0xca: {  	s0 =	stileid.u32;
	[bflag:$0x2] =	sbarrier.arrive $0xFFFF  }
0xcb: {  	p0 =	sne.s32 s0, $0x0;
	s0 =	rddreg [dreg:$0x2]  }
0xcc: {  	s0 =	sadd.s32 @!p0 $0x100000, s0  }
0xcd: {  	[sflag:s0] =	ssyncadd.tile.s32 @!p0 $0x1;
	_ =	shalt  }
.Lfunc_end2:
_tile_overlayer_lowered:
.L_overlay_start_2:
0xce: {  	(tag) =	ssettag $0x2  }
0xcf: {  	s0 =	rddreg [dreg:$0x0];
	s2 =	stileid.u32  }
0xd0: {  	s1 =	rddreg [dreg:$0x1];
	p0 =	sne.s32 s2, $0x0  }
0xd1: {  	s3 =	rddreg [dreg:$0x2];
	[bflag:$0x3] =	sbarrier.arrive $0xFFFF;
	s2 =	simm.s32 @!p0 $0x1C03  }
0xd2: {  	[timem:s3], [sflag:s2] =	dma.local @!p0 [hbm:s0], s1  }
0xd3: {  	s0 =	simm.s32 @!p0 $0x3  }
0xd4: {  	_ =	swait.ge @!p0 [sflag:s0], s1  }
0xd5: {  	s1 =	ssub.s32 @!p0 $0x0, s1;
	[sflag:s0] =	ssyncset.done @!p0 $0x0  }
0xd6: {  	[sflag:s0] =	ssyncadd.s32 @!p0 s1  }
0xd7: {  	[bflag:$0x3] =	sbarrier.arrive $0xFFFF  }
0xd8: {  	_ =	shalt  }

// kernel: kernel.20.cloned.1.call-start
scs
__scs_entry_jumppad:
0x0: {  	(pc) =	sbr.rel $0x88, $3  }
0x1: {  	(tag) =	ssettag $0x0;
	lr =	simm.s32 $0x1  }
0x2: {  	[smem:$0x3F97] =	sst lr;
	_ =	strace $0xD0000000  }
0x3: {  	_ = 	snop  }
0x4: {  	_ = 	snop  }
0x5: {  	_ = 	snop  }
0x6: {  	_ = 	snop  }
0x7: {  	_ = 	snop  }
__scs_overlays_trampoline_lowered:
0x8: {  	[smem:$0x3FA6] =	sst s0  }
0x9: {  	[smem:$0x3FA7] =	sst s1  }
0xa: {  	[smem:$0x3FA8] =	sst s2  }
0xb: {  	[smem:$0x3FA9] =	sst s3  }
0xc: {  	[smem:$0x3FAA] =	sst s4  }
0xd: {  	[smem:$0x3FAB] =	sst s5  }
0xe: {  	[smem:$0x3FAC] =	sst s6  }
0xf: {  	[smem:$0x3FAD] =	sst s7  }
0x10: {  	[smem:$0x3FAE] =	sst s8  }
0x11: {  	[smem:$0x3FAF] =	sst s9;
	s0 =	simm.s32 @!p0 $0x0  }
0x12: {  	s1 =	sld [smem:$0x3F95];
	s0 =	simm.s32 @p0 $0x1  }
0x13: {  	[smem:$0x3FB0] =	sst s0;
	s0 =	simm.s32 @!p1 $0x0  }
0x14: {  	s2 =	sld [smem:$0x3F94];
	s0 =	simm.s32 @p1 $0x1  }
0x15: {  	[smem:$0x3FB1] =	sst s0;
	s0 =	simm.s32 @!p2 $0x0  }
0x16: {  	s3 =	sld [smem:$0x3FDB];
	s0 =	simm.s32 @p2 $0x1  }
0x17: {  	s4 =	simm.s32 $0x1BF5;
	[smem:$0x3FB3] =	sst s0  }
0x18: {  	s0 =	sld [smem:$0x3F96];
	_ =	swait.ge [sflag:s4], $0x0  }
0x19: {  	s7 =	sld [smem:$0x3F97]  }
0x1a: {  	s8 =	sadd.s32 $0xFFFFE003, lr  }
0x1b: {  	s9 =	sadd.s32 $0xFFFFFEF7, lr;
	s5 =	simm.s32 $0xFFFFFFFF;
	p2 =	slt.u32 s8, $0xFFFFF086  }
0x1c: {  	p1 =	slt.u32 s9, $0xF7A;
	s5 =	simm.s32 @!p2 $0x0  }
0x1d: {  	s5 =	simm.s32 @p1 $0x1;
	p0 =	seq.s32 s7, s2  }
0x1e: {  	s7 =	smul.u32 @!p0 $0xF7A, s2;
	p2 =	seq.s32 @!p0 s5, $0x0  }
0x1f: {  	s9 =	smul.u32 $0xF7A, s1;
	s8 =	simm.s32 @!p0 $0x1BF5;
	p2 =	por !p2, p0  }
0x20: {  	[sflag:s8] =	ssyncset.s32 @!p0 $0xFFFFF086;
	s6 =	sadd.s32 @!p0 s3, s7;
	s7 =	simm.s32 @!p0 $0x108  }
0x21: {  	s3 =	sadd.s32 s3, s9;
	s6 =	sadd.s32 @!p0 $0x88, s6;
	s7 =	simm.s32 @p2 $0x1082  }
0x22: {  	[simem:s7], [sflag:s8] =	dma.local @!p0 [hbm:s6], $0xF7A  }
0x23: {  	s9 =	sor.u32 $0xD0000000, s2;
	s6 =	simm.s32 $0x108;
	_ =	swait.ge @!p0 [sflag:s8], $0x0  }
0x24: {  	s3 =	sadd.s32 $0x88, s3;
	s6 =	simm.s32 @!p1 $0x1082;
	[sflag:s4] =	ssyncset.s32 $0xFFFFF086  }
0x25: {  	[simem:s6], [sflag:s4] =	dma.local [hbm:s3], $0xF7A  }
0x26: {  	[smem:$0x3F97] =	sst s1;
	(tag) =	ssettag s2;
	_ =	strace s9  }
0x27: {  	s1 =	sld [smem:$0x3FA7]  }
0x28: {  	s2 =	sld [smem:$0x3FA8]  }
0x29: {  	s4 =	sld [smem:$0x3FAA]  }
0x2a: {  	p0 =	seq.s32 s5, $0x0;
	s5 =	sld [smem:$0x3FAB]  }
0x2b: {  	s6 =	sld [smem:$0x3FAC]  }
0x2c: {  	s7 =	sld [smem:$0x3FAD]  }
0x2d: {  	s3 =	simm.s32 $0x108;
	s8 =	sld [smem:$0x3FAE]  }
0x2e: {  	s3 =	simm.s32 @!p0 $0x1082;
	s9 =	sld [smem:$0x3FAF]  }
0x2f: {  	lr =	sadd.s32 s0, s3;
	s0 =	sld [smem:$0x3FA6]  }
0x30: {  	s3 =	sld [smem:$0x3FA9]  }
0x31: {  	[smem:$0x3FB2] =	sst s10  }
0x32: {  	s10 =	sld [smem:$0x3FB0];
	_ =	sdelay $0x3  }
0x33: {  	p0 =	seq.s32 s10, $0x1;
	s10 =	sld [smem:$0x3FB2];
	_ =	sdelay $0x3  }
0x34: {  	[smem:$0x3FB2] =	sst s10  }
0x35: {  	s10 =	sld [smem:$0x3FB1];
	_ =	sdelay $0x3  }
0x36: {  	p1 =	seq.s32 s10, $0x1;
	s10 =	sld [smem:$0x3FB2];
	_ =	sdelay $0x3  }
0x37: {  	[smem:$0x3FB2] =	sst s10  }
0x38: {  	s10 =	sld [smem:$0x3FB3]  }
0x39: {  	_ = 	snop;
	(pc) =	sbr.ind lr, $3  }
0x3a: {  	_ = 	snop  }
0x3b: {  	_ = 	snop  }
0x3c: {  	p2 =	seq.s32 s10, $0x1;
	s10 =	sld [smem:$0x3FB2]  }
0x3d: {  	_ =	shalt  }
0x3e: {  	_ =	shalt  }
0x3f: {  	_ =	shalt  }
0x40: {  	_ =	shalt  }
0x41: {  	_ =	shalt  }
0x42: {  	_ =	shalt  }
0x43: {  	_ =	shalt  }
0x44: {  	_ =	shalt  }
0x45: {  	_ =	shalt  }
0x46: {  	_ =	shalt  }
0x47: {  	_ =	shalt  }
0x48: {  	_ =	shalt  }
0x49: {  	_ =	shalt  }
0x4a: {  	_ =	shalt  }
0x4b: {  	_ =	shalt  }
0x4c: {  	_ =	shalt  }
0x4d: {  	_ =	shalt  }
0x4e: {  	_ =	shalt  }
0x4f: {  	_ =	shalt  }
0x50: {  	_ =	shalt  }
0x51: {  	_ =	shalt  }
0x52: {  	_ =	shalt  }
0x53: {  	_ =	shalt  }
0x54: {  	_ =	shalt  }
0x55: {  	_ =	shalt  }
0x56: {  	_ =	shalt  }
0x57: {  	_ =	shalt  }
0x58: {  	_ =	shalt  }
0x59: {  	_ =	shalt  }
0x5a: {  	_ =	shalt  }
0x5b: {  	_ =	shalt  }
0x5c: {  	_ =	shalt  }
0x5d: {  	_ =	shalt  }
0x5e: {  	_ =	shalt  }
0x5f: {  	_ =	shalt  }
0x60: {  	_ =	shalt  }
0x61: {  	_ =	shalt  }
0x62: {  	_ =	shalt  }
0x63: {  	_ =	shalt  }
0x64: {  	_ =	shalt  }
0x65: {  	_ =	shalt  }
0x66: {  	_ =	shalt  }
0x67: {  	_ =	shalt  }
0x68: {  	_ =	shalt  }
0x69: {  	_ =	shalt  }
0x6a: {  	_ =	shalt  }
0x6b: {  	_ =	shalt  }
0x6c: {  	_ =	shalt  }
0x6d: {  	_ =	shalt  }
0x6e: {  	_ =	shalt  }
0x6f: {  	_ =	shalt  }
0x70: {  	_ =	shalt  }
0x71: {  	_ =	shalt  }
0x72: {  	_ =	shalt  }
0x73: {  	_ =	shalt  }
0x74: {  	_ =	shalt  }
0x75: {  	_ =	shalt  }
0x76: {  	_ =	shalt  }
0x77: {  	_ =	shalt  }
0x78: {  	_ =	shalt  }
0x79: {  	_ =	shalt  }
0x7a: {  	_ =	shalt  }
0x7b: {  	_ =	shalt  }
0x7c: {  	_ =	shalt  }
0x7d: {  	_ =	shalt  }
0x7e: {  	_ =	shalt  }
0x7f: {  	_ =	shalt  }
0x80: {  	_ =	shalt  }
0x81: {  	_ =	shalt  }
0x82: {  	_ =	shalt  }
0x83: {  	_ =	shalt  }
0x84: {  	_ =	shalt  }
0x85: {  	_ =	shalt  }
0x86: {  	_ =	shalt  }
0x87: {  	_ =	shalt  }
.Lfunc_end0:
.L_simem_size_0:
called_computation.2_lowered:
.L_overlay_start_0:
0x88: {  	s2 =	sld [smem:$0x3FD9]  }
0x89: {  	s3 =	sld [smem:$0x3FFE];
	_ =	sdelay $0x1  }
0x8a: {  	s1 =	srdreg.scid  }
0x8b: {  	s0 =	sand.u32 $0x1, s1  }
0x8c: {  	s17 =	sshll.u32 s0, $0xA;
	s2 =	sadd.s32 s3, s2  }
0x8d: {  	s2 =	sadd.s32 s2, s17  }
0x8e: {  	[smem:$0x3FBE] =	sst s2  }
0x8f: {  	_ = 	snop  }
0x90: {  	s18 =	sld [smem:$0x3FC0];
	(tm) =	ssettm $0x1  }
0x91: {  	s19 =	sld [smem:$0x3FFB];
	_ =	sdelay $0x3  }
0x92: {  	_ =	strace s19  }
0x93: {  	s2 =	sld [smem:$0x3FFC];
	_ =	sdelay $0x3  }
0x94: {  	_ =	strace s2  }
0x95: {  	s2 =	sld [smem:$0x3FFD];
	_ =	sdelay $0x3  }
0x96: {  	_ =	strace s2  }
0x97: {  	_ =	strace $0x8FFFFFFF  }
0x98: {  	s20 =	sld [smem:$0x3FDB];
	_ =	sdelay $0x1  }
0x99: {  	s4 =	simm.s32 $_scs_section_size  }
0x9a: {  	s5 =	simm.s32 $_size__tile_overlayer_lowered;
	s6 =	simm.s32 $_tile_overlayer_lowered  }
0x9b: {  	s7 =	simm.s32 $0x1BFF;
	s21 =	sshll.u32 s6, $0x1;
	s4 =	sadd.s32 s4, s20  }
0x9c: {  	s22 =	simm.s32 $0x0;
	s5 =	sshll.u32 s5, $0x1;
	s6 =	sadd.s32 s21, s4  }
0x9d: {  	[timem:s22], [sflag:s7] =	dma.local [hbm:s6], s5  }
0x9e: {  	_ =	swait.ge [sflag:s7], s5  }
0x9f: {  	s5 =	ssub.s32 $0x0, s5;
	[sflag:s7] =	ssyncset.done $0x0  }
0xa0: {  	[sflag:s7] =	ssyncadd.s32 s5;
	_ =	sdelay $0x1  }
0xa1: {  	s23 =	simm.s32 $0x1B8B  }
0xa2: {  	_ =	swait.ge [sflag:s23], $0x1  }
0xa3: {  	[sflag:s23] =	ssyncset.done $0x0  }
0xa4: {  	[sflag:s23] =	ssyncadd.s32 $0xFFFFFFFF  }
0xa5: {  	s5 =	sld [smem:$0x0]  }
0xa6: {  	s6 =	sand.u32 $0xFFFFFFFE, s1  }
0xa7: {  	p0 =	sne.s32 s1, s6  }
0xa8: {  	s6 =	sshll.u32 @p0 s6, $0xE  }
0xa9: {  	s6 =	sadd.s32 @p0 $0x11B8D, s6;
	s7 =	sshll.u32 @p0 s5, $0x11  }
0xaa: {  	s6 =	sor.u32 @p0 s7, s6  }
0xab: {  	[sflag:s6] =	ssyncadd.remote.s32 @p0 $0x1;
	_ =	sdelay $0x1  }
0xac: {  	s6 =	simm.s32 @p0 $0x1B8D  }
0xad: {  	_ =	swait.eq @p0 [sflag:s6], $0x1  }
0xae: {  	[sflag:s6] =	ssyncadd.s32 @p0 $0xFFFFFFFF  }
0xaf: {  	s7 =	sshll.u32 @!p0 s1, $0xE  }
0xb0: {  	s7 =	sor.u32 @!p0 $0x4000, s7;
	s6 =	simm.s32 @!p0 $0x1B8D  }
0xb1: {  	s5 =	sshll.u32 @!p0 s5, $0x11;
	s7 =	sadd.s32 @!p0 $0x11B8D, s7;
	_ =	swait.eq @!p0 [sflag:s6], $0x1  }
0xb2: {  	s5 =	sor.u32 @!p0 s5, s7;
	[sflag:s6] =	ssyncadd.s32 @!p0 $0xFFFFFFFF  }
0xb3: {  	s25 =	simm.s32 $0x1B8E;
	s24 =	sld [smem:$0x3FFE];
	[sflag:s5] =	ssyncadd.remote.s32 @!p0 $0x1  }
0xb4: {  	s26 =	simm.s32 $execute0_lowered;
	[smem:$0x3FD2] =	sst s25  }
0xb5: {  	s6 =	sshll.u32 s26, $0x1;
	_ =	strace $0x8000004C;
	[dreg:$0x1] =	wrdreg $0xFFFFFFFF  }
0xb6: {  	s28 =	simm.s32 $_size_execute0_lowered;
	s4 =	sadd.s32 s4, s6;
	[dreg:$0x0] =	wrdreg $0x0  }
0xb7: {  	s6 =	sshll.u32 s28, $0x1;
	[dreg:$0x2] =	wrdreg s4  }
0xb8: {  	[dreg:$0x3] =	wrdreg s6  }
0xb9: {  	[dreg:$0x4] =	wrdreg $0xC0  }
0xba: {  	_ =	task [dreg:s22], $0x5FFFF  }
0xbb: {  	[dreg:$0x1] =	wrdreg $0xFFFFFFFF  }
0xbc: {  	[dreg:$0x0] =	wrdreg $0x60  }
0xbd: {  	[dreg:$0x2] =	wrdreg s18  }
0xbe: {  	[dreg:$0x3] =	wrdreg s24  }
0xbf: {  	[dreg:$0x4] =	wrdreg $0xB  }
0xc0: {  	_ =	task.clear_ibuf [dreg:s22], $0x5FFFF;
	_ =	strace $0x9000004C  }
0xc1: {  	s29 =	simm.s32 $0xB;
	_ =	strace $0x8000004E  }
0xc2: {  	_ =	swait.ge [sflag:s29], $0x1  }
0xc3: {  	[sflag:s29] =	ssyncadd.s32 $0xFFFFFFFF  }
0xc4: {  	_ =	strace $0x9000004E  }
0xc5: {  	_ =	sfence  }
0xc6: {  	s30 =	sld [smem:$0x0];
	_ =	sdelay $0x2  }
0xc7: {  	s31 =	sshll.u32 s1, $0xD;
	s1 =	sshrl.u32 s1, $0x2  }
0xc8: {  	s4 =	sand.u32 $0x4000, s31;
	s1 =	sadd.s32 s1, s30  }
0xc9: {  	s0 =	sor.u32 s4, s0;
	s1 =	sshll.u32 s1, $0x11  }
0xca: {  	s0 =	sor.u32 s1, s0  }
0xcb: {  	s0 =	sadd.s32 $0x8F2B, s0  }
0xcc: {  	[sflag:s0] =	ssyncadd.remote.s32 $0x1  }
0xcd: {  	_ =	sfence.sel $0xFFFF  }
0xce: {  	[dreg:$0x0] =	wrdreg $0xFFFFFFFF;
	(pc) =	sbr.abs _section_cstart, $3  }
0xcf: {  	[dreg:$0x1] =	wrdreg $0xFFFFFFFF  }
0xd0: {  	_ =	task.clear_ibuf [dreg:s22], $0x2FFFF;
	_ =	strace $0x9FFFFFFF  }
0xd1: {  	(tm) =	ssettm $0x7FFFFFFF  }
tec
execute0_lowered:
.L_overlay_start_1:
0x0: {  	(tag) =	ssettag $0x1  }
0x1: {  	s1 =	srdreg.scid;
	s2 =	rddreg [dreg:$0x0]  }
0x2: {  	s0 =	stileid.u32;
	s5 =	rddreg [dreg:$0x1];
	s18 =	simm.s32 $0x900  }
0x3: {  	s19 =	simm.s32 $0x1100;
	s20 =	simm.s32 $0x1900;
	s21 =	simm.s32 $0x2100  }
0x4: {  	s23 =	simm.s32 $0x2900;
	s24 =	simm.s32 $0x3100;
	s25 =	simm.s32 $0x3900  }
0x5: {  	s26 =	simm.s32 $0x4100;
	s8 =	simm.s32 $0x5100;
	s9 =	simm.s32 $0x5900  }
0x6: {  	s10 =	simm.s32 $0x6100;
	s11 =	simm.s32 $0x6900;
	s1 =	sand.u32 $0x1, s1  }
0x7: {  	s12 =	simm.s32 $0x7100;
	s3 =	sshll.u32 s0, $0x9;
	s4 =	sshll.u32 s1, $0x8  }
0x8: {  	s13 =	simm.s32 $0x7900;
	s4 =	sor.u32 s4, s3;
	s3 =	simm.s32 $0x0  }
0x9: {  	s14 =	simm.s32 $0x8100;
	s15 =	simm.s32 $0x8900;
	[smem:$0x7FF] =	sst s3  }
0xa: {  	s16 =	simm.s32 $0x9100;
	_ =	strace $0x8000004D;
	[dreg:$0x5] =	wrdreg s18  }
0xb: {  	s28 =	simm.s32 $0xE900;
	s29 =	simm.s32 $0xF100;
	[dreg:$0x6] =	wrdreg s19  }
0xc: {  	s30 =	simm.s32 $0xF900;
	s1 =	ssub.s32 $0x2, s1;
	[dreg:$0x7] =	wrdreg s20  }
0xd: {  	s31 =	simm.s32 $0x1;
	s22 =	sshrl.u32 s1, $0x1;
	[dreg:$0x8] =	wrdreg s21  }
0xe: {  	s6 =	sshrl.u32 s4, $0x3;
	s4 =	sshll.u32 s4, $0x5;
	[dreg:$0x9] =	wrdreg s23  }
0xf: {  	s1 =	ssub.s32 s1, s22;
	s22 =	simm.s32 $0xC100;
	[dreg:$0xa] =	wrdreg s24  }
0x10: {  	s6 =	sadd.s32 s6, s5;
	s4 =	sadd.s32 s4, s5;
	[dreg:$0xb] =	wrdreg s25  }
0x11: {  	s5 =	simm.s32 $0x3;
	[dreg:$0xc] =	wrdreg s26;
	s18 =	simm.s32 $0xA100  }
0x12: {  	s19 =	simm.s32 $0xA900;
	s20 =	simm.s32 $0xB100;
	s21 =	simm.s32 $0xB900  }
0x13: {  	s23 =	simm.s32 $0xC900;
	s24 =	simm.s32 $0xD100;
	s17 =	sadd.s32 $0xD7600, s6  }
0x14: {  	v2 =	vlaneseq.u32;
	s25 =	simm.s32 $0xD900;
	s4 =	sadd.s32 $0xD7A00, s4;
	[dreg:$0x3] =	wrdreg s17  }
0x15: {  	vm0 =	vmmov $0xffff;
	v1 =	vshrl.u32 v2, $0x3;
	s26 =	simm.s32 $0xE100;
	s6 =	simm.s32 $0x100;
	[dreg:$0x4] =	wrdreg s4  }
0x16: {  	v0 =	vand.u32 $0x7, v2;
	v2 =	vor.u32 $0x8, v2;
	v1 =	vmul.u32 $0x8, v1;
	s4 =	smax.u32 s1, $0x1;
	s17 =	simm.s32 $0x9900;
	s1 =	simm.s32 $0x2  }
.LBB2_1:
0x17: {  	s0 =	rddreg [dreg:$0x3]  }
0x18: {  	[tilespmem:s3], [sflag:$0x3] =	stream.linear.gather [hbm4b:s0+s3], $0x100, $0x38;
	[tilespmem:$0x10100] =	vst v63  }
0x19: {  	_ =	swait.ge [sflag:s5], $0x100  }
0x1a: {  	[sflag:s5] =	ssyncset.done $0x0  }
0x1b: {  	[sflag:s5] =	ssyncadd.s32 $0xFFFFFF00  }
0x1c: {  	v3 =	vld [tilespmem:$0x0];
	_ =	sdelay $0x4  }
0x1d: {  	v4 =	vshll.u32 v3, $0x1  }
0x1e: {  	v3 =	vand.u32 $0x7, v3;
	v4 =	vand.u32 $0xFFFFFFF0, v4  }
0x1f: {  	v3 =	vor.u32 v3, v4  }
0x20: {  	v4 =	vperm.xlane v3, v0;
	_ =	sdelay $0x1  }
0x21: {  	v3 =	vperm.xlane v3, v2;
	v4 =	vadd.s32 v1, v4;
	_ =	sdelay $0x1  }
0x22: {  	v3 =	vadd.s32 v1, v3;
	_ =	sdelay $0x2  }
0x23: {  	[tilespmem:s6], [sflag:$0x1] =	stream.indirect_vreg.gather [hbm4b:s2+s3], $0x80, v4, vm0, $0xb8;
	[tilespmem:$0x10100] =	vst v63  }
0x24: {  	s7 =	rddreg [dreg:$0x5]  }
0x25: {  	[tilespmem:s7], [sflag:$0x1] =	stream.indirect_vreg.gather [hbm4b:s2+s3], $0x80, v3, vm0, $0xb8;
	[tilespmem:$0x10100] =	vst v63  }
0x26: {  	v3 =	vld [tilespmem:$0x10];
	_ =	sdelay $0x4  }
0x27: {  	v49 =	vshll.u32 v3, $0x1  }
0x28: {  	v3 =	vand.u32 $0x7, v3;
	v4 =	vand.u32 $0xFFFFFFF0, v49  }
0x29: {  	v3 =	vor.u32 v3, v4  }
0x2a: {  	v4 =	vperm.xlane v3, v0;
	_ =	sdelay $0x1  }
0x2b: {  	v3 =	vperm.xlane v3, v2;
	v4 =	vadd.s32 v1, v4;
	_ =	sdelay $0x1  }
0x2c: {  	v3 =	vadd.s32 v1, v3;
	_ =	sdelay $0x1  }
0x2d: {  	s0 =	rddreg [dreg:$0x6]  }
0x2e: {  	[tilespmem:s0], [sflag:$0x1] =	stream.indirect_vreg.gather [hbm4b:s2+s3], $0x80, v4, vm0, $0xb8;
	[tilespmem:$0x10100] =	vst v63  }
0x2f: {  	s7 =	rddreg [dreg:$0x7]  }
0x30: {  	[tilespmem:s7], [sflag:$0x1] =	stream.indirect_vreg.gather [hbm4b:s2+s3], $0x80, v3, vm0, $0xb8;
	[tilespmem:$0x10100] =	vst v63  }
0x31: {  	v3 =	vld [tilespmem:$0x20];
	_ =	sdelay $0x4  }
0x32: {  	v50 =	vshll.u32 v3, $0x1  }
0x33: {  	v3 =	vand.u32 $0x7, v3;
	v4 =	vand.u32 $0xFFFFFFF0, v50  }
0x34: {  	v3 =	vor.u32 v3, v4  }
0x35: {  	v4 =	vperm.xlane v3, v0;
	_ =	sdelay $0x1  }
0x36: {  	v3 =	vperm.xlane v3, v2;
	v4 =	vadd.s32 v1, v4;
	_ =	sdelay $0x1  }
0x37: {  	v3 =	vadd.s32 v1, v3;
	_ =	sdelay $0x1  }
0x38: {  	s0 =	rddreg [dreg:$0x8]  }
0x39: {  	[tilespmem:s0], [sflag:$0x1] =	stream.indirect_vreg.gather [hbm4b:s2+s3], $0x80, v4, vm0, $0xb8;
	[tilespmem:$0x10100] =	vst v63  }
0x3a: {  	s7 =	rddreg [dreg:$0x9]  }
0x3b: {  	[tilespmem:s7], [sflag:$0x1] =	stream.indirect_vreg.gather [hbm4b:s2+s3], $0x80, v3, vm0, $0xb8;
	[tilespmem:$0x10100] =	vst v63  }
0x3c: {  	v3 =	vld [tilespmem:$0x30];
	_ =	sdelay $0x4  }
0x3d: {  	v51 =	vshll.u32 v3, $0x1  }
0x3e: {  	v3 =	vand.u32 $0x7, v3;
	v4 =	vand.u32 $0xFFFFFFF0, v51  }
0x3f: {  	v3 =	vor.u32 v3, v4  }
0x40: {  	v4 =	vperm.xlane v3, v0;
	_ =	sdelay $0x1  }
0x41: {  	v3 =	vperm.xlane v3, v2;
	v4 =	vadd.s32 v1, v4;
	_ =	sdelay $0x1  }
0x42: {  	v3 =	vadd.s32 v1, v3;
	_ =	sdelay $0x1  }
0x43: {  	s0 =	rddreg [dreg:$0xa]  }
0x44: {  	[tilespmem:s0], [sflag:$0x1] =	stream.indirect_vreg.gather [hbm4b:s2+s3], $0x80, v4, vm0, $0xb8;
	[tilespmem:$0x10100] =	vst v63  }
0x45: {  	s7 =	rddreg [dreg:$0xb]  }
0x46: {  	[tilespmem:s7], [sflag:$0x1] =	stream.indirect_vreg.gather [hbm4b:s2+s3], $0x80, v3, vm0, $0xb8;
	[tilespmem:$0x10100] =	vst v63  }
0x47: {  	v3 =	vld [tilespmem:$0x40];
	_ =	sdelay $0x4  }
0x48: {  	v52 =	vshll.u32 v3, $0x1  }
0x49: {  	v3 =	vand.u32 $0x7, v3;
	v4 =	vand.u32 $0xFFFFFFF0, v52  }
0x4a: {  	v3 =	vor.u32 v3, v4  }
0x4b: {  	v4 =	vperm.xlane v3, v0;
	_ =	sdelay $0x1  }
0x4c: {  	v3 =	vperm.xlane v3, v2;
	v4 =	vadd.s32 v1, v4;
	_ =	sdelay $0x1  }
0x4d: {  	v3 =	vadd.s32 v1, v3;
	_ =	sdelay $0x1  }
0x4e: {  	s7 =	rddreg [dreg:$0xc]  }
0x4f: {  	[tilespmem:s7], [sflag:$0x1] =	stream.indirect_vreg.gather [hbm4b:s2+s3], $0x80, v4, vm0, $0xb8;
	[tilespmem:$0x10100] =	vst v63  }
0x50: {  	s7 =	simm.s32 $0x4900  }
0x51: {  	[tilespmem:s7], [sflag:$0x1] =	stream.indirect_vreg.gather [hbm4b:s2+s3], $0x80, v3, vm0, $0xb8;
	[tilespmem:$0x10100] =	vst v63  }
0x52: {  	v3 =	vld [tilespmem:$0x50];
	_ =	sdelay $0x4  }
0x53: {  	v53 =	vshll.u32 v3, $0x1  }
0x54: {  	v3 =	vand.u32 $0x7, v3;
	v4 =	vand.u32 $0xFFFFFFF0, v53  }
0x55: {  	v3 =	vor.u32 v3, v4  }
0x56: {  	v4 =	vperm.xlane v3, v0;
	_ =	sdelay $0x1  }
0x57: {  	v3 =	vperm.xlane v3, v2;
	v4 =	vadd.s32 v1, v4;
	_ =	sdelay $0x1  }
0x58: {  	v3 =	vadd.s32 v1, v3;
	_ =	sdelay $0x2  }
0x59: {  	[tilespmem:s8], [sflag:$0x1] =	stream.indirect_vreg.gather [hbm4b:s2+s3], $0x80, v4, vm0, $0xb8;
	[tilespmem:$0x10100] =	vst v63  }
0x5a: {  	_ = 	snop  }
0x5b: {  	[tilespmem:s9], [sflag:$0x1] =	stream.indirect_vreg.gather [hbm4b:s2+s3], $0x80, v3, vm0, $0xb8;
	[tilespmem:$0x10100] =	vst v63  }
0x5c: {  	v3 =	vld [tilespmem:$0x60];
	_ =	sdelay $0x4  }
0x5d: {  	v54 =	vshll.u32 v3, $0x1  }
0x5e: {  	v3 =	vand.u32 $0x7, v3;
	v4 =	vand.u32 $0xFFFFFFF0, v54  }
0x5f: {  	v3 =	vor.u32 v3, v4  }
0x60: {  	v4 =	vperm.xlane v3, v0;
	_ =	sdelay $0x1  }
0x61: {  	v3 =	vperm.xlane v3, v2;
	v4 =	vadd.s32 v1, v4;
	_ =	sdelay $0x1  }
0x62: {  	v3 =	vadd.s32 v1, v3;
	_ =	sdelay $0x2  }
0x63: {  	[tilespmem:s10], [sflag:$0x1] =	stream.indirect_vreg.gather [hbm4b:s2+s3], $0x80, v4, vm0, $0xb8;
	[tilespmem:$0x10100] =	vst v63  }
0x64: {  	_ = 	snop  }
0x65: {  	[tilespmem:s11], [sflag:$0x1] =	stream.indirect_vreg.gather [hbm4b:s2+s3], $0x80, v3, vm0, $0xb8;
	[tilespmem:$0x10100] =	vst v63  }
0x66: {  	v3 =	vld [tilespmem:$0x70];
	_ =	sdelay $0x4  }
0x67: {  	v55 =	vshll.u32 v3, $0x1  }
0x68: {  	v3 =	vand.u32 $0x7, v3;
	v4 =	vand.u32 $0xFFFFFFF0, v55  }
0x69: {  	v3 =	vor.u32 v3, v4  }
0x6a: {  	v4 =	vperm.xlane v3, v0;
	_ =	sdelay $0x1  }
0x6b: {  	v3 =	vperm.xlane v3, v2;
	v4 =	vadd.s32 v1, v4;
	_ =	sdelay $0x1  }
0x6c: {  	v3 =	vadd.s32 v1, v3;
	_ =	sdelay $0x2  }
0x6d: {  	[tilespmem:s12], [sflag:$0x1] =	stream.indirect_vreg.gather [hbm4b:s2+s3], $0x80, v4, vm0, $0xb8;
	[tilespmem:$0x10100] =	vst v63  }
0x6e: {  	_ = 	snop  }
0x6f: {  	[tilespmem:s13], [sflag:$0x1] =	stream.indirect_vreg.gather [hbm4b:s2+s3], $0x80, v3, vm0, $0xb8;
	[tilespmem:$0x10100] =	vst v63  }
0x70: {  	v3 =	vld [tilespmem:$0x80];
	_ =	sdelay $0x4  }
0x71: {  	v56 =	vshll.u32 v3, $0x1  }
0x72: {  	v3 =	vand.u32 $0x7, v3;
	v4 =	vand.u32 $0xFFFFFFF0, v56  }
0x73: {  	v3 =	vor.u32 v3, v4  }
0x74: {  	v4 =	vperm.xlane v3, v0;
	_ =	sdelay $0x1  }
0x75: {  	v3 =	vperm.xlane v3, v2;
	v4 =	vadd.s32 v1, v4;
	_ =	sdelay $0x1  }
0x76: {  	v3 =	vadd.s32 v1, v3;
	_ =	sdelay $0x2  }
0x77: {  	[tilespmem:s14], [sflag:$0x1] =	stream.indirect_vreg.gather [hbm4b:s2+s3], $0x80, v4, vm0, $0xb8;
	[tilespmem:$0x10100] =	vst v63  }
0x78: {  	_ = 	snop  }
0x79: {  	[tilespmem:s15], [sflag:$0x1] =	stream.indirect_vreg.gather [hbm4b:s2+s3], $0x80, v3, vm0, $0xb8;
	[tilespmem:$0x10100] =	vst v63  }
0x7a: {  	v3 =	vld [tilespmem:$0x90];
	_ =	sdelay $0x4  }
0x7b: {  	v57 =	vshll.u32 v3, $0x1  }
0x7c: {  	v3 =	vand.u32 $0x7, v3;
	v4 =	vand.u32 $0xFFFFFFF0, v57  }
0x7d: {  	v3 =	vor.u32 v3, v4  }
0x7e: {  	v4 =	vperm.xlane v3, v0;
	_ =	sdelay $0x1  }
0x7f: {  	v3 =	vperm.xlane v3, v2;
	v4 =	vadd.s32 v1, v4;
	_ =	sdelay $0x1  }
0x80: {  	v3 =	vadd.s32 v1, v3;
	_ =	sdelay $0x2  }
0x81: {  	[tilespmem:s16], [sflag:$0x1] =	stream.indirect_vreg.gather [hbm4b:s2+s3], $0x80, v4, vm0, $0xb8;
	[tilespmem:$0x10100] =	vst v63  }
0x82: {  	_ = 	snop  }
0x83: {  	[tilespmem:s17], [sflag:$0x1] =	stream.indirect_vreg.gather [hbm4b:s2+s3], $0x80, v3, vm0, $0xb8;
	[tilespmem:$0x10100] =	vst v63  }
0x84: {  	v3 =	vld [tilespmem:$0xA0];
	_ =	sdelay $0x4  }
0x85: {  	v58 =	vshll.u32 v3, $0x1  }
0x86: {  	v3 =	vand.u32 $0x7, v3;
	v4 =	vand.u32 $0xFFFFFFF0, v58  }
0x87: {  	v3 =	vor.u32 v3, v4  }
0x88: {  	v4 =	vperm.xlane v3, v0;
	_ =	sdelay $0x1  }
0x89: {  	v3 =	vperm.xlane v3, v2;
	v4 =	vadd.s32 v1, v4;
	_ =	sdelay $0x1  }
0x8a: {  	v3 =	vadd.s32 v1, v3;
	_ =	sdelay $0x2  }
0x8b: {  	[tilespmem:s18], [sflag:$0x1] =	stream.indirect_vreg.gather [hbm4b:s2+s3], $0x80, v4, vm0, $0xb8;
	[tilespmem:$0x10100] =	vst v63  }
0x8c: {  	_ = 	snop  }
0x8d: {  	[tilespmem:s19], [sflag:$0x1] =	stream.indirect_vreg.gather [hbm4b:s2+s3], $0x80, v3, vm0, $0xb8;
	[tilespmem:$0x10100] =	vst v63  }
0x8e: {  	v3 =	vld [tilespmem:$0xB0];
	_ =	sdelay $0x4  }
0x8f: {  	v59 =	vshll.u32 v3, $0x1  }
0x90: {  	v3 =	vand.u32 $0x7, v3;
	v4 =	vand.u32 $0xFFFFFFF0, v59  }
0x91: {  	v3 =	vor.u32 v3, v4  }
0x92: {  	v4 =	vperm.xlane v3, v0;
	_ =	sdelay $0x1  }
0x93: {  	v3 =	vperm.xlane v3, v2;
	v4 =	vadd.s32 v1, v4;
	_ =	sdelay $0x1  }
0x94: {  	v3 =	vadd.s32 v1, v3;
	_ =	sdelay $0x2  }
0x95: {  	[tilespmem:s20], [sflag:$0x1] =	stream.indirect_vreg.gather [hbm4b:s2+s3], $0x80, v4, vm0, $0xb8;
	[tilespmem:$0x10100] =	vst v63  }
0x96: {  	_ = 	snop  }
0x97: {  	[tilespmem:s21], [sflag:$0x1] =	stream.indirect_vreg.gather [hbm4b:s2+s3], $0x80, v3, vm0, $0xb8;
	[tilespmem:$0x10100] =	vst v63  }
0x98: {  	v3 =	vld [tilespmem:$0xC0];
	_ =	sdelay $0x4  }
0x99: {  	v60 =	vshll.u32 v3, $0x1  }
0x9a: {  	v3 =	vand.u32 $0x7, v3;
	v4 =	vand.u32 $0xFFFFFFF0, v60  }
0x9b: {  	v3 =	vor.u32 v3, v4  }
0x9c: {  	v4 =	vperm.xlane v3, v0;
	_ =	sdelay $0x1  }
0x9d: {  	v3 =	vperm.xlane v3, v2;
	v4 =	vadd.s32 v1, v4;
	_ =	sdelay $0x1  }
0x9e: {  	v3 =	vadd.s32 v1, v3;
	_ =	sdelay $0x2  }
0x9f: {  	[tilespmem:s22], [sflag:$0x1] =	stream.indirect_vreg.gather [hbm4b:s2+s3], $0x80, v4, vm0, $0xb8;
	[tilespmem:$0x10100] =	vst v63  }
0xa0: {  	_ = 	snop  }
0xa1: {  	[tilespmem:s23], [sflag:$0x1] =	stream.indirect_vreg.gather [hbm4b:s2+s3], $0x80, v3, vm0, $0xb8;
	[tilespmem:$0x10100] =	vst v63  }
0xa2: {  	v3 =	vld [tilespmem:$0xD0];
	_ =	sdelay $0x4  }
0xa3: {  	v61 =	vshll.u32 v3, $0x1  }
0xa4: {  	v3 =	vand.u32 $0x7, v3;
	v4 =	vand.u32 $0xFFFFFFF0, v61  }
0xa5: {  	v3 =	vor.u32 v3, v4  }
0xa6: {  	v4 =	vperm.xlane v3, v0;
	_ =	sdelay $0x1  }
0xa7: {  	v3 =	vperm.xlane v3, v2;
	v4 =	vadd.s32 v1, v4;
	_ =	sdelay $0x1  }
0xa8: {  	v3 =	vadd.s32 v1, v3;
	_ =	sdelay $0x2  }
0xa9: {  	[tilespmem:s24], [sflag:$0x1] =	stream.indirect_vreg.gather [hbm4b:s2+s3], $0x80, v4, vm0, $0xb8;
	[tilespmem:$0x10100] =	vst v63  }
0xaa: {  	_ = 	snop  }
0xab: {  	[tilespmem:s25], [sflag:$0x1] =	stream.indirect_vreg.gather [hbm4b:s2+s3], $0x80, v3, vm0, $0xb8;
	[tilespmem:$0x10100] =	vst v63  }
0xac: {  	v3 =	vld [tilespmem:$0xE0];
	_ =	sdelay $0x4  }
0xad: {  	v62 =	vshll.u32 v3, $0x1  }
0xae: {  	v3 =	vand.u32 $0x7, v3;
	v4 =	vand.u32 $0xFFFFFFF0, v62  }
0xaf: {  	v3 =	vor.u32 v3, v4  }
0xb0: {  	v4 =	vperm.xlane v3, v0;
	_ =	sdelay $0x1  }
0xb1: {  	v3 =	vperm.xlane v3, v2;
	v4 =	vadd.s32 v1, v4;
	_ =	sdelay $0x1  }
0xb2: {  	v3 =	vadd.s32 v1, v3;
	_ =	sdelay $0x2  }
0xb3: {  	[tilespmem:s26], [sflag:$0x1] =	stream.indirect_vreg.gather [hbm4b:s2+s3], $0x80, v4, vm0, $0xb8;
	[tilespmem:$0x10100] =	vst v63  }
0xb4: {  	_ = 	snop  }
0xb5: {  	[tilespmem:s28], [sflag:$0x1] =	stream.indirect_vreg.gather [hbm4b:s2+s3], $0x80, v3, vm0, $0xb8;
	[tilespmem:$0x10100] =	vst v63  }
0xb6: {  	v3 =	vld [tilespmem:$0xF0];
	_ =	sdelay $0x4  }
0xb7: {  	v63 =	vshll.u32 v3, $0x1  }
0xb8: {  	v3 =	vand.u32 $0x7, v3;
	v4 =	vand.u32 $0xFFFFFFF0, v63  }
0xb9: {  	v3 =	vor.u32 v3, v4  }
0xba: {  	v4 =	vperm.xlane v3, v0;
	_ =	sdelay $0x1  }
0xbb: {  	v3 =	vperm.xlane v3, v2;
	v4 =	vadd.s32 v1, v4;
	_ =	sdelay $0x1  }
0xbc: {  	v3 =	vadd.s32 v1, v3;
	_ =	sdelay $0x2  }
0xbd: {  	[tilespmem:s29], [sflag:$0x1] =	stream.indirect_vreg.gather [hbm4b:s2+s3], $0x80, v4, vm0, $0xb8;
	[tilespmem:$0x10100] =	vst v63  }
0xbe: {  	_ = 	snop  }
0xbf: {  	[tilespmem:s30], [sflag:$0x1] =	stream.indirect_vreg.gather [hbm4b:s2+s3], $0x80, v3, vm0, $0xb8;
	[tilespmem:$0x10100] =	vst v63  }
0xc0: {  	_ =	swait.ge [sflag:s31], $0x10000  }
0xc1: {  	p0 =	sne.s32 s4, $0x1;
	[sflag:s31] =	ssyncset.done $0x0  }
.Ltmp0:
0xc2: {  	s7 =	rddreg [dreg:$0x4];
	[sflag:s31] =	ssyncadd.s32 $0xFFFF0000;
	(pc) =	sbr.rel @p0 .LBB2_1-.Ltmp0, $4  }
0xc3: {  	[hbm4b:s7+s3] =	stream.linear.scatter [tilespmem:s6], [sflag:$0x2], $0x10000, $0x38;
	[tilespmem:$0x10100] =	vst v63  }
0xc4: {  	_ =	swait.ge [sflag:s1], $0x10000  }
0xc5: {  	[sflag:s1] =	ssyncset.done $0x0  }
0xc6: {  	s4 =	sadd.s32 $0xFFFFFFFF, s4;
	[sflag:s1] =	ssyncadd.s32 $0xFFFF0000  }
0xc7: {  	_ =	sfence.sel $0x180000  }
0xc8: {  	[bflag:$0x0] =	sbarrier.arrive $0xFFFF  }
0xc9: {  	_ =	strace $0x9000004D  }
0xca: {  	s0 =	stileid.u32;
	[bflag:$0x2] =	sbarrier.arrive $0xFFFF  }
0xcb: {  	p0 =	sne.s32 s0, $0x0;
	s0 =	rddreg [dreg:$0x2]  }
0xcc: {  	s0 =	sadd.s32 @!p0 $0x100000, s0  }
0xcd: {  	[sflag:s0] =	ssyncadd.tile.s32 @!p0 $0x1;
	_ =	shalt  }
.Lfunc_end2:
_tile_overlayer_lowered:
.L_overlay_start_2:
0xce: {  	(tag) =	ssettag $0x2  }
0xcf: {  	s0 =	rddreg [dreg:$0x0];
	s2 =	stileid.u32  }
0xd0: {  	s1 =	rddreg [dreg:$0x1];
	p0 =	sne.s32 s2, $0x0  }
0xd1: {  	s3 =	rddreg [dreg:$0x2];
	[bflag:$0x3] =	sbarrier.arrive $0xFFFF;
	s2 =	simm.s32 @!p0 $0x1C03  }
0xd2: {  	[timem:s3], [sflag:s2] =	dma.local @!p0 [hbm:s0], s1  }
0xd3: {  	s0 =	simm.s32 @!p0 $0x3  }
0xd4: {  	_ =	swait.ge @!p0 [sflag:s0], s1  }
0xd5: {  	s1 =	ssub.s32 @!p0 $0x0, s1;
	[sflag:s0] =	ssyncset.done @!p0 $0x0  }
0xd6: {  	[sflag:s0] =	ssyncadd.s32 @!p0 s1  }
0xd7: {  	[bflag:$0x3] =	sbarrier.arrive $0xFFFF  }
0xd8: {  	_ =	shalt  }

// kernel: kernel.23.cloned.1.call-start
scs
__scs_entry_jumppad:
0x0: {  	(pc) =	sbr.rel $0x88, $3  }
0x1: {  	(tag) =	ssettag $0x0;
	lr =	simm.s32 $0x1  }
0x2: {  	[smem:$0x3F97] =	sst lr;
	_ =	strace $0xD0000000  }
0x3: {  	_ = 	snop  }
0x4: {  	_ = 	snop  }
0x5: {  	_ = 	snop  }
0x6: {  	_ = 	snop  }
0x7: {  	_ = 	snop  }
__scs_overlays_trampoline_lowered:
0x8: {  	[smem:$0x3FA6] =	sst s0  }
0x9: {  	[smem:$0x3FA7] =	sst s1  }
0xa: {  	[smem:$0x3FA8] =	sst s2  }
0xb: {  	[smem:$0x3FA9] =	sst s3  }
0xc: {  	[smem:$0x3FAA] =	sst s4  }
0xd: {  	[smem:$0x3FAB] =	sst s5  }
0xe: {  	[smem:$0x3FAC] =	sst s6  }
0xf: {  	[smem:$0x3FAD] =	sst s7  }
0x10: {  	[smem:$0x3FAE] =	sst s8  }
0x11: {  	[smem:$0x3FAF] =	sst s9;
	s0 =	simm.s32 @!p0 $0x0  }
0x12: {  	s1 =	sld [smem:$0x3F95];
	s0 =	simm.s32 @p0 $0x1  }
0x13: {  	[smem:$0x3FB0] =	sst s0;
	s0 =	simm.s32 @!p1 $0x0  }
0x14: {  	s2 =	sld [smem:$0x3F94];
	s0 =	simm.s32 @p1 $0x1  }
0x15: {  	[smem:$0x3FB1] =	sst s0;
	s0 =	simm.s32 @!p2 $0x0  }
0x16: {  	s3 =	sld [smem:$0x3FDB];
	s0 =	simm.s32 @p2 $0x1  }
0x17: {  	s4 =	simm.s32 $0x1BF5;
	[smem:$0x3FB3] =	sst s0  }
0x18: {  	s0 =	sld [smem:$0x3F96];
	_ =	swait.ge [sflag:s4], $0x0  }
0x19: {  	s7 =	sld [smem:$0x3F97]  }
0x1a: {  	s8 =	sadd.s32 $0xFFFFE003, lr  }
0x1b: {  	s9 =	sadd.s32 $0xFFFFFEF7, lr;
	s5 =	simm.s32 $0xFFFFFFFF;
	p2 =	slt.u32 s8, $0xFFFFF086  }
0x1c: {  	p1 =	slt.u32 s9, $0xF7A;
	s5 =	simm.s32 @!p2 $0x0  }
0x1d: {  	s5 =	simm.s32 @p1 $0x1;
	p0 =	seq.s32 s7, s2  }
0x1e: {  	s7 =	smul.u32 @!p0 $0xF7A, s2;
	p2 =	seq.s32 @!p0 s5, $0x0  }
0x1f: {  	s9 =	smul.u32 $0xF7A, s1;
	s8 =	simm.s32 @!p0 $0x1BF5;
	p2 =	por !p2, p0  }
0x20: {  	[sflag:s8] =	ssyncset.s32 @!p0 $0xFFFFF086;
	s6 =	sadd.s32 @!p0 s3, s7;
	s7 =	simm.s32 @!p0 $0x108  }
0x21: {  	s3 =	sadd.s32 s3, s9;
	s6 =	sadd.s32 @!p0 $0x88, s6;
	s7 =	simm.s32 @p2 $0x1082  }
0x22: {  	[simem:s7], [sflag:s8] =	dma.local @!p0 [hbm:s6], $0xF7A  }
0x23: {  	s9 =	sor.u32 $0xD0000000, s2;
	s6 =	simm.s32 $0x108;
	_ =	swait.ge @!p0 [sflag:s8], $0x0  }
0x24: {  	s3 =	sadd.s32 $0x88, s3;
	s6 =	simm.s32 @!p1 $0x1082;
	[sflag:s4] =	ssyncset.s32 $0xFFFFF086  }
0x25: {  	[simem:s6], [sflag:s4] =	dma.local [hbm:s3], $0xF7A  }
0x26: {  	[smem:$0x3F97] =	sst s1;
	(tag) =	ssettag s2;
	_ =	strace s9  }
0x27: {  	s1 =	sld [smem:$0x3FA7]  }
0x28: {  	s2 =	sld [smem:$0x3FA8]  }
0x29: {  	s4 =	sld [smem:$0x3FAA]  }
0x2a: {  	p0 =	seq.s32 s5, $0x0;
	s5 =	sld [smem:$0x3FAB]  }
0x2b: {  	s6 =	sld [smem:$0x3FAC]  }
0x2c: {  	s7 =	sld [smem:$0x3FAD]  }
0x2d: {  	s3 =	simm.s32 $0x108;
	s8 =	sld [smem:$0x3FAE]  }
0x2e: {  	s3 =	simm.s32 @!p0 $0x1082;
	s9 =	sld [smem:$0x3FAF]  }
0x2f: {  	lr =	sadd.s32 s0, s3;
	s0 =	sld [smem:$0x3FA6]  }
0x30: {  	s3 =	sld [smem:$0x3FA9]  }
0x31: {  	[smem:$0x3FB2] =	sst s10  }
0x32: {  	s10 =	sld [smem:$0x3FB0];
	_ =	sdelay $0x3  }
0x33: {  	p0 =	seq.s32 s10, $0x1;
	s10 =	sld [smem:$0x3FB2];
	_ =	sdelay $0x3  }
0x34: {  	[smem:$0x3FB2] =	sst s10  }
0x35: {  	s10 =	sld [smem:$0x3FB1];
	_ =	sdelay $0x3  }
0x36: {  	p1 =	seq.s32 s10, $0x1;
	s10 =	sld [smem:$0x3FB2];
	_ =	sdelay $0x3  }
0x37: {  	[smem:$0x3FB2] =	sst s10  }
0x38: {  	s10 =	sld [smem:$0x3FB3]  }
0x39: {  	_ = 	snop;
	(pc) =	sbr.ind lr, $3  }
0x3a: {  	_ = 	snop  }
0x3b: {  	_ = 	snop  }
0x3c: {  	p2 =	seq.s32 s10, $0x1;
	s10 =	sld [smem:$0x3FB2]  }
0x3d: {  	_ =	shalt  }
0x3e: {  	_ =	shalt  }
0x3f: {  	_ =	shalt  }
0x40: {  	_ =	shalt  }
0x41: {  	_ =	shalt  }
0x42: {  	_ =	shalt  }
0x43: {  	_ =	shalt  }
0x44: {  	_ =	shalt  }
0x45: {  	_ =	shalt  }
0x46: {  	_ =	shalt  }
0x47: {  	_ =	shalt  }
0x48: {  	_ =	shalt  }
0x49: {  	_ =	shalt  }
0x4a: {  	_ =	shalt  }
0x4b: {  	_ =	shalt  }
0x4c: {  	_ =	shalt  }
0x4d: {  	_ =	shalt  }
0x4e: {  	_ =	shalt  }
0x4f: {  	_ =	shalt  }
0x50: {  	_ =	shalt  }
0x51: {  	_ =	shalt  }
0x52: {  	_ =	shalt  }
0x53: {  	_ =	shalt  }
0x54: {  	_ =	shalt  }
0x55: {  	_ =	shalt  }
0x56: {  	_ =	shalt  }
0x57: {  	_ =	shalt  }
0x58: {  	_ =	shalt  }
0x59: {  	_ =	shalt  }
0x5a: {  	_ =	shalt  }
0x5b: {  	_ =	shalt  }
0x5c: {  	_ =	shalt  }
0x5d: {  	_ =	shalt  }
0x5e: {  	_ =	shalt  }
0x5f: {  	_ =	shalt  }
0x60: {  	_ =	shalt  }
0x61: {  	_ =	shalt  }
0x62: {  	_ =	shalt  }
0x63: {  	_ =	shalt  }
0x64: {  	_ =	shalt  }
0x65: {  	_ =	shalt  }
0x66: {  	_ =	shalt  }
0x67: {  	_ =	shalt  }
0x68: {  	_ =	shalt  }
0x69: {  	_ =	shalt  }
0x6a: {  	_ =	shalt  }
0x6b: {  	_ =	shalt  }
0x6c: {  	_ =	shalt  }
0x6d: {  	_ =	shalt  }
0x6e: {  	_ =	shalt  }
0x6f: {  	_ =	shalt  }
0x70: {  	_ =	shalt  }
0x71: {  	_ =	shalt  }
0x72: {  	_ =	shalt  }
0x73: {  	_ =	shalt  }
0x74: {  	_ =	shalt  }
0x75: {  	_ =	shalt  }
0x76: {  	_ =	shalt  }
0x77: {  	_ =	shalt  }
0x78: {  	_ =	shalt  }
0x79: {  	_ =	shalt  }
0x7a: {  	_ =	shalt  }
0x7b: {  	_ =	shalt  }
0x7c: {  	_ =	shalt  }
0x7d: {  	_ =	shalt  }
0x7e: {  	_ =	shalt  }
0x7f: {  	_ =	shalt  }
0x80: {  	_ =	shalt  }
0x81: {  	_ =	shalt  }
0x82: {  	_ =	shalt  }
0x83: {  	_ =	shalt  }
0x84: {  	_ =	shalt  }
0x85: {  	_ =	shalt  }
0x86: {  	_ =	shalt  }
0x87: {  	_ =	shalt  }
.Lfunc_end0:
.L_simem_size_0:
called_computation.3_lowered:
.L_overlay_start_0:
0x88: {  	s2 =	sld [smem:$0x3FD9]  }
0x89: {  	s3 =	sld [smem:$0x3FFE];
	_ =	sdelay $0x1  }
0x8a: {  	s1 =	srdreg.scid  }
0x8b: {  	s0 =	sand.u32 $0x1, s1  }
0x8c: {  	s17 =	sshll.u32 s0, $0xA;
	s2 =	sadd.s32 s3, s2  }
0x8d: {  	s2 =	sadd.s32 s2, s17  }
0x8e: {  	[smem:$0x3FBE] =	sst s2  }
0x8f: {  	_ = 	snop  }
0x90: {  	s18 =	sld [smem:$0x3FC0];
	(tm) =	ssettm $0x1  }
0x91: {  	s19 =	sld [smem:$0x3FFB];
	_ =	sdelay $0x3  }
0x92: {  	_ =	strace s19  }
0x93: {  	s2 =	sld [smem:$0x3FFC];
	_ =	sdelay $0x3  }
0x94: {  	_ =	strace s2  }
0x95: {  	s2 =	sld [smem:$0x3FFD];
	_ =	sdelay $0x3  }
0x96: {  	_ =	strace s2  }
0x97: {  	_ =	strace $0x8FFFFFFF  }
0x98: {  	s20 =	sld [smem:$0x3FDB];
	_ =	sdelay $0x1  }
0x99: {  	s4 =	simm.s32 $_scs_section_size  }
0x9a: {  	s5 =	simm.s32 $_size__tile_overlayer_lowered;
	s6 =	simm.s32 $_tile_overlayer_lowered  }
0x9b: {  	s7 =	simm.s32 $0x1BFF;
	s21 =	sshll.u32 s6, $0x1;
	s4 =	sadd.s32 s4, s20  }
0x9c: {  	s22 =	simm.s32 $0x0;
	s5 =	sshll.u32 s5, $0x1;
	s6 =	sadd.s32 s21, s4  }
0x9d: {  	[timem:s22], [sflag:s7] =	dma.local [hbm:s6], s5  }
0x9e: {  	_ =	swait.ge [sflag:s7], s5  }
0x9f: {  	s5 =	ssub.s32 $0x0, s5;
	[sflag:s7] =	ssyncset.done $0x0  }
0xa0: {  	[sflag:s7] =	ssyncadd.s32 s5;
	_ =	sdelay $0x1  }
0xa1: {  	s23 =	simm.s32 $0x1B8B  }
0xa2: {  	_ =	swait.ge [sflag:s23], $0x1  }
0xa3: {  	[sflag:s23] =	ssyncset.done $0x0  }
0xa4: {  	[sflag:s23] =	ssyncadd.s32 $0xFFFFFFFF  }
0xa5: {  	s5 =	sld [smem:$0x0]  }
0xa6: {  	s6 =	sand.u32 $0xFFFFFFFE, s1  }
0xa7: {  	p0 =	sne.s32 s1, s6  }
0xa8: {  	s6 =	sshll.u32 @p0 s6, $0xE  }
0xa9: {  	s6 =	sadd.s32 @p0 $0x11B8D, s6;
	s7 =	sshll.u32 @p0 s5, $0x11  }
0xaa: {  	s6 =	sor.u32 @p0 s7, s6  }
0xab: {  	[sflag:s6] =	ssyncadd.remote.s32 @p0 $0x1;
	_ =	sdelay $0x1  }
0xac: {  	s6 =	simm.s32 @p0 $0x1B8D  }
0xad: {  	_ =	swait.eq @p0 [sflag:s6], $0x1  }
0xae: {  	[sflag:s6] =	ssyncadd.s32 @p0 $0xFFFFFFFF  }
0xaf: {  	s7 =	sshll.u32 @!p0 s1, $0xE  }
0xb0: {  	s7 =	sor.u32 @!p0 $0x4000, s7;
	s6 =	simm.s32 @!p0 $0x1B8D  }
0xb1: {  	s5 =	sshll.u32 @!p0 s5, $0x11;
	s7 =	sadd.s32 @!p0 $0x11B8D, s7;
	_ =	swait.eq @!p0 [sflag:s6], $0x1  }
0xb2: {  	s5 =	sor.u32 @!p0 s5, s7;
	[sflag:s6] =	ssyncadd.s32 @!p0 $0xFFFFFFFF  }
0xb3: {  	s25 =	simm.s32 $0x1B8E;
	s24 =	sld [smem:$0x3FFE];
	[sflag:s5] =	ssyncadd.remote.s32 @!p0 $0x1  }
0xb4: {  	s26 =	simm.s32 $execute0_lowered;
	[smem:$0x3FD2] =	sst s25  }
0xb5: {  	s6 =	sshll.u32 s26, $0x1;
	_ =	strace $0x8000004F;
	[dreg:$0x1] =	wrdreg $0xFFFFFFFF  }
0xb6: {  	s28 =	simm.s32 $_size_execute0_lowered;
	s4 =	sadd.s32 s4, s6;
	[dreg:$0x0] =	wrdreg $0x0  }
0xb7: {  	s6 =	sshll.u32 s28, $0x1;
	[dreg:$0x2] =	wrdreg s4  }
0xb8: {  	[dreg:$0x3] =	wrdreg s6  }
0xb9: {  	[dreg:$0x4] =	wrdreg $0xC0  }
0xba: {  	_ =	task [dreg:s22], $0x5FFFF  }
0xbb: {  	[dreg:$0x1] =	wrdreg $0xFFFFFFFF  }
0xbc: {  	[dreg:$0x0] =	wrdreg $0x60  }
0xbd: {  	[dreg:$0x2] =	wrdreg s18  }
0xbe: {  	[dreg:$0x3] =	wrdreg s24  }
0xbf: {  	[dreg:$0x4] =	wrdreg $0xC  }
0xc0: {  	_ =	task.clear_ibuf [dreg:s22], $0x5FFFF;
	_ =	strace $0x9000004F  }
0xc1: {  	s29 =	simm.s32 $0xC;
	_ =	strace $0x80000051  }
0xc2: {  	_ =	swait.ge [sflag:s29], $0x1  }
0xc3: {  	[sflag:s29] =	ssyncadd.s32 $0xFFFFFFFF  }
0xc4: {  	_ =	strace $0x90000051  }
0xc5: {  	_ =	sfence  }
0xc6: {  	s30 =	sld [smem:$0x0];
	_ =	sdelay $0x2  }
0xc7: {  	s31 =	sshll.u32 s1, $0xD;
	s1 =	sshrl.u32 s1, $0x2  }
0xc8: {  	s4 =	sand.u32 $0x4000, s31;
	s1 =	sadd.s32 s1, s30  }
0xc9: {  	s0 =	sor.u32 s4, s0;
	s1 =	sshll.u32 s1, $0x11  }
0xca: {  	s0 =	sor.u32 s1, s0  }
0xcb: {  	s0 =	sadd.s32 $0x8F2B, s0  }
0xcc: {  	[sflag:s0] =	ssyncadd.remote.s32 $0x1  }
0xcd: {  	_ =	sfence.sel $0xFFFF  }
0xce: {  	[dreg:$0x0] =	wrdreg $0xFFFFFFFF;
	(pc) =	sbr.abs _section_cstart, $3  }
0xcf: {  	[dreg:$0x1] =	wrdreg $0xFFFFFFFF  }
0xd0: {  	_ =	task.clear_ibuf [dreg:s22], $0x2FFFF;
	_ =	strace $0x9FFFFFFF  }
0xd1: {  	(tm) =	ssettm $0x7FFFFFFF  }
tec
execute0_lowered:
.L_overlay_start_1:
0x0: {  	(tag) =	ssettag $0x1  }
0x1: {  	s1 =	srdreg.scid;
	s2 =	rddreg [dreg:$0x0]  }
0x2: {  	s0 =	stileid.u32;
	s5 =	rddreg [dreg:$0x1];
	s18 =	simm.s32 $0x900  }
0x3: {  	s19 =	simm.s32 $0x1100;
	s20 =	simm.s32 $0x1900;
	s21 =	simm.s32 $0x2100  }
0x4: {  	s23 =	simm.s32 $0x2900;
	s24 =	simm.s32 $0x3100;
	s25 =	simm.s32 $0x3900  }
0x5: {  	s26 =	simm.s32 $0x4100;
	s8 =	simm.s32 $0x5100;
	s9 =	simm.s32 $0x5900  }
0x6: {  	s10 =	simm.s32 $0x6100;
	s11 =	simm.s32 $0x6900;
	s1 =	sand.u32 $0x1, s1  }
0x7: {  	s12 =	simm.s32 $0x7100;
	s3 =	sshll.u32 s0, $0x9;
	s4 =	sshll.u32 s1, $0x8  }
0x8: {  	s13 =	simm.s32 $0x7900;
	s4 =	sor.u32 s4, s3;
	s3 =	simm.s32 $0x0  }
0x9: {  	s14 =	simm.s32 $0x8100;
	s15 =	simm.s32 $0x8900;
	[smem:$0x7FF] =	sst s3  }
0xa: {  	s16 =	simm.s32 $0x9100;
	_ =	strace $0x80000050;
	[dreg:$0x5] =	wrdreg s18  }
0xb: {  	s28 =	simm.s32 $0xE900;
	s29 =	simm.s32 $0xF100;
	[dreg:$0x6] =	wrdreg s19  }
0xc: {  	s30 =	simm.s32 $0xF900;
	s1 =	ssub.s32 $0x2, s1;
	[dreg:$0x7] =	wrdreg s20  }
0xd: {  	s31 =	simm.s32 $0x1;
	s22 =	sshrl.u32 s1, $0x1;
	[dreg:$0x8] =	wrdreg s21  }
0xe: {  	s6 =	sshrl.u32 s4, $0x3;
	s4 =	sshll.u32 s4, $0x5;
	[dreg:$0x9] =	wrdreg s23  }
0xf: {  	s1 =	ssub.s32 s1, s22;
	s22 =	simm.s32 $0xC100;
	[dreg:$0xa] =	wrdreg s24  }
0x10: {  	s6 =	sadd.s32 s6, s5;
	s4 =	sadd.s32 s4, s5;
	[dreg:$0xb] =	wrdreg s25  }
0x11: {  	s5 =	simm.s32 $0x3;
	[dreg:$0xc] =	wrdreg s26;
	s18 =	simm.s32 $0xA100  }
0x12: {  	s19 =	simm.s32 $0xA900;
	s20 =	simm.s32 $0xB100;
	s21 =	simm.s32 $0xB900  }
0x13: {  	s23 =	simm.s32 $0xC900;
	s24 =	simm.s32 $0xD100;
	s17 =	sadd.s32 $0x6A00, s6  }
0x14: {  	v2 =	vlaneseq.u32;
	s25 =	simm.s32 $0xD900;
	s4 =	sadd.s32 $0x117A00, s4;
	[dreg:$0x3] =	wrdreg s17  }
0x15: {  	vm0 =	vmmov $0xffff;
	v1 =	vshrl.u32 v2, $0x3;
	s26 =	simm.s32 $0xE100;
	s6 =	simm.s32 $0x100;
	[dreg:$0x4] =	wrdreg s4  }
0x16: {  	v0 =	vand.u32 $0x7, v2;
	v2 =	vor.u32 $0x8, v2;
	v1 =	vmul.u32 $0x8, v1;
	s4 =	smax.u32 s1, $0x1;
	s17 =	simm.s32 $0x9900;
	s1 =	simm.s32 $0x2  }
.LBB2_1:
0x17: {  	s0 =	rddreg [dreg:$0x3]  }
0x18: {  	[tilespmem:s3], [sflag:$0x3] =	stream.linear.gather [hbm4b:s0+s3], $0x100, $0x38;
	[tilespmem:$0x10100] =	vst v63  }
0x19: {  	_ =	swait.ge [sflag:s5], $0x100  }
0x1a: {  	[sflag:s5] =	ssyncset.done $0x0  }
0x1b: {  	[sflag:s5] =	ssyncadd.s32 $0xFFFFFF00  }
0x1c: {  	v3 =	vld [tilespmem:$0x0];
	_ =	sdelay $0x4  }
0x1d: {  	v4 =	vshll.u32 v3, $0x1  }
0x1e: {  	v3 =	vand.u32 $0x7, v3;
	v4 =	vand.u32 $0xFFFFFFF0, v4  }
0x1f: {  	v3 =	vor.u32 v3, v4  }
0x20: {  	v4 =	vperm.xlane v3, v0;
	_ =	sdelay $0x1  }
0x21: {  	v3 =	vperm.xlane v3, v2;
	v4 =	vadd.s32 v1, v4;
	_ =	sdelay $0x1  }
0x22: {  	v3 =	vadd.s32 v1, v3;
	_ =	sdelay $0x2  }
0x23: {  	[tilespmem:s6], [sflag:$0x1] =	stream.indirect_vreg.gather [hbm4b:s2+s3], $0x80, v4, vm0, $0xb8;
	[tilespmem:$0x10100] =	vst v63  }
0x24: {  	s7 =	rddreg [dreg:$0x5]  }
0x25: {  	[tilespmem:s7], [sflag:$0x1] =	stream.indirect_vreg.gather [hbm4b:s2+s3], $0x80, v3, vm0, $0xb8;
	[tilespmem:$0x10100] =	vst v63  }
0x26: {  	v3 =	vld [tilespmem:$0x10];
	_ =	sdelay $0x4  }
0x27: {  	v49 =	vshll.u32 v3, $0x1  }
0x28: {  	v3 =	vand.u32 $0x7, v3;
	v4 =	vand.u32 $0xFFFFFFF0, v49  }
0x29: {  	v3 =	vor.u32 v3, v4  }
0x2a: {  	v4 =	vperm.xlane v3, v0;
	_ =	sdelay $0x1  }
0x2b: {  	v3 =	vperm.xlane v3, v2;
	v4 =	vadd.s32 v1, v4;
	_ =	sdelay $0x1  }
0x2c: {  	v3 =	vadd.s32 v1, v3;
	_ =	sdelay $0x1  }
0x2d: {  	s0 =	rddreg [dreg:$0x6]  }
0x2e: {  	[tilespmem:s0], [sflag:$0x1] =	stream.indirect_vreg.gather [hbm4b:s2+s3], $0x80, v4, vm0, $0xb8;
	[tilespmem:$0x10100] =	vst v63  }
0x2f: {  	s7 =	rddreg [dreg:$0x7]  }
0x30: {  	[tilespmem:s7], [sflag:$0x1] =	stream.indirect_vreg.gather [hbm4b:s2+s3], $0x80, v3, vm0, $0xb8;
	[tilespmem:$0x10100] =	vst v63  }
0x31: {  	v3 =	vld [tilespmem:$0x20];
	_ =	sdelay $0x4  }
0x32: {  	v50 =	vshll.u32 v3, $0x1  }
0x33: {  	v3 =	vand.u32 $0x7, v3;
	v4 =	vand.u32 $0xFFFFFFF0, v50  }
0x34: {  	v3 =	vor.u32 v3, v4  }
0x35: {  	v4 =	vperm.xlane v3, v0;
	_ =	sdelay $0x1  }
0x36: {  	v3 =	vperm.xlane v3, v2;
	v4 =	vadd.s32 v1, v4;
	_ =	sdelay $0x1  }
0x37: {  	v3 =	vadd.s32 v1, v3;
	_ =	sdelay $0x1  }
0x38: {  	s0 =	rddreg [dreg:$0x8]  }
0x39: {  	[tilespmem:s0], [sflag:$0x1] =	stream.indirect_vreg.gather [hbm4b:s2+s3], $0x80, v4, vm0, $0xb8;
	[tilespmem:$0x10100] =	vst v63  }
0x3a: {  	s7 =	rddreg [dreg:$0x9]  }
0x3b: {  	[tilespmem:s7], [sflag:$0x1] =	stream.indirect_vreg.gather [hbm4b:s2+s3], $0x80, v3, vm0, $0xb8;
	[tilespmem:$0x10100] =	vst v63  }
0x3c: {  	v3 =	vld [tilespmem:$0x30];
	_ =	sdelay $0x4  }
0x3d: {  	v51 =	vshll.u32 v3, $0x1  }
0x3e: {  	v3 =	vand.u32 $0x7, v3;
	v4 =	vand.u32 $0xFFFFFFF0, v51  }
0x3f: {  	v3 =	vor.u32 v3, v4  }
0x40: {  	v4 =	vperm.xlane v3, v0;
	_ =	sdelay $0x1  }
0x41: {  	v3 =	vperm.xlane v3, v2;
	v4 =	vadd.s32 v1, v4;
	_ =	sdelay $0x1  }
0x42: {  	v3 =	vadd.s32 v1, v3;
	_ =	sdelay $0x1  }
0x43: {  	s0 =	rddreg [dreg:$0xa]  }
0x44: {  	[tilespmem:s0], [sflag:$0x1] =	stream.indirect_vreg.gather [hbm4b:s2+s3], $0x80, v4, vm0, $0xb8;
	[tilespmem:$0x10100] =	vst v63  }
0x45: {  	s7 =	rddreg [dreg:$0xb]  }
0x46: {  	[tilespmem:s7], [sflag:$0x1] =	stream.indirect_vreg.gather [hbm4b:s2+s3], $0x80, v3, vm0, $0xb8;
	[tilespmem:$0x10100] =	vst v63  }
0x47: {  	v3 =	vld [tilespmem:$0x40];
	_ =	sdelay $0x4  }
0x48: {  	v52 =	vshll.u32 v3, $0x1  }
0x49: {  	v3 =	vand.u32 $0x7, v3;
	v4 =	vand.u32 $0xFFFFFFF0, v52  }
0x4a: {  	v3 =	vor.u32 v3, v4  }
0x4b: {  	v4 =	vperm.xlane v3, v0;
	_ =	sdelay $0x1  }
0x4c: {  	v3 =	vperm.xlane v3, v2;
	v4 =	vadd.s32 v1, v4;
	_ =	sdelay $0x1  }
0x4d: {  	v3 =	vadd.s32 v1, v3;
	_ =	sdelay $0x1  }
0x4e: {  	s7 =	rddreg [dreg:$0xc]  }
0x4f: {  	[tilespmem:s7], [sflag:$0x1] =	stream.indirect_vreg.gather [hbm4b:s2+s3], $0x80, v4, vm0, $0xb8;
	[tilespmem:$0x10100] =	vst v63  }
0x50: {  	s7 =	simm.s32 $0x4900  }
0x51: {  	[tilespmem:s7], [sflag:$0x1] =	stream.indirect_vreg.gather [hbm4b:s2+s3], $0x80, v3, vm0, $0xb8;
	[tilespmem:$0x10100] =	vst v63  }
0x52: {  	v3 =	vld [tilespmem:$0x50];
	_ =	sdelay $0x4  }
0x53: {  	v53 =	vshll.u32 v3, $0x1  }
0x54: {  	v3 =	vand.u32 $0x7, v3;
	v4 =	vand.u32 $0xFFFFFFF0, v53  }
0x55: {  	v3 =	vor.u32 v3, v4  }
0x56: {  	v4 =	vperm.xlane v3, v0;
	_ =	sdelay $0x1  }
0x57: {  	v3 =	vperm.xlane v3, v2;
	v4 =	vadd.s32 v1, v4;
	_ =	sdelay $0x1  }
0x58: {  	v3 =	vadd.s32 v1, v3;
	_ =	sdelay $0x2  }
0x59: {  	[tilespmem:s8], [sflag:$0x1] =	stream.indirect_vreg.gather [hbm4b:s2+s3], $0x80, v4, vm0, $0xb8;
	[tilespmem:$0x10100] =	vst v63  }
0x5a: {  	_ = 	snop  }
0x5b: {  	[tilespmem:s9], [sflag:$0x1] =	stream.indirect_vreg.gather [hbm4b:s2+s3], $0x80, v3, vm0, $0xb8;
	[tilespmem:$0x10100] =	vst v63  }
0x5c: {  	v3 =	vld [tilespmem:$0x60];
	_ =	sdelay $0x4  }
0x5d: {  	v54 =	vshll.u32 v3, $0x1  }
0x5e: {  	v3 =	vand.u32 $0x7, v3;
	v4 =	vand.u32 $0xFFFFFFF0, v54  }
0x5f: {  	v3 =	vor.u32 v3, v4  }
0x60: {  	v4 =	vperm.xlane v3, v0;
	_ =	sdelay $0x1  }
0x61: {  	v3 =	vperm.xlane v3, v2;
	v4 =	vadd.s32 v1, v4;
	_ =	sdelay $0x1  }
0x62: {  	v3 =	vadd.s32 v1, v3;
	_ =	sdelay $0x2  }
0x63: {  	[tilespmem:s10], [sflag:$0x1] =	stream.indirect_vreg.gather [hbm4b:s2+s3], $0x80, v4, vm0, $0xb8;
	[tilespmem:$0x10100] =	vst v63  }
0x64: {  	_ = 	snop  }
0x65: {  	[tilespmem:s11], [sflag:$0x1] =	stream.indirect_vreg.gather [hbm4b:s2+s3], $0x80, v3, vm0, $0xb8;
	[tilespmem:$0x10100] =	vst v63  }
0x66: {  	v3 =	vld [tilespmem:$0x70];
	_ =	sdelay $0x4  }
0x67: {  	v55 =	vshll.u32 v3, $0x1  }
0x68: {  	v3 =	vand.u32 $0x7, v3;
	v4 =	vand.u32 $0xFFFFFFF0, v55  }
0x69: {  	v3 =	vor.u32 v3, v4  }
0x6a: {  	v4 =	vperm.xlane v3, v0;
	_ =	sdelay $0x1  }
0x6b: {  	v3 =	vperm.xlane v3, v2;
	v4 =	vadd.s32 v1, v4;
	_ =	sdelay $0x1  }
0x6c: {  	v3 =	vadd.s32 v1, v3;
	_ =	sdelay $0x2  }
0x6d: {  	[tilespmem:s12], [sflag:$0x1] =	stream.indirect_vreg.gather [hbm4b:s2+s3], $0x80, v4, vm0, $0xb8;
	[tilespmem:$0x10100] =	vst v63  }
0x6e: {  	_ = 	snop  }
0x6f: {  	[tilespmem:s13], [sflag:$0x1] =	stream.indirect_vreg.gather [hbm4b:s2+s3], $0x80, v3, vm0, $0xb8;
	[tilespmem:$0x10100] =	vst v63  }
0x70: {  	v3 =	vld [tilespmem:$0x80];
	_ =	sdelay $0x4  }
0x71: {  	v56 =	vshll.u32 v3, $0x1  }
0x72: {  	v3 =	vand.u32 $0x7, v3;
	v4 =	vand.u32 $0xFFFFFFF0, v56  }
0x73: {  	v3 =	vor.u32 v3, v4  }
0x74: {  	v4 =	vperm.xlane v3, v0;
	_ =	sdelay $0x1  }
0x75: {  	v3 =	vperm.xlane v3, v2;
	v4 =	vadd.s32 v1, v4;
	_ =	sdelay $0x1  }
0x76: {  	v3 =	vadd.s32 v1, v3;
	_ =	sdelay $0x2  }
0x77: {  	[tilespmem:s14], [sflag:$0x1] =	stream.indirect_vreg.gather [hbm4b:s2+s3], $0x80, v4, vm0, $0xb8;
	[tilespmem:$0x10100] =	vst v63  }
0x78: {  	_ = 	snop  }
0x79: {  	[tilespmem:s15], [sflag:$0x1] =	stream.indirect_vreg.gather [hbm4b:s2+s3], $0x80, v3, vm0, $0xb8;
	[tilespmem:$0x10100] =	vst v63  }
0x7a: {  	v3 =	vld [tilespmem:$0x90];
	_ =	sdelay $0x4  }
0x7b: {  	v57 =	vshll.u32 v3, $0x1  }
0x7c: {  	v3 =	vand.u32 $0x7, v3;
	v4 =	vand.u32 $0xFFFFFFF0, v57  }
0x7d: {  	v3 =	vor.u32 v3, v4  }
0x7e: {  	v4 =	vperm.xlane v3, v0;
	_ =	sdelay $0x1  }
0x7f: {  	v3 =	vperm.xlane v3, v2;
	v4 =	vadd.s32 v1, v4;
	_ =	sdelay $0x1  }
0x80: {  	v3 =	vadd.s32 v1, v3;
	_ =	sdelay $0x2  }
0x81: {  	[tilespmem:s16], [sflag:$0x1] =	stream.indirect_vreg.gather [hbm4b:s2+s3], $0x80, v4, vm0, $0xb8;
	[tilespmem:$0x10100] =	vst v63  }
0x82: {  	_ = 	snop  }
0x83: {  	[tilespmem:s17], [sflag:$0x1] =	stream.indirect_vreg.gather [hbm4b:s2+s3], $0x80, v3, vm0, $0xb8;
	[tilespmem:$0x10100] =	vst v63  }
0x84: {  	v3 =	vld [tilespmem:$0xA0];
	_ =	sdelay $0x4  }
0x85: {  	v58 =	vshll.u32 v3, $0x1  }
0x86: {  	v3 =	vand.u32 $0x7, v3;
	v4 =	vand.u32 $0xFFFFFFF0, v58  }
0x87: {  	v3 =	vor.u32 v3, v4  }
0x88: {  	v4 =	vperm.xlane v3, v0;
	_ =	sdelay $0x1  }
0x89: {  	v3 =	vperm.xlane v3, v2;
	v4 =	vadd.s32 v1, v4;
	_ =	sdelay $0x1  }
0x8a: {  	v3 =	vadd.s32 v1, v3;
	_ =	sdelay $0x2  }
0x8b: {  	[tilespmem:s18], [sflag:$0x1] =	stream.indirect_vreg.gather [hbm4b:s2+s3], $0x80, v4, vm0, $0xb8;
	[tilespmem:$0x10100] =	vst v63  }
0x8c: {  	_ = 	snop  }
0x8d: {  	[tilespmem:s19], [sflag:$0x1] =	stream.indirect_vreg.gather [hbm4b:s2+s3], $0x80, v3, vm0, $0xb8;
	[tilespmem:$0x10100] =	vst v63  }
0x8e: {  	v3 =	vld [tilespmem:$0xB0];
	_ =	sdelay $0x4  }
0x8f: {  	v59 =	vshll.u32 v3, $0x1  }
0x90: {  	v3 =	vand.u32 $0x7, v3;
	v4 =	vand.u32 $0xFFFFFFF0, v59  }
0x91: {  	v3 =	vor.u32 v3, v4  }
0x92: {  	v4 =	vperm.xlane v3, v0;
	_ =	sdelay $0x1  }
0x93: {  	v3 =	vperm.xlane v3, v2;
	v4 =	vadd.s32 v1, v4;
	_ =	sdelay $0x1  }
0x94: {  	v3 =	vadd.s32 v1, v3;
	_ =	sdelay $0x2  }
0x95: {  	[tilespmem:s20], [sflag:$0x1] =	stream.indirect_vreg.gather [hbm4b:s2+s3], $0x80, v4, vm0, $0xb8;
	[tilespmem:$0x10100] =	vst v63  }
0x96: {  	_ = 	snop  }
0x97: {  	[tilespmem:s21], [sflag:$0x1] =	stream.indirect_vreg.gather [hbm4b:s2+s3], $0x80, v3, vm0, $0xb8;
	[tilespmem:$0x10100] =	vst v63  }
0x98: {  	v3 =	vld [tilespmem:$0xC0];
	_ =	sdelay $0x4  }
0x99: {  	v60 =	vshll.u32 v3, $0x1  }
0x9a: {  	v3 =	vand.u32 $0x7, v3;
	v4 =	vand.u32 $0xFFFFFFF0, v60  }
0x9b: {  	v3 =	vor.u32 v3, v4  }
0x9c: {  	v4 =	vperm.xlane v3, v0;
	_ =	sdelay $0x1  }
0x9d: {  	v3 =	vperm.xlane v3, v2;
	v4 =	vadd.s32 v1, v4;
	_ =	sdelay $0x1  }
0x9e: {  	v3 =	vadd.s32 v1, v3;
	_ =	sdelay $0x2  }
0x9f: {  	[tilespmem:s22], [sflag:$0x1] =	stream.indirect_vreg.gather [hbm4b:s2+s3], $0x80, v4, vm0, $0xb8;
	[tilespmem:$0x10100] =	vst v63  }
0xa0: {  	_ = 	snop  }
0xa1: {  	[tilespmem:s23], [sflag:$0x1] =	stream.indirect_vreg.gather [hbm4b:s2+s3], $0x80, v3, vm0, $0xb8;
	[tilespmem:$0x10100] =	vst v63  }
0xa2: {  	v3 =	vld [tilespmem:$0xD0];
	_ =	sdelay $0x4  }
0xa3: {  	v61 =	vshll.u32 v3, $0x1  }
0xa4: {  	v3 =	vand.u32 $0x7, v3;
	v4 =	vand.u32 $0xFFFFFFF0, v61  }
0xa5: {  	v3 =	vor.u32 v3, v4  }
0xa6: {  	v4 =	vperm.xlane v3, v0;
	_ =	sdelay $0x1  }
0xa7: {  	v3 =	vperm.xlane v3, v2;
	v4 =	vadd.s32 v1, v4;
	_ =	sdelay $0x1  }
0xa8: {  	v3 =	vadd.s32 v1, v3;
	_ =	sdelay $0x2  }
0xa9: {  	[tilespmem:s24], [sflag:$0x1] =	stream.indirect_vreg.gather [hbm4b:s2+s3], $0x80, v4, vm0, $0xb8;
	[tilespmem:$0x10100] =	vst v63  }
0xaa: {  	_ = 	snop  }
0xab: {  	[tilespmem:s25], [sflag:$0x1] =	stream.indirect_vreg.gather [hbm4b:s2+s3], $0x80, v3, vm0, $0xb8;
	[tilespmem:$0x10100] =	vst v63  }
0xac: {  	v3 =	vld [tilespmem:$0xE0];
	_ =	sdelay $0x4  }
0xad: {  	v62 =	vshll.u32 v3, $0x1  }
0xae: {  	v3 =	vand.u32 $0x7, v3;
	v4 =	vand.u32 $0xFFFFFFF0, v62  }
0xaf: {  	v3 =	vor.u32 v3, v4  }
0xb0: {  	v4 =	vperm.xlane v3, v0;
	_ =	sdelay $0x1  }
0xb1: {  	v3 =	vperm.xlane v3, v2;
	v4 =	vadd.s32 v1, v4;
	_ =	sdelay $0x1  }
0xb2: {  	v3 =	vadd.s32 v1, v3;
	_ =	sdelay $0x2  }
0xb3: {  	[tilespmem:s26], [sflag:$0x1] =	stream.indirect_vreg.gather [hbm4b:s2+s3], $0x80, v4, vm0, $0xb8;
	[tilespmem:$0x10100] =	vst v63  }
0xb4: {  	_ = 	snop  }
0xb5: {  	[tilespmem:s28], [sflag:$0x1] =	stream.indirect_vreg.gather [hbm4b:s2+s3], $0x80, v3, vm0, $0xb8;
	[tilespmem:$0x10100] =	vst v63  }
0xb6: {  	v3 =	vld [tilespmem:$0xF0];
	_ =	sdelay $0x4  }
0xb7: {  	v63 =	vshll.u32 v3, $0x1  }
0xb8: {  	v3 =	vand.u32 $0x7, v3;
	v4 =	vand.u32 $0xFFFFFFF0, v63  }
0xb9: {  	v3 =	vor.u32 v3, v4  }
0xba: {  	v4 =	vperm.xlane v3, v0;
	_ =	sdelay $0x1  }
0xbb: {  	v3 =	vperm.xlane v3, v2;
	v4 =	vadd.s32 v1, v4;
	_ =	sdelay $0x1  }
0xbc: {  	v3 =	vadd.s32 v1, v3;
	_ =	sdelay $0x2  }
0xbd: {  	[tilespmem:s29], [sflag:$0x1] =	stream.indirect_vreg.gather [hbm4b:s2+s3], $0x80, v4, vm0, $0xb8;
	[tilespmem:$0x10100] =	vst v63  }
0xbe: {  	_ = 	snop  }
0xbf: {  	[tilespmem:s30], [sflag:$0x1] =	stream.indirect_vreg.gather [hbm4b:s2+s3], $0x80, v3, vm0, $0xb8;
	[tilespmem:$0x10100] =	vst v63  }
0xc0: {  	_ =	swait.ge [sflag:s31], $0x10000  }
0xc1: {  	p0 =	sne.s32 s4, $0x1;
	[sflag:s31] =	ssyncset.done $0x0  }
.Ltmp0:
0xc2: {  	s7 =	rddreg [dreg:$0x4];
	[sflag:s31] =	ssyncadd.s32 $0xFFFF0000;
	(pc) =	sbr.rel @p0 .LBB2_1-.Ltmp0, $4  }
0xc3: {  	[hbm4b:s7+s3] =	stream.linear.scatter [tilespmem:s6], [sflag:$0x2], $0x10000, $0x38;
	[tilespmem:$0x10100] =	vst v63  }
0xc4: {  	_ =	swait.ge [sflag:s1], $0x10000  }
0xc5: {  	[sflag:s1] =	ssyncset.done $0x0  }
0xc6: {  	s4 =	sadd.s32 $0xFFFFFFFF, s4;
	[sflag:s1] =	ssyncadd.s32 $0xFFFF0000  }
0xc7: {  	_ =	sfence.sel $0x180000  }
0xc8: {  	[bflag:$0x0] =	sbarrier.arrive $0xFFFF  }
0xc9: {  	_ =	strace $0x90000050  }
0xca: {  	s0 =	stileid.u32;
	[bflag:$0x2] =	sbarrier.arrive $0xFFFF  }
0xcb: {  	p0 =	sne.s32 s0, $0x0;
	s0 =	rddreg [dreg:$0x2]  }
0xcc: {  	s0 =	sadd.s32 @!p0 $0x100000, s0  }
0xcd: {  	[sflag:s0] =	ssyncadd.tile.s32 @!p0 $0x1;
	_ =	shalt  }
.Lfunc_end2:
_tile_overlayer_lowered:
.L_overlay_start_2:
0xce: {  	(tag) =	ssettag $0x2  }
0xcf: {  	s0 =	rddreg [dreg:$0x0];
	s2 =	stileid.u32  }
0xd0: {  	s1 =	rddreg [dreg:$0x1];
	p0 =	sne.s32 s2, $0x0  }
0xd1: {  	s3 =	rddreg [dreg:$0x2];
	[bflag:$0x3] =	sbarrier.arrive $0xFFFF;
	s2 =	simm.s32 @!p0 $0x1C03  }
0xd2: {  	[timem:s3], [sflag:s2] =	dma.local @!p0 [hbm:s0], s1  }
0xd3: {  	s0 =	simm.s32 @!p0 $0x3  }
0xd4: {  	_ =	swait.ge @!p0 [sflag:s0], s1  }
0xd5: {  	s1 =	ssub.s32 @!p0 $0x0, s1;
	[sflag:s0] =	ssyncset.done @!p0 $0x0  }
0xd6: {  	[sflag:s0] =	ssyncadd.s32 @!p0 s1  }
0xd7: {  	[bflag:$0x3] =	sbarrier.arrive $0xFFFF  }
0xd8: {  	_ =	shalt  }

</sc_bundles>
